<compile_context>
chip_gen: v7x
topology: tpu7x:2x2x1
jax: 0.10.2.dev20260603
libtpu: 0.0.44.dev20260713+nightly
codegen_flags: <defaults>
</compile_context>

<pallas_src>
import functools

import jax
import jax.numpy as jnp
from jax import lax
from jax.experimental import pallas as pl
from jax.experimental.pallas import tpu as pltpu
from jax.experimental.pallas import tpu_sc as plsc

N = 10000
NPAD = 10240
E = 160000
EP = 163840
DIN = 256
DOUT = 128
AUG = 80
DUMMY = N

_MESH = dict(core_axis_name="c", subcore_axis_name="s", num_cores=2,
             num_subcores=16)

F32 = jnp.float32
I32 = jnp.int32


def _deg_body(dst_hbm, w_hbm, out_hbm, tab, dstv, wv, rows, sem):
    del sem
    cid = lax.axis_index("c")
    sid = lax.axis_index("s")

    def zero(i, c):
        rows[i, :] = jnp.zeros((16,), F32)
        return c
    lax.fori_loop(0, 1024, zero, 0)
    pltpu.sync_copy(rows.at[pl.ds(0, 512), :], tab.at[pl.ds(sid * 640, 512), :])
    pltpu.sync_copy(rows.at[pl.ds(0, 128), :],
                    tab.at[pl.ds(sid * 640 + 512, 128), :])
    plsc.subcore_barrier()

    base_row = cid * (EP // 2 // 128) + sid * (EP // 32 // 128)
    lane0 = jnp.where(lax.broadcasted_iota(I32, (16,), 0) == 0,
                      jnp.float32(1.0), jnp.float32(0.0))

    def chunk(k, c):
        roff = base_row + k * 8
        pltpu.sync_copy(dst_hbm.at[pl.ds(roff, 8), :], dstv)
        for j in range(8):
            pltpu.sync_copy(w_hbm.at[roff + j], wv.at[pl.ds(j * 128, 128)])

        def put(e, c2):
            ws = wv[pl.ds(e, 16)][0]
            rows[e, :] = lane0 * ws
            return c2
        lax.fori_loop(0, 1024, put, 0)
        for j in range(8):
            pltpu.sync_copy(rows.at[pl.ds(j * 128, 128), :],
                            tab.at[dstv.at[j]], add=True)
        return c
    lax.fori_loop(0, 5, chunk, 0)
    plsc.subcore_barrier()
    pltpu.sync_copy(tab.at[pl.ds(sid * 640, 640), :],
                    out_hbm.at[cid, pl.ds(sid * 640, 640), :])


def _sc_deg(dst2, w2):
    f = pl.kernel(
        _deg_body,
        out_type=jax.ShapeDtypeStruct((2, NPAD, 16), F32),
        mesh=plsc.VectorSubcoreMesh(**_MESH),
        compiler_params=pltpu.CompilerParams(use_tc_tiling_on_sc=False),
        scratch_types=[
            pltpu.VMEM_SHARED((NPAD, 16), F32),
            pltpu.VMEM((8, 128), I32),
            pltpu.VMEM((1040,), F32),
            pltpu.VMEM((1024, 16), F32),
            pltpu.SemaphoreType.DMA,
        ],
    )
    return f(dst2, w2)


def _acc1_body(srcb_hbm, dst_hbm, w_hbm, g2_hbm, out_hbm,
               tab, srcv, dstv, wv, rows, sem):
    cid = lax.axis_index("c")
    sid = lax.axis_index("s")

    def zero(i, c):
        for j in range(8):
            rows[i, pl.ds(j * 16, 16)] = jnp.zeros((16,), F32)
        return c
    lax.fori_loop(0, 256, zero, 0)
    for q in range(2):
        pltpu.sync_copy(rows, tab.at[pl.ds(sid * 640 + q * 256, 256), :])
    pltpu.sync_copy(rows.at[pl.ds(0, 128), :],
                    tab.at[pl.ds(sid * 640 + 512, 128), :])
    plsc.subcore_barrier()

    base_row = sid * (EP // 16 // 128)

    def chunk(k, c):
        roff = base_row + k * 2
        pltpu.sync_copy(srcb_hbm.at[pl.ds(cid * (EP // 128) + roff, 2), :],
                        srcv)
        pltpu.sync_copy(dst_hbm.at[pl.ds(roff, 2), :], dstv)
        for j in range(2):
            pltpu.sync_copy(w_hbm.at[roff + j], wv.at[pl.ds(j * 128, 128)])
        cps = [pltpu.async_copy(g2_hbm.at[srcv.at[j]],
                                rows.at[pl.ds(j * 128, 128), :], sem)
               for j in range(2)]
        for cp in cps:
            cp.wait()

        def scale(e, c2):
            ws = wv[pl.ds(e, 16)][0]
            for j in range(8):
                sl = pl.ds(j * 16, 16)
                rows[e, sl] = rows[e, sl] * ws
            return c2
        lax.fori_loop(0, 256, scale, 0)
        for j in range(2):
            pltpu.sync_copy(rows.at[pl.ds(j * 128, 128), :],
                            tab.at[dstv.at[j]], add=True)
        return c
    lax.fori_loop(0, 40, chunk, 0)
    plsc.subcore_barrier()
    pltpu.sync_copy(tab.at[pl.ds(sid * 640, 640), :],
                    out_hbm.at[cid, pl.ds(sid * 640, 640), :])


def _sc_acc1(srcb2, dst2, w2, g2):
    f = pl.kernel(
        _acc1_body,
        out_type=jax.ShapeDtypeStruct((2, NPAD, 128), F32),
        mesh=plsc.VectorSubcoreMesh(**_MESH),
        compiler_params=pltpu.CompilerParams(use_tc_tiling_on_sc=False),
        scratch_types=[
            pltpu.VMEM_SHARED((NPAD, 128), F32),
            pltpu.VMEM((2, 128), I32),
            pltpu.VMEM((2, 128), I32),
            pltpu.VMEM((272,), F32),
            pltpu.VMEM((256, 128), F32),
            pltpu.SemaphoreType.DMA,
        ],
    )
    return f(srcb2, dst2, w2, g2)


def _acc2_body(srcb_hbm, dst_hbm, w_hbm, hgab_hbm, ad16_hbm, c_hbm, out_hbm,
               tab, srcv, dstv, wv, rows, adbuf, cbuf, sem):
    cid = lax.axis_index("c")
    sid = lax.axis_index("s")

    def zero(i, c):
        for j in range(5):
            rows[i, pl.ds(j * 16, 16)] = jnp.zeros((16,), F32)
        return c
    lax.fori_loop(0, 512, zero, 0)
    pltpu.sync_copy(rows.at[pl.ds(0, 512), :], tab.at[pl.ds(sid * 640, 512), :])
    pltpu.sync_copy(rows.at[pl.ds(0, 128), :],
                    tab.at[pl.ds(sid * 640 + 512, 128), :])
    pltpu.sync_copy(c_hbm, cbuf)
    plsc.subcore_barrier()

    cval = cbuf[0, pl.ds(0, 16)][0]
    base_row = sid * (EP // 16 // 128)

    def chunk(k, c):
        roff = base_row + k * 4
        pltpu.sync_copy(srcb_hbm.at[pl.ds(cid * (EP // 128) + roff, 4), :],
                        srcv)
        pltpu.sync_copy(dst_hbm.at[pl.ds(roff, 4), :], dstv)
        for j in range(4):
            pltpu.sync_copy(w_hbm.at[roff + j], wv.at[pl.ds(j * 128, 128)])
        cps = [pltpu.async_copy(hgab_hbm.at[srcv.at[j]],
                                rows.at[pl.ds(j * 128, 128), :], sem)
               for j in range(4)]
        cpa = [pltpu.async_copy(ad16_hbm.at[dstv.at[j]],
                                adbuf.at[pl.ds(j * 128, 128), :], sem)
               for j in range(4)]
        for cp in cps + cpa:
            cp.wait()

        def scale(e, c2):
            tail = rows[e, pl.ds(64, 16)]
            adrow = adbuf[e, :]
            wse = wv[pl.ds(e, 16)][0]
            l = tail[1] + adrow[0] + cval * wse
            l = jnp.where(l >= 0, l, 0.2 * l)
            pe = jnp.exp(jnp.full((16,), l, F32))
            for j in range(5):
                sl = pl.ds(j * 16, 16)
                rows[e, sl] = rows[e, sl] * pe
            return c2
        lax.fori_loop(0, 512, scale, 0)
        for j in range(4):
            pltpu.sync_copy(rows.at[pl.ds(j * 128, 128), :],
                            tab.at[dstv.at[j]], add=True)
        return c
    lax.fori_loop(0, 20, chunk, 0)
    plsc.subcore_barrier()
    pltpu.sync_copy(tab.at[pl.ds(sid * 640, 640), :],
                    out_hbm.at[cid, pl.ds(sid * 640, 640), :])


def _sc_acc2(srcb2, dst2, w2, hgab, ad16, cpad):
    f = pl.kernel(
        _acc2_body,
        out_type=jax.ShapeDtypeStruct((2, NPAD, AUG), F32),
        mesh=plsc.VectorSubcoreMesh(**_MESH),
        compiler_params=pltpu.CompilerParams(use_tc_tiling_on_sc=False),
        scratch_types=[
            pltpu.VMEM_SHARED((NPAD, AUG), F32),
            pltpu.VMEM((4, 128), I32),
            pltpu.VMEM((4, 128), I32),
            pltpu.VMEM((528,), F32),
            pltpu.VMEM((512, AUG), F32),
            pltpu.VMEM((512, 16), F32),
            pltpu.VMEM((8, 128), F32),
            pltpu.SemaphoreType.DMA,
        ],
    )
    return f(srcb2, dst2, w2, hgab, ad16, cpad)


def _tc1_body(emb_ref, w1_ref, deg_ref, out_ref):
    d = deg_ref[...]
    deg = d[0, :, 0] + d[1, :, 0] + 1.0
    dinv = lax.rsqrt(deg)
    h = jnp.dot(emb_ref[...], w1_ref[...], preferred_element_type=F32)
    g = h * dinv[:, None]
    out_ref[0] = g[:, :128]
    out_ref[1] = g[:, 128:]


def _tc1(emb_pad, W1, deg_tab):
    return pl.pallas_call(
        _tc1_body,
        grid=(20,),
        in_specs=[
            pl.BlockSpec((512, DIN), lambda i: (i, 0)),
            pl.BlockSpec((DIN, DIN), lambda i: (0, 0)),
            pl.BlockSpec((2, 512, 16), lambda i: (0, i, 0)),
        ],
        out_specs=pl.BlockSpec((2, 512, 128), lambda i: (0, i, 0)),
        out_shape=jax.ShapeDtypeStruct((2, NPAD, 128), F32),
    )(emb_pad, W1, deg_tab)


def _tc2_body(acc_ref, g_ref, deg_ref, b1_ref, w2_ref, as_ref, ad_ref,
              lin_ref, ae_ref, hga0_ref, hga1_ref, ad16_ref, c_ref):
    acc = acc_ref[...]
    g = g_ref[...]
    afull = jnp.concatenate([acc[0], acc[1]], axis=1)
    gfull = jnp.concatenate([g[0], g[1]], axis=1)
    d = deg_ref[...]
    deg = d[0, :, 0] + d[1, :, 0] + 1.0
    dinv = lax.rsqrt(deg)
    out1 = (afull + gfull) * dinv[:, None] + b1_ref[...]
    x2 = jnp.maximum(out1, 0.0)
    hg = jnp.dot(x2, w2_ref[...], preferred_element_type=F32)
    a_sc = lax.dot_general(hg, as_ref[...], (((1,), (1,)), ((), ())),
                           preferred_element_type=F32)
    a_dc = lax.dot_general(hg, ad_ref[...], (((1,), (1,)), ((), ())),
                           preferred_element_type=F32)
    ones = jnp.ones((512, 1), F32)
    zpad = jnp.zeros((512, AUG - 66), F32)
    hga0_ref[...] = jnp.concatenate([hg[:, :64], ones, a_sc, zpad], axis=1)
    hga1_ref[...] = jnp.concatenate([hg[:, 64:], ones, a_sc, zpad], axis=1)
    ad16_ref[...] = jnp.concatenate([a_dc, jnp.zeros((512, 15), F32)], axis=1)
    cv = jnp.sum(lin_ref[...] * ae_ref[...])
    c_ref[...] = jnp.full((8, 128), cv, F32)


def _tc2(acc1, g2v, deg_tab, b1, W2, att_src, att_dst, lin_edge, att_edge):
    return pl.pallas_call(
        _tc2_body,
        grid=(20,),
        in_specs=[
            pl.BlockSpec((2, 512, 128), lambda i: (0, i, 0)),
            pl.BlockSpec((2, 512, 128), lambda i: (0, i, 0)),
            pl.BlockSpec((2, 512, 16), lambda i: (0, i, 0)),
            pl.BlockSpec((1, DIN), lambda i: (0, 0)),
            pl.BlockSpec((DIN, DOUT), lambda i: (0, 0)),
            pl.BlockSpec((1, DOUT), lambda i: (0, 0)),
            pl.BlockSpec((1, DOUT), lambda i: (0, 0)),
            pl.BlockSpec((1, DOUT), lambda i: (0, 0)),
            pl.BlockSpec((1, DOUT), lambda i: (0, 0)),
        ],
        out_specs=[
            pl.BlockSpec((512, AUG), lambda i: (i, 0)),
            pl.BlockSpec((512, AUG), lambda i: (i, 0)),
            pl.BlockSpec((512, 16), lambda i: (i, 0)),
            pl.BlockSpec((8, 128), lambda i: (0, 0)),
        ],
        out_shape=[
            jax.ShapeDtypeStruct((NPAD, AUG), F32),
            jax.ShapeDtypeStruct((NPAD, AUG), F32),
            jax.ShapeDtypeStruct((NPAD, 16), F32),
            jax.ShapeDtypeStruct((8, 128), F32),
        ],
    )(acc1, g2v, deg_tab, b1, W2, att_src, att_dst, lin_edge, att_edge)


def _tc3_body(acc2_ref, hga0_ref, hga1_ref, ad16_ref, c_ref, b2_ref, out_ref):
    a = acc2_ref[...]
    S = jnp.concatenate([a[0, :N, :64], a[1, :N, :64]], axis=1)
    den_r = a[0, :N, 64]
    h0 = hga0_ref[...]
    h1 = hga1_ref[...]
    hg = jnp.concatenate([h0[:N, :64], h1[:N, :64]], axis=1)
    cv = c_ref[0, 0]
    ll = h0[:N, 65] + ad16_ref[...][:N, 0] + cv
    ll = jnp.where(ll >= 0, ll, 0.2 * ll)
    p_loop = jnp.exp(ll)
    num = S + p_loop[:, None] * hg
    den = den_r + p_loop + 1e-16
    out2 = num / den[:, None] + b2_ref[...]
    m = jnp.max(out2, axis=0)
    ex = jnp.exp(out2 - m[None, :])
    ssum = jnp.sum(ex, axis=0)
    out_ref[...] = ex / ssum[None, :]


def _tc3(acc2, hga0, hga1, ad16, cpad, b2):
    return pl.pallas_call(
        _tc3_body,
        in_specs=[
            pl.BlockSpec((2, NPAD, AUG), lambda: (0, 0, 0)),
            pl.BlockSpec((NPAD, AUG), lambda: (0, 0)),
            pl.BlockSpec((NPAD, AUG), lambda: (0, 0)),
            pl.BlockSpec((NPAD, 16), lambda: (0, 0)),
            pl.BlockSpec((8, 128), lambda: (0, 0)),
            pl.BlockSpec((1, DOUT), lambda: (0, 0)),
        ],
        out_specs=pl.BlockSpec((N, DOUT), lambda: (0, 0)),
        out_shape=jax.ShapeDtypeStruct((N, DOUT), F32),
        compiler_params=pltpu.CompilerParams(
            vmem_limit_bytes=100 * 1024 * 1024),
    )(acc2, hga0, hga1, ad16, cpad, b2)


def kernel(nodes, edge_index, edge_weight, emb, W1, b1, W2, att_src, att_dst,
           lin_edge, att_edge, b2):
    del nodes
    src = edge_index[0].astype(I32)
    dst = edge_index[1].astype(I32)
    w = edge_weight.astype(F32)

    padn = EP - E
    srcp = jnp.concatenate([src, jnp.zeros((padn,), I32)])
    dstp = jnp.concatenate([dst, jnp.full((padn,), DUMMY, I32)])
    wp = jnp.concatenate([w, jnp.zeros((padn,), F32)])
    src2 = srcp.reshape(EP // 128, 128)
    dst2 = dstp.reshape(EP // 128, 128)
    w2 = wp.reshape(EP // 128, 128)
    srcb2 = jnp.concatenate([srcp, srcp + NPAD]).reshape(2 * EP // 128, 128)

    emb_pad = jnp.pad(emb, ((0, NPAD - N), (0, 0)))

    deg_tab = _sc_deg(dst2, w2)
    g2v = _tc1(emb_pad, W1, deg_tab)
    g2flat = g2v.reshape(2 * NPAD, 128)
    acc1 = _sc_acc1(srcb2, dst2, w2, g2flat)
    hga0, hga1, ad16, cpad = _tc2(acc1, g2v, deg_tab, b1[None, :], W2,
                                  att_src[None, :], att_dst[None, :],
                                  lin_edge, att_edge[None, :])
    hgab = jnp.concatenate([hga0, hga1])
    acc2 = _sc_acc2(srcb2, dst2, w2, hgab, ad16, cpad)
    return _tc3(acc2, hga0, hga1, ad16, cpad, b2[None, :])

# --- scband reference (transcript-rebuilt; emitter-appended) ---
"""Pipeline reference for scband-recommender-system-69930657513845 (READ-ONLY COPY).

The authoritative reference and input builder live on the scoring server;
editing this copy changes nothing except your own understanding.
"""

import jax, jax.numpy as jnp
import numpy as np

N = 10000
E = 160000
D_IN = 256
D_HID = 256
D_OUT = 128


def setup_inputs(seed: int = 0) -> dict:
    key = jax.random.key(seed)
    ks = jax.random.split(key, 12)
    nodes = jnp.arange(N)
    edge_index = jax.random.randint(ks[0], (2, E), 0, N)
    edge_weight = jax.random.uniform(ks[1], (E,), dtype=jnp.float32)
    emb = jax.random.normal(ks[2], (N, D_IN), dtype=jnp.float32) * 0.1
    W1 = jax.random.normal(ks[3], (D_IN, D_HID), dtype=jnp.float32) * (1.0 / np.sqrt(D_IN))
    b1 = jnp.zeros((D_HID,), dtype=jnp.float32)
    W2 = jax.random.normal(ks[4], (D_HID, D_OUT), dtype=jnp.float32) * (1.0 / np.sqrt(D_HID))
    att_src = jax.random.normal(ks[5], (D_OUT,), dtype=jnp.float32) * 0.1
    att_dst = jax.random.normal(ks[6], (D_OUT,), dtype=jnp.float32) * 0.1
    lin_edge = jax.random.normal(ks[7], (1, D_OUT), dtype=jnp.float32) * 0.1
    att_edge = jax.random.normal(ks[8], (D_OUT,), dtype=jnp.float32) * 0.1
    b2 = jnp.zeros((D_OUT,), dtype=jnp.float32)
    return {"nodes": nodes, "edge_index": edge_index, "edge_weight": edge_weight,
            "emb": emb, "W1": W1, "b1": b1, "W2": W2, "att_src": att_src,
            "att_dst": att_dst, "lin_edge": lin_edge, "att_edge": att_edge, "b2": b2}


def _leaky_relu(x, slope=0.2):
    return jnp.where(x >= 0, x, slope * x)


def reference(nodes, edge_index, edge_weight, emb, W1, b1, W2, att_src, att_dst, lin_edge, att_edge, b2):
    n = emb.shape[0]
    x = jnp.take(emb, nodes, axis=0)  # embedding lookup
    src = edge_index[0]
    dst = edge_index[1]
    loop = jnp.arange(n)
    src_f = jnp.concatenate([src, loop])
    dst_f = jnp.concatenate([dst, loop])
    w_f = jnp.concatenate([edge_weight, jnp.ones((n,), dtype=edge_weight.dtype)])

    # ---- GCNConv(in=256, hid=256) with edge weights + self loops ----
    deg = jax.ops.segment_sum(w_f, dst_f, num_segments=n)
    dinv = jnp.where(deg > 0, deg ** -0.5, 0.0)
    norm = dinv[src_f] * w_f * dinv[dst_f]
    h = x @ W1
    msg = norm[:, None] * jnp.take(h, src_f, axis=0)
    out1 = jax.ops.segment_sum(msg, dst_f, num_segments=n) + b1
    x = jax.nn.relu(out1)
    # F.dropout in eval mode -> identity

    # ---- GATConv(hid=256, out=128), heads=1, edge_dim=1, self loops ----
    hg = x @ W2  # [n, D_OUT]
    a_s = hg @ att_src  # [n]
    a_d = hg @ att_dst  # [n]
    e_feat = w_f[:, None] @ lin_edge  # [E+n, D_OUT]
    a_e = e_feat @ att_edge  # [E+n]
    alpha = _leaky_relu(a_s[src_f] + a_d[dst_f] + a_e)
    # segment softmax over destination nodes
    amax = jax.ops.segment_max(alpha, dst_f, num_segments=n)
    alpha = jnp.exp(alpha - amax[dst_f])
    denom = jax.ops.segment_sum(alpha, dst_f, num_segments=n)
    alpha = alpha / (denom[dst_f] + 1e-16)
    out2 = jax.ops.segment_sum(alpha[:, None] * jnp.take(hg, src_f, axis=0), dst_f, num_segments=n) + b2

    # F.softmax(x, dim=0) across nodes
    return jax.nn.softmax(out2, axis=0)

if __name__ == "__main__":
    import jax
    _d = setup_inputs()
    print(jax.jit(kernel)(*tuple(_d.values())))

</pallas_src>

<mosaic_0001>
#map = affine_map<(d0, d1) -> (0, 0)>
#map1 = affine_map<(d0, d1) -> (0, 0, 0)>
module attributes {stable_mosaic.version = 14 : i64} {
  func.func @_acc2_body(%arg0: i32, %arg1: i32, %arg2: memref<2560x128xi32, #tpu.memory_space<hbm>>, %arg3: memref<1280x128xi32, #tpu.memory_space<hbm>>, %arg4: memref<1280x128xf32, #tpu.memory_space<hbm>>, %arg5: memref<20480x80xf32, #tpu.memory_space<hbm>>, %arg6: memref<10240x16xf32, #tpu.memory_space<hbm>>, %arg7: memref<8x128xf32, #tpu.memory_space<hbm>>, %arg8: memref<2x10240x80xf32, #tpu.memory_space<hbm>>, %arg9: memref<10240x80xf32, #tpu.memory_space<vmem_shared>>, %arg10: memref<4x128xi32, #tpu.memory_space<vmem>>, %arg11: memref<4x128xi32, #tpu.memory_space<vmem>>, %arg12: memref<528xf32, #tpu.memory_space<vmem>>, %arg13: memref<512x80xf32, #tpu.memory_space<vmem>>, %arg14: memref<512x16xf32, #tpu.memory_space<vmem>>, %arg15: memref<8x128xf32, #tpu.memory_space<vmem>>, %arg16: memref<!tpu.dma_semaphore, #tpu.memory_space<semaphore_mem>>) attributes {dimension_semantics = [#tpu.dimension_semantics<core_parallel>, #tpu.dimension_semantics<subcore_parallel>], iteration_bounds = array<i64: 2, 16>, scalar_prefetch = 0 : i64, scratch_operands = 8 : i64, tpu.core_type = #tpu.core_type<sc_vector_subcore>, window_params = [{transform_indices = #map}, {transform_indices = #map}, {transform_indices = #map}, {transform_indices = #map}, {transform_indices = #map}, {transform_indices = #map}, {transform_indices = #map1}]} {
    %scan3A = arith.constant 0 : i32
    %scan3A_0 = arith.constant 0 : i32
    %scan3A_1 = arith.constant 512 : i32
    %scan3A_2 = arith.addi %scan3A_0, %scan3A_1 : i32
    %scan3A_3 = arith.constant 1 : i32
    scf.for %scan3A_26 = %scan3A_0 to %scan3A_2 step %scan3A_3  : i32 {
      %broadcast_in_dim3A = arith.constant 0.000000e+00 : f32
      %broadcast_in_dim3A_27 = vector.broadcast %broadcast_in_dim3A : f32 to vector<16xf32>
      %swap3A = arith.index_cast %scan3A_26 : i32 to index
      %swap3A_28 = arith.constant 0 : index
      %swap3A_29 = tpu.vector_load %arg13[%swap3A, %swap3A_28] {strides = array<i32>} : memref<512x80xf32, #tpu.memory_space<vmem>>, vector<1x16xf32>,
      %swap3A_30 = vector.shape_cast %swap3A_29 : vector<1x16xf32> to vector<16xf32>
      %swap3A_31 = vector.shape_cast %broadcast_in_dim3A_27 : vector<16xf32> to vector<1x16xf32>
      tpu.vector_store %arg13[%swap3A, %swap3A_28], %swap3A_31 {strides = array<i32>} : memref<512x80xf32, #tpu.memory_space<vmem>>, vector<1x16xf32>,
      %broadcast_in_dim3A_32 = arith.constant 0.000000e+00 : f32
      %broadcast_in_dim3A_33 = vector.broadcast %broadcast_in_dim3A_32 : f32 to vector<16xf32>
      %swap3A_34 = arith.index_cast %scan3A_26 : i32 to index
      %swap3A_35 = arith.constant 16 : index
      %swap3A_36 = tpu.vector_load %arg13[%swap3A_34, %swap3A_35] {strides = array<i32>} : memref<512x80xf32, #tpu.memory_space<vmem>>, vector<1x16xf32>,
      %swap3A_37 = vector.shape_cast %swap3A_36 : vector<1x16xf32> to vector<16xf32>
      %swap3A_38 = vector.shape_cast %broadcast_in_dim3A_33 : vector<16xf32> to vector<1x16xf32>
      tpu.vector_store %arg13[%swap3A_34, %swap3A_35], %swap3A_38 {strides = array<i32>} : memref<512x80xf32, #tpu.memory_space<vmem>>, vector<1x16xf32>,
      %broadcast_in_dim3A_39 = arith.constant 0.000000e+00 : f32
      %broadcast_in_dim3A_40 = vector.broadcast %broadcast_in_dim3A_39 : f32 to vector<16xf32>
      %swap3A_41 = arith.index_cast %scan3A_26 : i32 to index
      %swap3A_42 = arith.constant 32 : index
      %swap3A_43 = tpu.vector_load %arg13[%swap3A_41, %swap3A_42] {strides = array<i32>} : memref<512x80xf32, #tpu.memory_space<vmem>>, vector<1x16xf32>,
      %swap3A_44 = vector.shape_cast %swap3A_43 : vector<1x16xf32> to vector<16xf32>
      %swap3A_45 = vector.shape_cast %broadcast_in_dim3A_40 : vector<16xf32> to vector<1x16xf32>
      tpu.vector_store %arg13[%swap3A_41, %swap3A_42], %swap3A_45 {strides = array<i32>} : memref<512x80xf32, #tpu.memory_space<vmem>>, vector<1x16xf32>,
      %broadcast_in_dim3A_46 = arith.constant 0.000000e+00 : f32
      %broadcast_in_dim3A_47 = vector.broadcast %broadcast_in_dim3A_46 : f32 to vector<16xf32>
      %swap3A_48 = arith.index_cast %scan3A_26 : i32 to index
      %swap3A_49 = arith.constant 48 : index
      %swap3A_50 = tpu.vector_load %arg13[%swap3A_48, %swap3A_49] {strides = array<i32>} : memref<512x80xf32, #tpu.memory_space<vmem>>, vector<1x16xf32>,
      %swap3A_51 = vector.shape_cast %swap3A_50 : vector<1x16xf32> to vector<16xf32>
      %swap3A_52 = vector.shape_cast %broadcast_in_dim3A_47 : vector<16xf32> to vector<1x16xf32>
      tpu.vector_store %arg13[%swap3A_48, %swap3A_49], %swap3A_52 {strides = array<i32>} : memref<512x80xf32, #tpu.memory_space<vmem>>, vector<1x16xf32>,
      %broadcast_in_dim3A_53 = arith.constant 0.000000e+00 : f32
      %broadcast_in_dim3A_54 = vector.broadcast %broadcast_in_dim3A_53 : f32 to vector<16xf32>
      %swap3A_55 = arith.index_cast %scan3A_26 : i32 to index
      %swap3A_56 = arith.constant 64 : index
      %swap3A_57 = tpu.vector_load %arg13[%swap3A_55, %swap3A_56] {strides = array<i32>} : memref<512x80xf32, #tpu.memory_space<vmem>>, vector<1x16xf32>,
      %swap3A_58 = vector.shape_cast %swap3A_57 : vector<1x16xf32> to vector<16xf32>
      %swap3A_59 = vector.shape_cast %broadcast_in_dim3A_54 : vector<16xf32> to vector<1x16xf32>
      tpu.vector_store %arg13[%swap3A_55, %swap3A_56], %swap3A_59 {strides = array<i32>} : memref<512x80xf32, #tpu.memory_space<vmem>>, vector<1x16xf32>,
    }
    %scan3A_4 = arith.constant 512 : i32
    %mul3A = arith.constant 640 : i32
    %mul3A_5 = arith.muli %arg1, %mul3A : i32
    "tpu.region"() ({
      %run_scoped3A = tpu.sem_alloc : memref<!tpu.dma_semaphore, #tpu.memory_space<semaphore_mem>>
      %dma_start3A = arith.constant 0 : i32
      %dma_start3A_26 = arith.constant 0 : i32
      %dma_start3A_27 = tpu.memref_slice %arg13[%dma_start3A, %dma_start3A_26] : memref<512x80xf32, #tpu.memory_space<vmem>> -> memref<512x80xf32, #tpu.memory_space<vmem>>
      %dma_start3A_28 = arith.constant 0 : i32
      %dma_start3A_29 = tpu.memref_slice %arg9[%mul3A_5, %dma_start3A_28] : memref<10240x80xf32, #tpu.memory_space<vmem_shared>> -> memref<512x80xf32, #tpu.memory_space<vmem_shared>>
      %dma_start3A_30 = arith.constant 0 : i32
      %dma_start3A_31 = tpu.memref_slice %arg9[%mul3A_5, %dma_start3A_30] : memref<10240x80xf32, #tpu.memory_space<vmem_shared>> -> memref<512x80xf32, #tpu.memory_space<vmem_shared>>
      %dma_start3A_32 = arith.constant 0 : i32
      %dma_start3A_33 = arith.constant 0 : i32
      %dma_start3A_34 = tpu.memref_slice %arg13[%dma_start3A_32, %dma_start3A_33] : memref<512x80xf32, #tpu.memory_space<vmem>> -> memref<512x80xf32, #tpu.memory_space<vmem>>
      tpu.enqueue_dma source(%dma_start3A_34 : memref<512x80xf32, #tpu.memory_space<vmem>>) target(%dma_start3A_31 : memref<512x80xf32, #tpu.memory_space<vmem_shared>>) target_semaphore(%run_scoped3A : memref<!tpu.dma_semaphore, #tpu.memory_space<semaphore_mem>>)
      %dma_wait3A = arith.constant 0 : i32
      %dma_wait3A_35 = arith.constant 0 : i32
      %dma_wait3A_36 = tpu.memref_slice %arg13[%dma_wait3A, %dma_wait3A_35] : memref<512x80xf32, #tpu.memory_space<vmem>> -> memref<512x80xf32, #tpu.memory_space<vmem>>
      %dma_wait3A_37 = arith.constant 0 : i32
      %dma_wait3A_38 = tpu.memref_slice %arg9[%mul3A_5, %dma_wait3A_37] : memref<10240x80xf32, #tpu.memory_space<vmem_shared>> -> memref<512x80xf32, #tpu.memory_space<vmem_shared>>
      %dma_wait3A_39 = arith.constant 0 : i32
      %dma_wait3A_40 = tpu.memref_slice %arg9[%mul3A_5, %dma_wait3A_39] : memref<10240x80xf32, #tpu.memory_space<vmem_shared>> -> memref<512x80xf32, #tpu.memory_space<vmem_shared>>
      %dma_wait3A_41 = arith.constant 0 : i32
      %dma_wait3A_42 = arith.constant 0 : i32
      %dma_wait3A_43 = tpu.memref_slice %arg13[%dma_wait3A_41, %dma_wait3A_42] : memref<512x80xf32, #tpu.memory_space<vmem>> -> memref<512x80xf32, #tpu.memory_space<vmem>>
      tpu.wait_dma2 semaphore(%run_scoped3A : memref<!tpu.dma_semaphore, #tpu.memory_space<semaphore_mem>>) src(%dma_wait3A_43 : memref<512x80xf32, #tpu.memory_space<vmem>>) dst(%dma_wait3A_40 : memref<512x80xf32, #tpu.memory_space<vmem_shared>>)
      tpu.yield
    }) : () -> ()
    %mul3A_6 = arith.constant 640 : i32
    %mul3A_7 = arith.muli %arg1, %mul3A_6 : i32
    %add3A = arith.constant 512 : i32
    %add3A_8 = arith.addi %mul3A_7, %add3A : i32
    "tpu.region"() ({
      %run_scoped3A = tpu.sem_alloc : memref<!tpu.dma_semaphore, #tpu.memory_space<semaphore_mem>>
      %dma_start3A = arith.constant 0 : i32
      %dma_start3A_26 = arith.constant 0 : i32
      %dma_start3A_27 = tpu.memref_slice %arg13[%dma_start3A, %dma_start3A_26] : memref<512x80xf32, #tpu.memory_space<vmem>> -> memref<128x80xf32, #tpu.memory_space<vmem>>
      %dma_start3A_28 = arith.constant 0 : i32
      %dma_start3A_29 = tpu.memref_slice %arg9[%add3A_8, %dma_start3A_28] : memref<10240x80xf32, #tpu.memory_space<vmem_shared>> -> memref<128x80xf32, #tpu.memory_space<vmem_shared>>
      %dma_start3A_30 = arith.constant 0 : i32
      %dma_start3A_31 = tpu.memref_slice %arg9[%add3A_8, %dma_start3A_30] : memref<10240x80xf32, #tpu.memory_space<vmem_shared>> -> memref<128x80xf32, #tpu.memory_space<vmem_shared>>
      %dma_start3A_32 = arith.constant 0 : i32
      %dma_start3A_33 = arith.constant 0 : i32
      %dma_start3A_34 = tpu.memref_slice %arg13[%dma_start3A_32, %dma_start3A_33] : memref<512x80xf32, #tpu.memory_space<vmem>> -> memref<128x80xf32, #tpu.memory_space<vmem>>
      tpu.enqueue_dma source(%dma_start3A_34 : memref<128x80xf32, #tpu.memory_space<vmem>>) target(%dma_start3A_31 : memref<128x80xf32, #tpu.memory_space<vmem_shared>>) target_semaphore(%run_scoped3A : memref<!tpu.dma_semaphore, #tpu.memory_space<semaphore_mem>>)
      %dma_wait3A = arith.constant 0 : i32
      %dma_wait3A_35 = arith.constant 0 : i32
      %dma_wait3A_36 = tpu.memref_slice %arg13[%dma_wait3A, %dma_wait3A_35] : memref<512x80xf32, #tpu.memory_space<vmem>> -> memref<128x80xf32, #tpu.memory_space<vmem>>
      %dma_wait3A_37 = arith.constant 0 : i32
      %dma_wait3A_38 = tpu.memref_slice %arg9[%add3A_8, %dma_wait3A_37] : memref<10240x80xf32, #tpu.memory_space<vmem_shared>> -> memref<128x80xf32, #tpu.memory_space<vmem_shared>>
      %dma_wait3A_39 = arith.constant 0 : i32
      %dma_wait3A_40 = tpu.memref_slice %arg9[%add3A_8, %dma_wait3A_39] : memref<10240x80xf32, #tpu.memory_space<vmem_shared>> -> memref<128x80xf32, #tpu.memory_space<vmem_shared>>
      %dma_wait3A_41 = arith.constant 0 : i32
      %dma_wait3A_42 = arith.constant 0 : i32
      %dma_wait3A_43 = tpu.memref_slice %arg13[%dma_wait3A_41, %dma_wait3A_42] : memref<512x80xf32, #tpu.memory_space<vmem>> -> memref<128x80xf32, #tpu.memory_space<vmem>>
      tpu.wait_dma2 semaphore(%run_scoped3A : memref<!tpu.dma_semaphore, #tpu.memory_space<semaphore_mem>>) src(%dma_wait3A_43 : memref<128x80xf32, #tpu.memory_space<vmem>>) dst(%dma_wait3A_40 : memref<128x80xf32, #tpu.memory_space<vmem_shared>>)
      tpu.yield
    }) : () -> ()
    "tpu.region"() ({
      %run_scoped3A = tpu.sem_alloc : memref<!tpu.dma_semaphore, #tpu.memory_space<semaphore_mem>>
      tpu.enqueue_dma source(%arg7 : memref<8x128xf32, #tpu.memory_space<hbm>>) target(%arg15 : memref<8x128xf32, #tpu.memory_space<vmem>>) target_semaphore(%run_scoped3A : memref<!tpu.dma_semaphore, #tpu.memory_space<semaphore_mem>>)
      tpu.wait_dma2 semaphore(%run_scoped3A : memref<!tpu.dma_semaphore, #tpu.memory_space<semaphore_mem>>) src(%arg7 : memref<8x128xf32, #tpu.memory_space<hbm>>) dst(%arg15 : memref<8x128xf32, #tpu.memory_space<vmem>>)
      tpu.yield
    }) : () -> ()
    %barrier3A = arith.constant 0 : index
    tpu.barrier barrier_id(%barrier3A)
    %get3A = arith.constant 0 : i32
    %get3A_9 = arith.index_cast %get3A : i32 to index
    %get3A_10 = arith.constant 0 : index
    %get3A_11 = tpu.vector_load %arg15[%get3A_9, %get3A_10] {strides = array<i32>} : memref<8x128xf32, #tpu.memory_space<vmem>>, vector<1x16xf32>,
    %get3A_12 = vector.shape_cast %get3A_11 : vector<1x16xf32> to vector<16xf32>
    %slice3A = vector.extract_strided_slice %get3A_12 {offsets = [0], sizes = [1], strides = [1]} : vector<16xf32> to vector<1xf32>
    %squeeze3A = vector.extract %slice3A[0] : f32 from vector<1xf32>
    %mul3A_13 = arith.constant 80 : i32
    %mul3A_14 = arith.muli %arg1, %mul3A_13 : i32
    %scan3A_15 = arith.constant 0 : i32
    %scan3A_16 = arith.constant 0 : i32
    %scan3A_17 = arith.constant 20 : i32
    %scan3A_18 = arith.addi %scan3A_16, %scan3A_17 : i32
    %scan3A_19 = arith.constant 1 : i32
    scf.for %scan3A_26 = %scan3A_16 to %scan3A_18 step %scan3A_19  : i32 {
      %mul3A_27 = arith.constant 4 : i32
      %mul3A_28 = arith.muli %scan3A_26, %mul3A_27 : i32
      %add3A_29 = arith.addi %mul3A_14, %mul3A_28 : i32
      %mul3A_30 = arith.constant 1280 : i32
      %mul3A_31 = arith.muli %arg0, %mul3A_30 : i32
      %add3A_32 = arith.addi %mul3A_31, %add3A_29 : i32
      "tpu.region"() ({
        %run_scoped3A_208 = tpu.sem_alloc : memref<!tpu.dma_semaphore, #tpu.memory_space<semaphore_mem>>
        %dma_start3A_209 = arith.constant 0 : i32
        %dma_start3A_210 = tpu.memref_slice %arg2[%add3A_32, %dma_start3A_209] : memref<2560x128xi32, #tpu.memory_space<hbm>> -> memref<4x128xi32, #tpu.memory_space<hbm>>
        %dma_start3A_211 = arith.constant 0 : i32
        %dma_start3A_212 = tpu.memref_slice %arg2[%add3A_32, %dma_start3A_211] : memref<2560x128xi32, #tpu.memory_space<hbm>> -> memref<4x128xi32, #tpu.memory_space<hbm>>
        tpu.enqueue_dma source(%dma_start3A_212 : memref<4x128xi32, #tpu.memory_space<hbm>>) target(%arg10 : memref<4x128xi32, #tpu.memory_space<vmem>>) target_semaphore(%run_scoped3A_208 : memref<!tpu.dma_semaphore, #tpu.memory_space<semaphore_mem>>)
        %dma_wait3A_213 = arith.constant 0 : i32
        %dma_wait3A_214 = tpu.memref_slice %arg2[%add3A_32, %dma_wait3A_213] : memref<2560x128xi32, #tpu.memory_space<hbm>> -> memref<4x128xi32, #tpu.memory_space<hbm>>
        %dma_wait3A_215 = arith.constant 0 : i32
        %dma_wait3A_216 = tpu.memref_slice %arg2[%add3A_32, %dma_wait3A_215] : memref<2560x128xi32, #tpu.memory_space<hbm>> -> memref<4x128xi32, #tpu.memory_space<hbm>>
        tpu.wait_dma2 semaphore(%run_scoped3A_208 : memref<!tpu.dma_semaphore, #tpu.memory_space<semaphore_mem>>) src(%dma_wait3A_216 : memref<4x128xi32, #tpu.memory_space<hbm>>) dst(%arg10 : memref<4x128xi32, #tpu.memory_space<vmem>>)
        tpu.yield
      }) : () -> ()
      "tpu.region"() ({
        %run_scoped3A_208 = tpu.sem_alloc : memref<!tpu.dma_semaphore, #tpu.memory_space<semaphore_mem>>
        %dma_start3A_209 = arith.constant 0 : i32
        %dma_start3A_210 = tpu.memref_slice %arg3[%add3A_29, %dma_start3A_209] : memref<1280x128xi32, #tpu.memory_space<hbm>> -> memref<4x128xi32, #tpu.memory_space<hbm>>
        %dma_start3A_211 = arith.constant 0 : i32
        %dma_start3A_212 = tpu.memref_slice %arg3[%add3A_29, %dma_start3A_211] : memref<1280x128xi32, #tpu.memory_space<hbm>> -> memref<4x128xi32, #tpu.memory_space<hbm>>
        tpu.enqueue_dma source(%dma_start3A_212 : memref<4x128xi32, #tpu.memory_space<hbm>>) target(%arg11 : memref<4x128xi32, #tpu.memory_space<vmem>>) target_semaphore(%run_scoped3A_208 : memref<!tpu.dma_semaphore, #tpu.memory_space<semaphore_mem>>)
        %dma_wait3A_213 = arith.constant 0 : i32
        %dma_wait3A_214 = tpu.memref_slice %arg3[%add3A_29, %dma_wait3A_213] : memref<1280x128xi32, #tpu.memory_space<hbm>> -> memref<4x128xi32, #tpu.memory_space<hbm>>
        %dma_wait3A_215 = arith.constant 0 : i32
        %dma_wait3A_216 = tpu.memref_slice %arg3[%add3A_29, %dma_wait3A_215] : memref<1280x128xi32, #tpu.memory_space<hbm>> -> memref<4x128xi32, #tpu.memory_space<hbm>>
        tpu.wait_dma2 semaphore(%run_scoped3A_208 : memref<!tpu.dma_semaphore, #tpu.memory_space<semaphore_mem>>) src(%dma_wait3A_216 : memref<4x128xi32, #tpu.memory_space<hbm>>) dst(%arg11 : memref<4x128xi32, #tpu.memory_space<vmem>>)
        tpu.yield
      }) : () -> ()
      %add3A_33 = arith.constant 0 : i32
      %add3A_34 = arith.addi %add3A_29, %add3A_33 : i32
      "tpu.region"() ({
        %run_scoped3A_208 = tpu.sem_alloc : memref<!tpu.dma_semaphore, #tpu.memory_space<semaphore_mem>>
        %dma_start3A_209 = arith.constant 0 : i32
        %dma_start3A_210 = tpu.memref_slice %arg12[%dma_start3A_209] : memref<528xf32, #tpu.memory_space<vmem>> -> memref<128xf32, #tpu.memory_space<vmem>>
        %dma_start3A_211 = arith.constant 0 : i32
        %dma_start3A_212 = tpu.memref_slice %arg4[%add3A_34, %dma_start3A_211] : memref<1280x128xf32, #tpu.memory_space<hbm>> -> memref<1x128xf32, #tpu.memory_space<hbm>>
        %dma_start3A_213 = tpu.memref_squeeze %dma_start3A_212 : memref<1x128xf32, #tpu.memory_space<hbm>> -> memref<128xf32, #tpu.memory_space<hbm>>
        %dma_start3A_214 = arith.constant 0 : i32
        %dma_start3A_215 = tpu.memref_slice %arg12[%dma_start3A_214] : memref<528xf32, #tpu.memory_space<vmem>> -> memref<128xf32, #tpu.memory_space<vmem>>
        %dma_start3A_216 = arith.constant 0 : i32
        %dma_start3A_217 = tpu.memref_slice %arg4[%add3A_34, %dma_start3A_216] : memref<1280x128xf32, #tpu.memory_space<hbm>> -> memref<1x128xf32, #tpu.memory_space<hbm>>
        %dma_start3A_218 = tpu.memref_squeeze %dma_start3A_217 : memref<1x128xf32, #tpu.memory_space<hbm>> -> memref<128xf32, #tpu.memory_space<hbm>>
        tpu.enqueue_dma source(%dma_start3A_218 : memref<128xf32, #tpu.memory_space<hbm>>) target(%dma_start3A_215 : memref<128xf32, #tpu.memory_space<vmem>>) target_semaphore(%run_scoped3A_208 : memref<!tpu.dma_semaphore, #tpu.memory_space<semaphore_mem>>)
        %dma_wait3A_219 = arith.constant 0 : i32
        %dma_wait3A_220 = tpu.memref_slice %arg12[%dma_wait3A_219] : memref<528xf32, #tpu.memory_space<vmem>> -> memref<128xf32, #tpu.memory_space<vmem>>
        %dma_wait3A_221 = arith.constant 0 : i32
        %dma_wait3A_222 = tpu.memref_slice %arg4[%add3A_34, %dma_wait3A_221] : memref<1280x128xf32, #tpu.memory_space<hbm>> -> memref<1x128xf32, #tpu.memory_space<hbm>>
        %dma_wait3A_223 = tpu.memref_squeeze %dma_wait3A_222 : memref<1x128xf32, #tpu.memory_space<hbm>> -> memref<128xf32, #tpu.memory_space<hbm>>
        %dma_wait3A_224 = arith.constant 0 : i32
        %dma_wait3A_225 = tpu.memref_slice %arg12[%dma_wait3A_224] : memref<528xf32, #tpu.memory_space<vmem>> -> memref<128xf32, #tpu.memory_space<vmem>>
        %dma_wait3A_226 = arith.constant 0 : i32
        %dma_wait3A_227 = tpu.memref_slice %arg4[%add3A_34, %dma_wait3A_226] : memref<1280x128xf32, #tpu.memory_space<hbm>> -> memref<1x128xf32, #tpu.memory_space<hbm>>
        %dma_wait3A_228 = tpu.memref_squeeze %dma_wait3A_227 : memref<1x128xf32, #tpu.memory_space<hbm>> -> memref<128xf32, #tpu.memory_space<hbm>>
        tpu.wait_dma2 semaphore(%run_scoped3A_208 : memref<!tpu.dma_semaphore, #tpu.memory_space<semaphore_mem>>) src(%dma_wait3A_228 : memref<128xf32, #tpu.memory_space<hbm>>) dst(%dma_wait3A_225 : memref<128xf32, #tpu.memory_space<vmem>>)
        tpu.yield
      }) : () -> ()
      %add3A_35 = arith.constant 1 : i32
      %add3A_36 = arith.addi %add3A_29, %add3A_35 : i32
      "tpu.region"() ({
        %run_scoped3A_208 = tpu.sem_alloc : memref<!tpu.dma_semaphore, #tpu.memory_space<semaphore_mem>>
        %dma_start3A_209 = arith.constant 128 : i32
        %dma_start3A_210 = tpu.memref_slice %arg12[%dma_start3A_209] : memref<528xf32, #tpu.memory_space<vmem>> -> memref<128xf32, #tpu.memory_space<vmem>>
        %dma_start3A_211 = arith.constant 0 : i32
        %dma_start3A_212 = tpu.memref_slice %arg4[%add3A_36, %dma_start3A_211] : memref<1280x128xf32, #tpu.memory_space<hbm>> -> memref<1x128xf32, #tpu.memory_space<hbm>>
        %dma_start3A_213 = tpu.memref_squeeze %dma_start3A_212 : memref<1x128xf32, #tpu.memory_space<hbm>> -> memref<128xf32, #tpu.memory_space<hbm>>
        %dma_start3A_214 = arith.constant 128 : i32
        %dma_start3A_215 = tpu.memref_slice %arg12[%dma_start3A_214] : memref<528xf32, #tpu.memory_space<vmem>> -> memref<128xf32, #tpu.memory_space<vmem>>
        %dma_start3A_216 = arith.constant 0 : i32
        %dma_start3A_217 = tpu.memref_slice %arg4[%add3A_36, %dma_start3A_216] : memref<1280x128xf32, #tpu.memory_space<hbm>> -> memref<1x128xf32, #tpu.memory_space<hbm>>
        %dma_start3A_218 = tpu.memref_squeeze %dma_start3A_217 : memref<1x128xf32, #tpu.memory_space<hbm>> -> memref<128xf32, #tpu.memory_space<hbm>>
        tpu.enqueue_dma source(%dma_start3A_218 : memref<128xf32, #tpu.memory_space<hbm>>) target(%dma_start3A_215 : memref<128xf32, #tpu.memory_space<vmem>>) target_semaphore(%run_scoped3A_208 : memref<!tpu.dma_semaphore, #tpu.memory_space<semaphore_mem>>)
        %dma_wait3A_219 = arith.constant 128 : i32
        %dma_wait3A_220 = tpu.memref_slice %arg12[%dma_wait3A_219] : memref<528xf32, #tpu.memory_space<vmem>> -> memref<128xf32, #tpu.memory_space<vmem>>
        %dma_wait3A_221 = arith.constant 0 : i32
        %dma_wait3A_222 = tpu.memref_slice %arg4[%add3A_36, %dma_wait3A_221] : memref<1280x128xf32, #tpu.memory_space<hbm>> -> memref<1x128xf32, #tpu.memory_space<hbm>>
        %dma_wait3A_223 = tpu.memref_squeeze %dma_wait3A_222 : memref<1x128xf32, #tpu.memory_space<hbm>> -> memref<128xf32, #tpu.memory_space<hbm>>
        %dma_wait3A_224 = arith.constant 128 : i32
        %dma_wait3A_225 = tpu.memref_slice %arg12[%dma_wait3A_224] : memref<528xf32, #tpu.memory_space<vmem>> -> memref<128xf32, #tpu.memory_space<vmem>>
        %dma_wait3A_226 = arith.constant 0 : i32
        %dma_wait3A_227 = tpu.memref_slice %arg4[%add3A_36, %dma_wait3A_226] : memref<1280x128xf32, #tpu.memory_space<hbm>> -> memref<1x128xf32, #tpu.memory_space<hbm>>
        %dma_wait3A_228 = tpu.memref_squeeze %dma_wait3A_227 : memref<1x128xf32, #tpu.memory_space<hbm>> -> memref<128xf32, #tpu.memory_space<hbm>>
        tpu.wait_dma2 semaphore(%run_scoped3A_208 : memref<!tpu.dma_semaphore, #tpu.memory_space<semaphore_mem>>) src(%dma_wait3A_228 : memref<128xf32, #tpu.memory_space<hbm>>) dst(%dma_wait3A_225 : memref<128xf32, #tpu.memory_space<vmem>>)
        tpu.yield
      }) : () -> ()
      %add3A_37 = arith.constant 2 : i32
      %add3A_38 = arith.addi %add3A_29, %add3A_37 : i32
      "tpu.region"() ({
        %run_scoped3A_208 = tpu.sem_alloc : memref<!tpu.dma_semaphore, #tpu.memory_space<semaphore_mem>>
        %dma_start3A_209 = arith.constant 256 : i32
        %dma_start3A_210 = tpu.memref_slice %arg12[%dma_start3A_209] : memref<528xf32, #tpu.memory_space<vmem>> -> memref<128xf32, #tpu.memory_space<vmem>>
        %dma_start3A_211 = arith.constant 0 : i32
        %dma_start3A_212 = tpu.memref_slice %arg4[%add3A_38, %dma_start3A_211] : memref<1280x128xf32, #tpu.memory_space<hbm>> -> memref<1x128xf32, #tpu.memory_space<hbm>>
        %dma_start3A_213 = tpu.memref_squeeze %dma_start3A_212 : memref<1x128xf32, #tpu.memory_space<hbm>> -> memref<128xf32, #tpu.memory_space<hbm>>
        %dma_start3A_214 = arith.constant 256 : i32
        %dma_start3A_215 = tpu.memref_slice %arg12[%dma_start3A_214] : memref<528xf32, #tpu.memory_space<vmem>> -> memref<128xf32, #tpu.memory_space<vmem>>
        %dma_start3A_216 = arith.constant 0 : i32
        %dma_start3A_217 = tpu.memref_slice %arg4[%add3A_38, %dma_start3A_216] : memref<1280x128xf32, #tpu.memory_space<hbm>> -> memref<1x128xf32, #tpu.memory_space<hbm>>
        %dma_start3A_218 = tpu.memref_squeeze %dma_start3A_217 : memref<1x128xf32, #tpu.memory_space<hbm>> -> memref<128xf32, #tpu.memory_space<hbm>>
        tpu.enqueue_dma source(%dma_start3A_218 : memref<128xf32, #tpu.memory_space<hbm>>) target(%dma_start3A_215 : memref<128xf32, #tpu.memory_space<vmem>>) target_semaphore(%run_scoped3A_208 : memref<!tpu.dma_semaphore, #tpu.memory_space<semaphore_mem>>)
        %dma_wait3A_219 = arith.constant 256 : i32
        %dma_wait3A_220 = tpu.memref_slice %arg12[%dma_wait3A_219] : memref<528xf32, #tpu.memory_space<vmem>> -> memref<128xf32, #tpu.memory_space<vmem>>
        %dma_wait3A_221 = arith.constant 0 : i32
        %dma_wait3A_222 = tpu.memref_slice %arg4[%add3A_38, %dma_wait3A_221] : memref<1280x128xf32, #tpu.memory_space<hbm>> -> memref<1x128xf32, #tpu.memory_space<hbm>>
        %dma_wait3A_223 = tpu.memref_squeeze %dma_wait3A_222 : memref<1x128xf32, #tpu.memory_space<hbm>> -> memref<128xf32, #tpu.memory_space<hbm>>
        %dma_wait3A_224 = arith.constant 256 : i32
        %dma_wait3A_225 = tpu.memref_slice %arg12[%dma_wait3A_224] : memref<528xf32, #tpu.memory_space<vmem>> -> memref<128xf32, #tpu.memory_space<vmem>>
        %dma_wait3A_226 = arith.constant 0 : i32
        %dma_wait3A_227 = tpu.memref_slice %arg4[%add3A_38, %dma_wait3A_226] : memref<1280x128xf32, #tpu.memory_space<hbm>> -> memref<1x128xf32, #tpu.memory_space<hbm>>
        %dma_wait3A_228 = tpu.memref_squeeze %dma_wait3A_227 : memref<1x128xf32, #tpu.memory_space<hbm>> -> memref<128xf32, #tpu.memory_space<hbm>>
        tpu.wait_dma2 semaphore(%run_scoped3A_208 : memref<!tpu.dma_semaphore, #tpu.memory_space<semaphore_mem>>) src(%dma_wait3A_228 : memref<128xf32, #tpu.memory_space<hbm>>) dst(%dma_wait3A_225 : memref<128xf32, #tpu.memory_space<vmem>>)
        tpu.yield
      }) : () -> ()
      %add3A_39 = arith.constant 3 : i32
      %add3A_40 = arith.addi %add3A_29, %add3A_39 : i32
      "tpu.region"() ({
        %run_scoped3A_208 = tpu.sem_alloc : memref<!tpu.dma_semaphore, #tpu.memory_space<semaphore_mem>>
        %dma_start3A_209 = arith.constant 384 : i32
        %dma_start3A_210 = tpu.memref_slice %arg12[%dma_start3A_209] : memref<528xf32, #tpu.memory_space<vmem>> -> memref<128xf32, #tpu.memory_space<vmem>>
        %dma_start3A_211 = arith.constant 0 : i32
        %dma_start3A_212 = tpu.memref_slice %arg4[%add3A_40, %dma_start3A_211] : memref<1280x128xf32, #tpu.memory_space<hbm>> -> memref<1x128xf32, #tpu.memory_space<hbm>>
        %dma_start3A_213 = tpu.memref_squeeze %dma_start3A_212 : memref<1x128xf32, #tpu.memory_space<hbm>> -> memref<128xf32, #tpu.memory_space<hbm>>
        %dma_start3A_214 = arith.constant 384 : i32
        %dma_start3A_215 = tpu.memref_slice %arg12[%dma_start3A_214] : memref<528xf32, #tpu.memory_space<vmem>> -> memref<128xf32, #tpu.memory_space<vmem>>
        %dma_start3A_216 = arith.constant 0 : i32
        %dma_start3A_217 = tpu.memref_slice %arg4[%add3A_40, %dma_start3A_216] : memref<1280x128xf32, #tpu.memory_space<hbm>> -> memref<1x128xf32, #tpu.memory_space<hbm>>
        %dma_start3A_218 = tpu.memref_squeeze %dma_start3A_217 : memref<1x128xf32, #tpu.memory_space<hbm>> -> memref<128xf32, #tpu.memory_space<hbm>>
        tpu.enqueue_dma source(%dma_start3A_218 : memref<128xf32, #tpu.memory_space<hbm>>) target(%dma_start3A_215 : memref<128xf32, #tpu.memory_space<vmem>>) target_semaphore(%run_scoped3A_208 : memref<!tpu.dma_semaphore, #tpu.memory_space<semaphore_mem>>)
        %dma_wait3A_219 = arith.constant 384 : i32
        %dma_wait3A_220 = tpu.memref_slice %arg12[%dma_wait3A_219] : memref<528xf32, #tpu.memory_space<vmem>> -> memref<128xf32, #tpu.memory_space<vmem>>
        %dma_wait3A_221 = arith.constant 0 : i32
        %dma_wait3A_222 = tpu.memref_slice %arg4[%add3A_40, %dma_wait3A_221] : memref<1280x128xf32, #tpu.memory_space<hbm>> -> memref<1x128xf32, #tpu.memory_space<hbm>>
        %dma_wait3A_223 = tpu.memref_squeeze %dma_wait3A_222 : memref<1x128xf32, #tpu.memory_space<hbm>> -> memref<128xf32, #tpu.memory_space<hbm>>
        %dma_wait3A_224 = arith.constant 384 : i32
        %dma_wait3A_225 = tpu.memref_slice %arg12[%dma_wait3A_224] : memref<528xf32, #tpu.memory_space<vmem>> -> memref<128xf32, #tpu.memory_space<vmem>>
        %dma_wait3A_226 = arith.constant 0 : i32
        %dma_wait3A_227 = tpu.memref_slice %arg4[%add3A_40, %dma_wait3A_226] : memref<1280x128xf32, #tpu.memory_space<hbm>> -> memref<1x128xf32, #tpu.memory_space<hbm>>
        %dma_wait3A_228 = tpu.memref_squeeze %dma_wait3A_227 : memref<1x128xf32, #tpu.memory_space<hbm>> -> memref<128xf32, #tpu.memory_space<hbm>>
        tpu.wait_dma2 semaphore(%run_scoped3A_208 : memref<!tpu.dma_semaphore, #tpu.memory_space<semaphore_mem>>) src(%dma_wait3A_228 : memref<128xf32, #tpu.memory_space<hbm>>) dst(%dma_wait3A_225 : memref<128xf32, #tpu.memory_space<vmem>>)
        tpu.yield
      }) : () -> ()
      %dma_start3A = arith.constant 0 : i32
      %dma_start3A_41 = arith.constant 0 : i32
      %dma_start3A_42 = arith.constant 0 : i32
      %dma_start3A_43 = tpu.memref_slice %arg13[%dma_start3A_41, %dma_start3A_42] : memref<512x80xf32, #tpu.memory_space<vmem>> -> memref<128x80xf32, #tpu.memory_space<vmem>>
      %dma_start3A_44 = arith.constant 0 : i32
      %dma_start3A_45 = tpu.memref_slice %arg10[%dma_start3A, %dma_start3A_44] : memref<4x128xi32, #tpu.memory_space<vmem>> -> memref<1x128xi32, #tpu.memory_space<vmem>>
      %dma_start3A_46 = tpu.memref_squeeze %dma_start3A_45 : memref<1x128xi32, #tpu.memory_space<vmem>> -> memref<128xi32, #tpu.memory_space<vmem>>
      %dma_start3A_47 = arith.constant 0 : i32
      %dma_start3A_48 = arith.constant 0 : i32
      %dma_start3A_49 = tpu.memref_slice %arg5[%dma_start3A_47, %dma_start3A_48] : memref<20480x80xf32, #tpu.memory_space<hbm>> -> memref<20480x80xf32, #tpu.memory_space<hbm>>
      tpu.enqueue_indirect_dma source(%dma_start3A_49 : memref<20480x80xf32, #tpu.memory_space<hbm>>) target(%dma_start3A_43 : memref<128x80xf32, #tpu.memory_space<vmem>>) offsets(%dma_start3A_46 : memref<128xi32, #tpu.memory_space<vmem>>) semaphore(%arg16 : memref<!tpu.dma_semaphore, #tpu.memory_space<semaphore_mem>>)
      %dma_start3A_50 = arith.constant 1 : i32
      %dma_start3A_51 = arith.constant 128 : i32
      %dma_start3A_52 = arith.constant 0 : i32
      %dma_start3A_53 = tpu.memref_slice %arg13[%dma_start3A_51, %dma_start3A_52] : memref<512x80xf32, #tpu.memory_space<vmem>> -> memref<128x80xf32, #tpu.memory_space<vmem>>
      %dma_start3A_54 = arith.constant 0 : i32
      %dma_start3A_55 = tpu.memref_slice %arg10[%dma_start3A_50, %dma_start3A_54] : memref<4x128xi32, #tpu.memory_space<vmem>> -> memref<1x128xi32, #tpu.memory_space<vmem>>
      %dma_start3A_56 = tpu.memref_squeeze %dma_start3A_55 : memref<1x128xi32, #tpu.memory_space<vmem>> -> memref<128xi32, #tpu.memory_space<vmem>>
      %dma_start3A_57 = arith.constant 0 : i32
      %dma_start3A_58 = arith.constant 0 : i32
      %dma_start3A_59 = tpu.memref_slice %arg5[%dma_start3A_57, %dma_start3A_58] : memref<20480x80xf32, #tpu.memory_space<hbm>> -> memref<20480x80xf32, #tpu.memory_space<hbm>>
      tpu.enqueue_indirect_dma source(%dma_start3A_59 : memref<20480x80xf32, #tpu.memory_space<hbm>>) target(%dma_start3A_53 : memref<128x80xf32, #tpu.memory_space<vmem>>) offsets(%dma_start3A_56 : memref<128xi32, #tpu.memory_space<vmem>>) semaphore(%arg16 : memref<!tpu.dma_semaphore, #tpu.memory_space<semaphore_mem>>)
      %dma_start3A_60 = arith.constant 2 : i32
      %dma_start3A_61 = arith.constant 256 : i32
      %dma_start3A_62 = arith.constant 0 : i32
      %dma_start3A_63 = tpu.memref_slice %arg13[%dma_start3A_61, %dma_start3A_62] : memref<512x80xf32, #tpu.memory_space<vmem>> -> memref<128x80xf32, #tpu.memory_space<vmem>>
      %dma_start3A_64 = arith.constant 0 : i32
      %dma_start3A_65 = tpu.memref_slice %arg10[%dma_start3A_60, %dma_start3A_64] : memref<4x128xi32, #tpu.memory_space<vmem>> -> memref<1x128xi32, #tpu.memory_space<vmem>>
      %dma_start3A_66 = tpu.memref_squeeze %dma_start3A_65 : memref<1x128xi32, #tpu.memory_space<vmem>> -> memref<128xi32, #tpu.memory_space<vmem>>
      %dma_start3A_67 = arith.constant 0 : i32
      %dma_start3A_68 = arith.constant 0 : i32
      %dma_start3A_69 = tpu.memref_slice %arg5[%dma_start3A_67, %dma_start3A_68] : memref<20480x80xf32, #tpu.memory_space<hbm>> -> memref<20480x80xf32, #tpu.memory_space<hbm>>
      tpu.enqueue_indirect_dma source(%dma_start3A_69 : memref<20480x80xf32, #tpu.memory_space<hbm>>) target(%dma_start3A_63 : memref<128x80xf32, #tpu.memory_space<vmem>>) offsets(%dma_start3A_66 : memref<128xi32, #tpu.memory_space<vmem>>) semaphore(%arg16 : memref<!tpu.dma_semaphore, #tpu.memory_space<semaphore_mem>>)
      %dma_start3A_70 = arith.constant 3 : i32
      %dma_start3A_71 = arith.constant 384 : i32
      %dma_start3A_72 = arith.constant 0 : i32
      %dma_start3A_73 = tpu.memref_slice %arg13[%dma_start3A_71, %dma_start3A_72] : memref<512x80xf32, #tpu.memory_space<vmem>> -> memref<128x80xf32, #tpu.memory_space<vmem>>
      %dma_start3A_74 = arith.constant 0 : i32
      %dma_start3A_75 = tpu.memref_slice %arg10[%dma_start3A_70, %dma_start3A_74] : memref<4x128xi32, #tpu.memory_space<vmem>> -> memref<1x128xi32, #tpu.memory_space<vmem>>
      %dma_start3A_76 = tpu.memref_squeeze %dma_start3A_75 : memref<1x128xi32, #tpu.memory_space<vmem>> -> memref<128xi32, #tpu.memory_space<vmem>>
      %dma_start3A_77 = arith.constant 0 : i32
      %dma_start3A_78 = arith.constant 0 : i32
      %dma_start3A_79 = tpu.memref_slice %arg5[%dma_start3A_77, %dma_start3A_78] : memref<20480x80xf32, #tpu.memory_space<hbm>> -> memref<20480x80xf32, #tpu.memory_space<hbm>>
      tpu.enqueue_indirect_dma source(%dma_start3A_79 : memref<20480x80xf32, #tpu.memory_space<hbm>>) target(%dma_start3A_73 : memref<128x80xf32, #tpu.memory_space<vmem>>) offsets(%dma_start3A_76 : memref<128xi32, #tpu.memory_space<vmem>>) semaphore(%arg16 : memref<!tpu.dma_semaphore, #tpu.memory_space<semaphore_mem>>)
      %dma_start3A_80 = arith.constant 0 : i32
      %dma_start3A_81 = arith.constant 0 : i32
      %dma_start3A_82 = arith.constant 0 : i32
      %dma_start3A_83 = tpu.memref_slice %arg14[%dma_start3A_81, %dma_start3A_82] : memref<512x16xf32, #tpu.memory_space<vmem>> -> memref<128x16xf32, #tpu.memory_space<vmem>>
      %dma_start3A_84 = arith.constant 0 : i32
      %dma_start3A_85 = tpu.memref_slice %arg11[%dma_start3A_80, %dma_start3A_84] : memref<4x128xi32, #tpu.memory_space<vmem>> -> memref<1x128xi32, #tpu.memory_space<vmem>>
      %dma_start3A_86 = tpu.memref_squeeze %dma_start3A_85 : memref<1x128xi32, #tpu.memory_space<vmem>> -> memref<128xi32, #tpu.memory_space<vmem>>
      %dma_start3A_87 = arith.constant 0 : i32
      %dma_start3A_88 = arith.constant 0 : i32
      %dma_start3A_89 = tpu.memref_slice %arg6[%dma_start3A_87, %dma_start3A_88] : memref<10240x16xf32, #tpu.memory_space<hbm>> -> memref<10240x16xf32, #tpu.memory_space<hbm>>
      tpu.enqueue_indirect_dma source(%dma_start3A_89 : memref<10240x16xf32, #tpu.memory_space<hbm>>) target(%dma_start3A_83 : memref<128x16xf32, #tpu.memory_space<vmem>>) offsets(%dma_start3A_86 : memref<128xi32, #tpu.memory_space<vmem>>) semaphore(%arg16 : memref<!tpu.dma_semaphore, #tpu.memory_space<semaphore_mem>>)
      %dma_start3A_90 = arith.constant 1 : i32
      %dma_start3A_91 = arith.constant 128 : i32
      %dma_start3A_92 = arith.constant 0 : i32
      %dma_start3A_93 = tpu.memref_slice %arg14[%dma_start3A_91, %dma_start3A_92] : memref<512x16xf32, #tpu.memory_space<vmem>> -> memref<128x16xf32, #tpu.memory_space<vmem>>
      %dma_start3A_94 = arith.constant 0 : i32
      %dma_start3A_95 = tpu.memref_slice %arg11[%dma_start3A_90, %dma_start3A_94] : memref<4x128xi32, #tpu.memory_space<vmem>> -> memref<1x128xi32, #tpu.memory_space<vmem>>
      %dma_start3A_96 = tpu.memref_squeeze %dma_start3A_95 : memref<1x128xi32, #tpu.memory_space<vmem>> -> memref<128xi32, #tpu.memory_space<vmem>>
      %dma_start3A_97 = arith.constant 0 : i32
      %dma_start3A_98 = arith.constant 0 : i32
      %dma_start3A_99 = tpu.memref_slice %arg6[%dma_start3A_97, %dma_start3A_98] : memref<10240x16xf32, #tpu.memory_space<hbm>> -> memref<10240x16xf32, #tpu.memory_space<hbm>>
      tpu.enqueue_indirect_dma source(%dma_start3A_99 : memref<10240x16xf32, #tpu.memory_space<hbm>>) target(%dma_start3A_93 : memref<128x16xf32, #tpu.memory_space<vmem>>) offsets(%dma_start3A_96 : memref<128xi32, #tpu.memory_space<vmem>>) semaphore(%arg16 : memref<!tpu.dma_semaphore, #tpu.memory_space<semaphore_mem>>)
      %dma_start3A_100 = arith.constant 2 : i32
      %dma_start3A_101 = arith.constant 256 : i32
      %dma_start3A_102 = arith.constant 0 : i32
      %dma_start3A_103 = tpu.memref_slice %arg14[%dma_start3A_101, %dma_start3A_102] : memref<512x16xf32, #tpu.memory_space<vmem>> -> memref<128x16xf32, #tpu.memory_space<vmem>>
      %dma_start3A_104 = arith.constant 0 : i32
      %dma_start3A_105 = tpu.memref_slice %arg11[%dma_start3A_100, %dma_start3A_104] : memref<4x128xi32, #tpu.memory_space<vmem>> -> memref<1x128xi32, #tpu.memory_space<vmem>>
      %dma_start3A_106 = tpu.memref_squeeze %dma_start3A_105 : memref<1x128xi32, #tpu.memory_space<vmem>> -> memref<128xi32, #tpu.memory_space<vmem>>
      %dma_start3A_107 = arith.constant 0 : i32
      %dma_start3A_108 = arith.constant 0 : i32
      %dma_start3A_109 = tpu.memref_slice %arg6[%dma_start3A_107, %dma_start3A_108] : memref<10240x16xf32, #tpu.memory_space<hbm>> -> memref<10240x16xf32, #tpu.memory_space<hbm>>
      tpu.enqueue_indirect_dma source(%dma_start3A_109 : memref<10240x16xf32, #tpu.memory_space<hbm>>) target(%dma_start3A_103 : memref<128x16xf32, #tpu.memory_space<vmem>>) offsets(%dma_start3A_106 : memref<128xi32, #tpu.memory_space<vmem>>) semaphore(%arg16 : memref<!tpu.dma_semaphore, #tpu.memory_space<semaphore_mem>>)
      %dma_start3A_110 = arith.constant 3 : i32
      %dma_start3A_111 = arith.constant 384 : i32
      %dma_start3A_112 = arith.constant 0 : i32
      %dma_start3A_113 = tpu.memref_slice %arg14[%dma_start3A_111, %dma_start3A_112] : memref<512x16xf32, #tpu.memory_space<vmem>> -> memref<128x16xf32, #tpu.memory_space<vmem>>
      %dma_start3A_114 = arith.constant 0 : i32
      %dma_start3A_115 = tpu.memref_slice %arg11[%dma_start3A_110, %dma_start3A_114] : memref<4x128xi32, #tpu.memory_space<vmem>> -> memref<1x128xi32, #tpu.memory_space<vmem>>
      %dma_start3A_116 = tpu.memref_squeeze %dma_start3A_115 : memref<1x128xi32, #tpu.memory_space<vmem>> -> memref<128xi32, #tpu.memory_space<vmem>>
      %dma_start3A_117 = arith.constant 0 : i32
      %dma_start3A_118 = arith.constant 0 : i32
      %dma_start3A_119 = tpu.memref_slice %arg6[%dma_start3A_117, %dma_start3A_118] : memref<10240x16xf32, #tpu.memory_space<hbm>> -> memref<10240x16xf32, #tpu.memory_space<hbm>>
      tpu.enqueue_indirect_dma source(%dma_start3A_119 : memref<10240x16xf32, #tpu.memory_space<hbm>>) target(%dma_start3A_113 : memref<128x16xf32, #tpu.memory_space<vmem>>) offsets(%dma_start3A_116 : memref<128xi32, #tpu.memory_space<vmem>>) semaphore(%arg16 : memref<!tpu.dma_semaphore, #tpu.memory_space<semaphore_mem>>)
      %dma_wait3A = arith.constant 0 : i32
      %dma_wait3A_120 = arith.constant 0 : i32
      %dma_wait3A_121 = arith.constant 0 : i32
      %dma_wait3A_122 = tpu.memref_slice %arg13[%dma_wait3A_120, %dma_wait3A_121] : memref<512x80xf32, #tpu.memory_space<vmem>> -> memref<128x80xf32, #tpu.memory_space<vmem>>
      %dma_wait3A_123 = arith.constant 0 : i32
      %dma_wait3A_124 = tpu.memref_slice %arg10[%dma_wait3A, %dma_wait3A_123] : memref<4x128xi32, #tpu.memory_space<vmem>> -> memref<1x128xi32, #tpu.memory_space<vmem>>
      %dma_wait3A_125 = tpu.memref_squeeze %dma_wait3A_124 : memref<1x128xi32, #tpu.memory_space<vmem>> -> memref<128xi32, #tpu.memory_space<vmem>>
      %dma_wait3A_126 = arith.constant 0 : i32
      %dma_wait3A_127 = arith.constant 0 : i32
      %dma_wait3A_128 = tpu.memref_slice %arg5[%dma_wait3A_126, %dma_wait3A_127] : memref<20480x80xf32, #tpu.memory_space<hbm>> -> memref<20480x80xf32, #tpu.memory_space<hbm>>
      tpu.wait_indirect_dma semaphore(%arg16 : memref<!tpu.dma_semaphore, #tpu.memory_space<semaphore_mem>>) src(%dma_wait3A_128 : memref<20480x80xf32, #tpu.memory_space<hbm>>) dst(%dma_wait3A_122 : memref<128x80xf32, #tpu.memory_space<vmem>>)
      %dma_wait3A_129 = arith.constant 1 : i32
      %dma_wait3A_130 = arith.constant 128 : i32
      %dma_wait3A_131 = arith.constant 0 : i32
      %dma_wait3A_132 = tpu.memref_slice %arg13[%dma_wait3A_130, %dma_wait3A_131] : memref<512x80xf32, #tpu.memory_space<vmem>> -> memref<128x80xf32, #tpu.memory_space<vmem>>
      %dma_wait3A_133 = arith.constant 0 : i32
      %dma_wait3A_134 = tpu.memref_slice %arg10[%dma_wait3A_129, %dma_wait3A_133] : memref<4x128xi32, #tpu.memory_space<vmem>> -> memref<1x128xi32, #tpu.memory_space<vmem>>
      %dma_wait3A_135 = tpu.memref_squeeze %dma_wait3A_134 : memref<1x128xi32, #tpu.memory_space<vmem>> -> memref<128xi32, #tpu.memory_space<vmem>>
      %dma_wait3A_136 = arith.constant 0 : i32
      %dma_wait3A_137 = arith.constant 0 : i32
      %dma_wait3A_138 = tpu.memref_slice %arg5[%dma_wait3A_136, %dma_wait3A_137] : memref<20480x80xf32, #tpu.memory_space<hbm>> -> memref<20480x80xf32, #tpu.memory_space<hbm>>
      tpu.wait_indirect_dma semaphore(%arg16 : memref<!tpu.dma_semaphore, #tpu.memory_space<semaphore_mem>>) src(%dma_wait3A_138 : memref<20480x80xf32, #tpu.memory_space<hbm>>) dst(%dma_wait3A_132 : memref<128x80xf32, #tpu.memory_space<vmem>>)
      %dma_wait3A_139 = arith.constant 2 : i32
      %dma_wait3A_140 = arith.constant 256 : i32
      %dma_wait3A_141 = arith.constant 0 : i32
      %dma_wait3A_142 = tpu.memref_slice %arg13[%dma_wait3A_140, %dma_wait3A_141] : memref<512x80xf32, #tpu.memory_space<vmem>> -> memref<128x80xf32, #tpu.memory_space<vmem>>
      %dma_wait3A_143 = arith.constant 0 : i32
      %dma_wait3A_144 = tpu.memref_slice %arg10[%dma_wait3A_139, %dma_wait3A_143] : memref<4x128xi32, #tpu.memory_space<vmem>> -> memref<1x128xi32, #tpu.memory_space<vmem>>
      %dma_wait3A_145 = tpu.memref_squeeze %dma_wait3A_144 : memref<1x128xi32, #tpu.memory_space<vmem>> -> memref<128xi32, #tpu.memory_space<vmem>>
      %dma_wait3A_146 = arith.constant 0 : i32
      %dma_wait3A_147 = arith.constant 0 : i32
      %dma_wait3A_148 = tpu.memref_slice %arg5[%dma_wait3A_146, %dma_wait3A_147] : memref<20480x80xf32, #tpu.memory_space<hbm>> -> memref<20480x80xf32, #tpu.memory_space<hbm>>
      tpu.wait_indirect_dma semaphore(%arg16 : memref<!tpu.dma_semaphore, #tpu.memory_space<semaphore_mem>>) src(%dma_wait3A_148 : memref<20480x80xf32, #tpu.memory_space<hbm>>) dst(%dma_wait3A_142 : memref<128x80xf32, #tpu.memory_space<vmem>>)
      %dma_wait3A_149 = arith.constant 3 : i32
      %dma_wait3A_150 = arith.constant 384 : i32
      %dma_wait3A_151 = arith.constant 0 : i32
      %dma_wait3A_152 = tpu.memref_slice %arg13[%dma_wait3A_150, %dma_wait3A_151] : memref<512x80xf32, #tpu.memory_space<vmem>> -> memref<128x80xf32, #tpu.memory_space<vmem>>
      %dma_wait3A_153 = arith.constant 0 : i32
      %dma_wait3A_154 = tpu.memref_slice %arg10[%dma_wait3A_149, %dma_wait3A_153] : memref<4x128xi32, #tpu.memory_space<vmem>> -> memref<1x128xi32, #tpu.memory_space<vmem>>
      %dma_wait3A_155 = tpu.memref_squeeze %dma_wait3A_154 : memref<1x128xi32, #tpu.memory_space<vmem>> -> memref<128xi32, #tpu.memory_space<vmem>>
      %dma_wait3A_156 = arith.constant 0 : i32
      %dma_wait3A_157 = arith.constant 0 : i32
      %dma_wait3A_158 = tpu.memref_slice %arg5[%dma_wait3A_156, %dma_wait3A_157] : memref<20480x80xf32, #tpu.memory_space<hbm>> -> memref<20480x80xf32, #tpu.memory_space<hbm>>
      tpu.wait_indirect_dma semaphore(%arg16 : memref<!tpu.dma_semaphore, #tpu.memory_space<semaphore_mem>>) src(%dma_wait3A_158 : memref<20480x80xf32, #tpu.memory_space<hbm>>) dst(%dma_wait3A_152 : memref<128x80xf32, #tpu.memory_space<vmem>>)
      %dma_wait3A_159 = arith.constant 0 : i32
      %dma_wait3A_160 = arith.constant 0 : i32
      %dma_wait3A_161 = arith.constant 0 : i32
      %dma_wait3A_162 = tpu.memref_slice %arg14[%dma_wait3A_160, %dma_wait3A_161] : memref<512x16xf32, #tpu.memory_space<vmem>> -> memref<128x16xf32, #tpu.memory_space<vmem>>
      %dma_wait3A_163 = arith.constant 0 : i32
      %dma_wait3A_164 = tpu.memref_slice %arg11[%dma_wait3A_159, %dma_wait3A_163] : memref<4x128xi32, #tpu.memory_space<vmem>> -> memref<1x128xi32, #tpu.memory_space<vmem>>
      %dma_wait3A_165 = tpu.memref_squeeze %dma_wait3A_164 : memref<1x128xi32, #tpu.memory_space<vmem>> -> memref<128xi32, #tpu.memory_space<vmem>>
      %dma_wait3A_166 = arith.constant 0 : i32
      %dma_wait3A_167 = arith.constant 0 : i32
      %dma_wait3A_168 = tpu.memref_slice %arg6[%dma_wait3A_166, %dma_wait3A_167] : memref<10240x16xf32, #tpu.memory_space<hbm>> -> memref<10240x16xf32, #tpu.memory_space<hbm>>
      tpu.wait_indirect_dma semaphore(%arg16 : memref<!tpu.dma_semaphore, #tpu.memory_space<semaphore_mem>>) src(%dma_wait3A_168 : memref<10240x16xf32, #tpu.memory_space<hbm>>) dst(%dma_wait3A_162 : memref<128x16xf32, #tpu.memory_space<vmem>>)
      %dma_wait3A_169 = arith.constant 1 : i32
      %dma_wait3A_170 = arith.constant 128 : i32
      %dma_wait3A_171 = arith.constant 0 : i32
      %dma_wait3A_172 = tpu.memref_slice %arg14[%dma_wait3A_170, %dma_wait3A_171] : memref<512x16xf32, #tpu.memory_space<vmem>> -> memref<128x16xf32, #tpu.memory_space<vmem>>
      %dma_wait3A_173 = arith.constant 0 : i32
      %dma_wait3A_174 = tpu.memref_slice %arg11[%dma_wait3A_169, %dma_wait3A_173] : memref<4x128xi32, #tpu.memory_space<vmem>> -> memref<1x128xi32, #tpu.memory_space<vmem>>
      %dma_wait3A_175 = tpu.memref_squeeze %dma_wait3A_174 : memref<1x128xi32, #tpu.memory_space<vmem>> -> memref<128xi32, #tpu.memory_space<vmem>>
      %dma_wait3A_176 = arith.constant 0 : i32
      %dma_wait3A_177 = arith.constant 0 : i32
      %dma_wait3A_178 = tpu.memref_slice %arg6[%dma_wait3A_176, %dma_wait3A_177] : memref<10240x16xf32, #tpu.memory_space<hbm>> -> memref<10240x16xf32, #tpu.memory_space<hbm>>
      tpu.wait_indirect_dma semaphore(%arg16 : memref<!tpu.dma_semaphore, #tpu.memory_space<semaphore_mem>>) src(%dma_wait3A_178 : memref<10240x16xf32, #tpu.memory_space<hbm>>) dst(%dma_wait3A_172 : memref<128x16xf32, #tpu.memory_space<vmem>>)
      %dma_wait3A_179 = arith.constant 2 : i32
      %dma_wait3A_180 = arith.constant 256 : i32
      %dma_wait3A_181 = arith.constant 0 : i32
      %dma_wait3A_182 = tpu.memref_slice %arg14[%dma_wait3A_180, %dma_wait3A_181] : memref<512x16xf32, #tpu.memory_space<vmem>> -> memref<128x16xf32, #tpu.memory_space<vmem>>
      %dma_wait3A_183 = arith.constant 0 : i32
      %dma_wait3A_184 = tpu.memref_slice %arg11[%dma_wait3A_179, %dma_wait3A_183] : memref<4x128xi32, #tpu.memory_space<vmem>> -> memref<1x128xi32, #tpu.memory_space<vmem>>
      %dma_wait3A_185 = tpu.memref_squeeze %dma_wait3A_184 : memref<1x128xi32, #tpu.memory_space<vmem>> -> memref<128xi32, #tpu.memory_space<vmem>>
      %dma_wait3A_186 = arith.constant 0 : i32
      %dma_wait3A_187 = arith.constant 0 : i32
      %dma_wait3A_188 = tpu.memref_slice %arg6[%dma_wait3A_186, %dma_wait3A_187] : memref<10240x16xf32, #tpu.memory_space<hbm>> -> memref<10240x16xf32, #tpu.memory_space<hbm>>
      tpu.wait_indirect_dma semaphore(%arg16 : memref<!tpu.dma_semaphore, #tpu.memory_space<semaphore_mem>>) src(%dma_wait3A_188 : memref<10240x16xf32, #tpu.memory_space<hbm>>) dst(%dma_wait3A_182 : memref<128x16xf32, #tpu.memory_space<vmem>>)
      %dma_wait3A_189 = arith.constant 3 : i32
      %dma_wait3A_190 = arith.constant 384 : i32
      %dma_wait3A_191 = arith.constant 0 : i32
      %dma_wait3A_192 = tpu.memref_slice %arg14[%dma_wait3A_190, %dma_wait3A_191] : memref<512x16xf32, #tpu.memory_space<vmem>> -> memref<128x16xf32, #tpu.memory_space<vmem>>
      %dma_wait3A_193 = arith.constant 0 : i32
      %dma_wait3A_194 = tpu.memref_slice %arg11[%dma_wait3A_189, %dma_wait3A_193] : memref<4x128xi32, #tpu.memory_space<vmem>> -> memref<1x128xi32, #tpu.memory_space<vmem>>
      %dma_wait3A_195 = tpu.memref_squeeze %dma_wait3A_194 : memref<1x128xi32, #tpu.memory_space<vmem>> -> memref<128xi32, #tpu.memory_space<vmem>>
      %dma_wait3A_196 = arith.constant 0 : i32
      %dma_wait3A_197 = arith.constant 0 : i32
      %dma_wait3A_198 = tpu.memref_slice %arg6[%dma_wait3A_196, %dma_wait3A_197] : memref<10240x16xf32, #tpu.memory_space<hbm>> -> memref<10240x16xf32, #tpu.memory_space<hbm>>
      tpu.wait_indirect_dma semaphore(%arg16 : memref<!tpu.dma_semaphore, #tpu.memory_space<semaphore_mem>>) src(%dma_wait3A_198 : memref<10240x16xf32, #tpu.memory_space<hbm>>) dst(%dma_wait3A_192 : memref<128x16xf32, #tpu.memory_space<vmem>>)
      %scan3A_199 = arith.constant 0 : i32
      %scan3A_200 = arith.constant 0 : i32
      %scan3A_201 = arith.constant 512 : i32
      %scan3A_202 = arith.addi %scan3A_200, %scan3A_201 : i32
      %scan3A_203 = arith.constant 1 : i32
      scf.for %scan3A_208 = %scan3A_200 to %scan3A_202 step %scan3A_203  : i32 {
        %get3A_209 = arith.index_cast %scan3A_208 : i32 to index
        %get3A_210 = arith.constant 64 : index
        %get3A_211 = tpu.vector_load %arg13[%get3A_209, %get3A_210] {strides = array<i32>} : memref<512x80xf32, #tpu.memory_space<vmem>>, vector<1x16xf32>,
        %get3A_212 = vector.shape_cast %get3A_211 : vector<1x16xf32> to vector<16xf32>
        %get3A_213 = arith.index_cast %scan3A_208 : i32 to index
        %get3A_214 = arith.constant 0 : index
        %get3A_215 = tpu.vector_load %arg14[%get3A_213, %get3A_214] {strides = array<i32>} : memref<512x16xf32, #tpu.memory_space<vmem>>, vector<1x16xf32>,
        %get3A_216 = vector.shape_cast %get3A_215 : vector<1x16xf32> to vector<16xf32>
        %get3A_217 = arith.index_cast %scan3A_208 : i32 to index
        %get3A_218 = tpu.vector_load %arg12[%get3A_217] {strides = array<i32>} : memref<528xf32, #tpu.memory_space<vmem>>, vector<16xf32>,
        %get3A_219 = vector.shape_cast %get3A_218 : vector<16xf32> to vector<16xf32>
        %slice3A_220 = vector.extract_strided_slice %get3A_219 {offsets = [0], sizes = [1], strides = [1]} : vector<16xf32> to vector<1xf32>
        %squeeze3A_221 = vector.extract %slice3A_220[0] : f32 from vector<1xf32>
        %slice3A_222 = vector.extract_strided_slice %get3A_212 {offsets = [1], sizes = [1], strides = [1]} : vector<16xf32> to vector<1xf32>
        %squeeze3A_223 = vector.extract %slice3A_222[0] : f32 from vector<1xf32>
        %slice3A_224 = vector.extract_strided_slice %get3A_216 {offsets = [0], sizes = [1], strides = [1]} : vector<16xf32> to vector<1xf32>
        %squeeze3A_225 = vector.extract %slice3A_224[0] : f32 from vector<1xf32>
        %add3A_226 = arith.addf %squeeze3A_223, %squeeze3A_225 : f32
        %mul3A_227 = arith.mulf %squeeze3A, %squeeze3A_221 : f32
        %add3A_228 = arith.addf %add3A_226, %mul3A_227 : f32
        %ge3A = arith.constant 0.000000e+00 : f32
        %ge3A_229 = arith.cmpf oge, %add3A_228, %ge3A : f32
        %mul3A_230 = arith.constant 2.000000e-01 : f32
        %mul3A_231 = arith.mulf %mul3A_230, %add3A_228 : f32
        %select_n3A = arith.select %ge3A_229, %add3A_228, %mul3A_231 : f32
        %broadcast_in_dim3A = vector.broadcast %select_n3A : f32 to vector<16xf32>
        %exp3A = math.exp %broadcast_in_dim3A : vector<16xf32>
        %get3A_232 = arith.index_cast %scan3A_208 : i32 to index
        %get3A_233 = arith.constant 0 : index
        %get3A_234 = tpu.vector_load %arg13[%get3A_232, %get3A_233] {strides = array<i32>} : memref<512x80xf32, #tpu.memory_space<vmem>>, vector<1x16xf32>,
        %get3A_235 = vector.shape_cast %get3A_234 : vector<1x16xf32> to vector<16xf32>
        %mul3A_236 = arith.mulf %get3A_235, %exp3A : vector<16xf32>
        %swap3A = arith.index_cast %scan3A_208 : i32 to index
        %swap3A_237 = arith.constant 0 : index
        %swap3A_238 = tpu.vector_load %arg13[%swap3A, %swap3A_237] {strides = array<i32>} : memref<512x80xf32, #tpu.memory_space<vmem>>, vector<1x16xf32>,
        %swap3A_239 = vector.shape_cast %swap3A_238 : vector<1x16xf32> to vector<16xf32>
        %swap3A_240 = vector.shape_cast %mul3A_236 : vector<16xf32> to vector<1x16xf32>
        tpu.vector_store %arg13[%swap3A, %swap3A_237], %swap3A_240 {strides = array<i32>} : memref<512x80xf32, #tpu.memory_space<vmem>>, vector<1x16xf32>,
        %get3A_241 = arith.index_cast %scan3A_208 : i32 to index
        %get3A_242 = arith.constant 16 : index
        %get3A_243 = tpu.vector_load %arg13[%get3A_241, %get3A_242] {strides = array<i32>} : memref<512x80xf32, #tpu.memory_space<vmem>>, vector<1x16xf32>,
        %get3A_244 = vector.shape_cast %get3A_243 : vector<1x16xf32> to vector<16xf32>
        %mul3A_245 = arith.mulf %get3A_244, %exp3A : vector<16xf32>
        %swap3A_246 = arith.index_cast %scan3A_208 : i32 to index
        %swap3A_247 = arith.constant 16 : index
        %swap3A_248 = tpu.vector_load %arg13[%swap3A_246, %swap3A_247] {strides = array<i32>} : memref<512x80xf32, #tpu.memory_space<vmem>>, vector<1x16xf32>,
        %swap3A_249 = vector.shape_cast %swap3A_248 : vector<1x16xf32> to vector<16xf32>
        %swap3A_250 = vector.shape_cast %mul3A_245 : vector<16xf32> to vector<1x16xf32>
        tpu.vector_store %arg13[%swap3A_246, %swap3A_247], %swap3A_250 {strides = array<i32>} : memref<512x80xf32, #tpu.memory_space<vmem>>, vector<1x16xf32>,
        %get3A_251 = arith.index_cast %scan3A_208 : i32 to index
        %get3A_252 = arith.constant 32 : index
        %get3A_253 = tpu.vector_load %arg13[%get3A_251, %get3A_252] {strides = array<i32>} : memref<512x80xf32, #tpu.memory_space<vmem>>, vector<1x16xf32>,
        %get3A_254 = vector.shape_cast %get3A_253 : vector<1x16xf32> to vector<16xf32>
        %mul3A_255 = arith.mulf %get3A_254, %exp3A : vector<16xf32>
        %swap3A_256 = arith.index_cast %scan3A_208 : i32 to index
        %swap3A_257 = arith.constant 32 : index
        %swap3A_258 = tpu.vector_load %arg13[%swap3A_256, %swap3A_257] {strides = array<i32>} : memref<512x80xf32, #tpu.memory_space<vmem>>, vector<1x16xf32>,
        %swap3A_259 = vector.shape_cast %swap3A_258 : vector<1x16xf32> to vector<16xf32>
        %swap3A_260 = vector.shape_cast %mul3A_255 : vector<16xf32> to vector<1x16xf32>
        tpu.vector_store %arg13[%swap3A_256, %swap3A_257], %swap3A_260 {strides = array<i32>} : memref<512x80xf32, #tpu.memory_space<vmem>>, vector<1x16xf32>,
        %get3A_261 = arith.index_cast %scan3A_208 : i32 to index
        %get3A_262 = arith.constant 48 : index
        %get3A_263 = tpu.vector_load %arg13[%get3A_261, %get3A_262] {strides = array<i32>} : memref<512x80xf32, #tpu.memory_space<vmem>>, vector<1x16xf32>,
        %get3A_264 = vector.shape_cast %get3A_263 : vector<1x16xf32> to vector<16xf32>
        %mul3A_265 = arith.mulf %get3A_264, %exp3A : vector<16xf32>
        %swap3A_266 = arith.index_cast %scan3A_208 : i32 to index
        %swap3A_267 = arith.constant 48 : index
        %swap3A_268 = tpu.vector_load %arg13[%swap3A_266, %swap3A_267] {strides = array<i32>} : memref<512x80xf32, #tpu.memory_space<vmem>>, vector<1x16xf32>,
        %swap3A_269 = vector.shape_cast %swap3A_268 : vector<1x16xf32> to vector<16xf32>
        %swap3A_270 = vector.shape_cast %mul3A_265 : vector<16xf32> to vector<1x16xf32>
        tpu.vector_store %arg13[%swap3A_266, %swap3A_267], %swap3A_270 {strides = array<i32>} : memref<512x80xf32, #tpu.memory_space<vmem>>, vector<1x16xf32>,
        %get3A_271 = arith.index_cast %scan3A_208 : i32 to index
        %get3A_272 = arith.constant 64 : index
        %get3A_273 = tpu.vector_load %arg13[%get3A_271, %get3A_272] {strides = array<i32>} : memref<512x80xf32, #tpu.memory_space<vmem>>, vector<1x16xf32>,
        %get3A_274 = vector.shape_cast %get3A_273 : vector<1x16xf32> to vector<16xf32>
        %mul3A_275 = arith.mulf %get3A_274, %exp3A : vector<16xf32>
        %swap3A_276 = arith.index_cast %scan3A_208 : i32 to index
        %swap3A_277 = arith.constant 64 : index
        %swap3A_278 = tpu.vector_load %arg13[%swap3A_276, %swap3A_277] {strides = array<i32>} : memref<512x80xf32, #tpu.memory_space<vmem>>, vector<1x16xf32>,
        %swap3A_279 = vector.shape_cast %swap3A_278 : vector<1x16xf32> to vector<16xf32>
        %swap3A_280 = vector.shape_cast %mul3A_275 : vector<16xf32> to vector<1x16xf32>
        tpu.vector_store %arg13[%swap3A_276, %swap3A_277], %swap3A_280 {strides = array<i32>} : memref<512x80xf32, #tpu.memory_space<vmem>>, vector<1x16xf32>,
      }
      %scan3A_204 = arith.constant 512 : i32
      %run_scoped3A = arith.constant 0 : i32
      "tpu.region"() ({
        %run_scoped3A_208 = tpu.sem_alloc : memref<!tpu.dma_semaphore, #tpu.memory_space<semaphore_mem>>
        %dma_start3A_209 = arith.constant 0 : i32
        %dma_start3A_210 = arith.constant 0 : i32
        %dma_start3A_211 = tpu.memref_slice %arg13[%dma_start3A_209, %dma_start3A_210] : memref<512x80xf32, #tpu.memory_space<vmem>> -> memref<128x80xf32, #tpu.memory_space<vmem>>
        %dma_start3A_212 = arith.constant 0 : i32
        %dma_start3A_213 = tpu.memref_slice %arg11[%run_scoped3A, %dma_start3A_212] : memref<4x128xi32, #tpu.memory_space<vmem>> -> memref<1x128xi32, #tpu.memory_space<vmem>>
        %dma_start3A_214 = tpu.memref_squeeze %dma_start3A_213 : memref<1x128xi32, #tpu.memory_space<vmem>> -> memref<128xi32, #tpu.memory_space<vmem>>
        %dma_start3A_215 = arith.constant 0 : i32
        %dma_start3A_216 = arith.constant 0 : i32
        %dma_start3A_217 = tpu.memref_slice %arg9[%dma_start3A_215, %dma_start3A_216] : memref<10240x80xf32, #tpu.memory_space<vmem_shared>> -> memref<10240x80xf32, #tpu.memory_space<vmem_shared>>
        tpu.enqueue_indirect_dma source(%dma_start3A_211 : memref<128x80xf32, #tpu.memory_space<vmem>>) target(%dma_start3A_217 : memref<10240x80xf32, #tpu.memory_space<vmem_shared>>) offsets(%dma_start3A_214 : memref<128xi32, #tpu.memory_space<vmem>>) semaphore(%run_scoped3A_208 : memref<!tpu.dma_semaphore, #tpu.memory_space<semaphore_mem>>) {add = true}
        %dma_wait3A_218 = arith.constant 0 : i32
        %dma_wait3A_219 = arith.constant 0 : i32
        %dma_wait3A_220 = tpu.memref_slice %arg13[%dma_wait3A_218, %dma_wait3A_219] : memref<512x80xf32, #tpu.memory_space<vmem>> -> memref<128x80xf32, #tpu.memory_space<vmem>>
        %dma_wait3A_221 = arith.constant 0 : i32
        %dma_wait3A_222 = tpu.memref_slice %arg11[%run_scoped3A, %dma_wait3A_221] : memref<4x128xi32, #tpu.memory_space<vmem>> -> memref<1x128xi32, #tpu.memory_space<vmem>>
        %dma_wait3A_223 = tpu.memref_squeeze %dma_wait3A_222 : memref<1x128xi32, #tpu.memory_space<vmem>> -> memref<128xi32, #tpu.memory_space<vmem>>
        %dma_wait3A_224 = arith.constant 0 : i32
        %dma_wait3A_225 = arith.constant 0 : i32
        %dma_wait3A_226 = tpu.memref_slice %arg9[%dma_wait3A_224, %dma_wait3A_225] : memref<10240x80xf32, #tpu.memory_space<vmem_shared>> -> memref<10240x80xf32, #tpu.memory_space<vmem_shared>>
        tpu.wait_indirect_dma semaphore(%run_scoped3A_208 : memref<!tpu.dma_semaphore, #tpu.memory_space<semaphore_mem>>) src(%dma_wait3A_220 : memref<128x80xf32, #tpu.memory_space<vmem>>) dst(%dma_wait3A_226 : memref<10240x80xf32, #tpu.memory_space<vmem_shared>>)
        tpu.yield
      }) : () -> ()
      %run_scoped3A_205 = arith.constant 1 : i32
      "tpu.region"() ({
        %run_scoped3A_208 = tpu.sem_alloc : memref<!tpu.dma_semaphore, #tpu.memory_space<semaphore_mem>>
        %dma_start3A_209 = arith.constant 128 : i32
        %dma_start3A_210 = arith.constant 0 : i32
        %dma_start3A_211 = tpu.memref_slice %arg13[%dma_start3A_209, %dma_start3A_210] : memref<512x80xf32, #tpu.memory_space<vmem>> -> memref<128x80xf32, #tpu.memory_space<vmem>>
        %dma_start3A_212 = arith.constant 0 : i32
        %dma_start3A_213 = tpu.memref_slice %arg11[%run_scoped3A_205, %dma_start3A_212] : memref<4x128xi32, #tpu.memory_space<vmem>> -> memref<1x128xi32, #tpu.memory_space<vmem>>
        %dma_start3A_214 = tpu.memref_squeeze %dma_start3A_213 : memref<1x128xi32, #tpu.memory_space<vmem>> -> memref<128xi32, #tpu.memory_space<vmem>>
        %dma_start3A_215 = arith.constant 0 : i32
        %dma_start3A_216 = arith.constant 0 : i32
        %dma_start3A_217 = tpu.memref_slice %arg9[%dma_start3A_215, %dma_start3A_216] : memref<10240x80xf32, #tpu.memory_space<vmem_shared>> -> memref<10240x80xf32, #tpu.memory_space<vmem_shared>>
        tpu.enqueue_indirect_dma source(%dma_start3A_211 : memref<128x80xf32, #tpu.memory_space<vmem>>) target(%dma_start3A_217 : memref<10240x80xf32, #tpu.memory_space<vmem_shared>>) offsets(%dma_start3A_214 : memref<128xi32, #tpu.memory_space<vmem>>) semaphore(%run_scoped3A_208 : memref<!tpu.dma_semaphore, #tpu.memory_space<semaphore_mem>>) {add = true}
        %dma_wait3A_218 = arith.constant 128 : i32
        %dma_wait3A_219 = arith.constant 0 : i32
        %dma_wait3A_220 = tpu.memref_slice %arg13[%dma_wait3A_218, %dma_wait3A_219] : memref<512x80xf32, #tpu.memory_space<vmem>> -> memref<128x80xf32, #tpu.memory_space<vmem>>
        %dma_wait3A_221 = arith.constant 0 : i32
        %dma_wait3A_222 = tpu.memref_slice %arg11[%run_scoped3A_205, %dma_wait3A_221] : memref<4x128xi32, #tpu.memory_space<vmem>> -> memref<1x128xi32, #tpu.memory_space<vmem>>
        %dma_wait3A_223 = tpu.memref_squeeze %dma_wait3A_222 : memref<1x128xi32, #tpu.memory_space<vmem>> -> memref<128xi32, #tpu.memory_space<vmem>>
        %dma_wait3A_224 = arith.constant 0 : i32
        %dma_wait3A_225 = arith.constant 0 : i32
        %dma_wait3A_226 = tpu.memref_slice %arg9[%dma_wait3A_224, %dma_wait3A_225] : memref<10240x80xf32, #tpu.memory_space<vmem_shared>> -> memref<10240x80xf32, #tpu.memory_space<vmem_shared>>
        tpu.wait_indirect_dma semaphore(%run_scoped3A_208 : memref<!tpu.dma_semaphore, #tpu.memory_space<semaphore_mem>>) src(%dma_wait3A_220 : memref<128x80xf32, #tpu.memory_space<vmem>>) dst(%dma_wait3A_226 : memref<10240x80xf32, #tpu.memory_space<vmem_shared>>)
        tpu.yield
      }) : () -> ()
      %run_scoped3A_206 = arith.constant 2 : i32
      "tpu.region"() ({
        %run_scoped3A_208 = tpu.sem_alloc : memref<!tpu.dma_semaphore, #tpu.memory_space<semaphore_mem>>
        %dma_start3A_209 = arith.constant 256 : i32
        %dma_start3A_210 = arith.constant 0 : i32
        %dma_start3A_211 = tpu.memref_slice %arg13[%dma_start3A_209, %dma_start3A_210] : memref<512x80xf32, #tpu.memory_space<vmem>> -> memref<128x80xf32, #tpu.memory_space<vmem>>
        %dma_start3A_212 = arith.constant 0 : i32
        %dma_start3A_213 = tpu.memref_slice %arg11[%run_scoped3A_206, %dma_start3A_212] : memref<4x128xi32, #tpu.memory_space<vmem>> -> memref<1x128xi32, #tpu.memory_space<vmem>>
        %dma_start3A_214 = tpu.memref_squeeze %dma_start3A_213 : memref<1x128xi32, #tpu.memory_space<vmem>> -> memref<128xi32, #tpu.memory_space<vmem>>
        %dma_start3A_215 = arith.constant 0 : i32
        %dma_start3A_216 = arith.constant 0 : i32
        %dma_start3A_217 = tpu.memref_slice %arg9[%dma_start3A_215, %dma_start3A_216] : memref<10240x80xf32, #tpu.memory_space<vmem_shared>> -> memref<10240x80xf32, #tpu.memory_space<vmem_shared>>
        tpu.enqueue_indirect_dma source(%dma_start3A_211 : memref<128x80xf32, #tpu.memory_space<vmem>>) target(%dma_start3A_217 : memref<10240x80xf32, #tpu.memory_space<vmem_shared>>) offsets(%dma_start3A_214 : memref<128xi32, #tpu.memory_space<vmem>>) semaphore(%run_scoped3A_208 : memref<!tpu.dma_semaphore, #tpu.memory_space<semaphore_mem>>) {add = true}
        %dma_wait3A_218 = arith.constant 256 : i32
        %dma_wait3A_219 = arith.constant 0 : i32
        %dma_wait3A_220 = tpu.memref_slice %arg13[%dma_wait3A_218, %dma_wait3A_219] : memref<512x80xf32, #tpu.memory_space<vmem>> -> memref<128x80xf32, #tpu.memory_space<vmem>>
        %dma_wait3A_221 = arith.constant 0 : i32
        %dma_wait3A_222 = tpu.memref_slice %arg11[%run_scoped3A_206, %dma_wait3A_221] : memref<4x128xi32, #tpu.memory_space<vmem>> -> memref<1x128xi32, #tpu.memory_space<vmem>>
        %dma_wait3A_223 = tpu.memref_squeeze %dma_wait3A_222 : memref<1x128xi32, #tpu.memory_space<vmem>> -> memref<128xi32, #tpu.memory_space<vmem>>
        %dma_wait3A_224 = arith.constant 0 : i32
        %dma_wait3A_225 = arith.constant 0 : i32
        %dma_wait3A_226 = tpu.memref_slice %arg9[%dma_wait3A_224, %dma_wait3A_225] : memref<10240x80xf32, #tpu.memory_space<vmem_shared>> -> memref<10240x80xf32, #tpu.memory_space<vmem_shared>>
        tpu.wait_indirect_dma semaphore(%run_scoped3A_208 : memref<!tpu.dma_semaphore, #tpu.memory_space<semaphore_mem>>) src(%dma_wait3A_220 : memref<128x80xf32, #tpu.memory_space<vmem>>) dst(%dma_wait3A_226 : memref<10240x80xf32, #tpu.memory_space<vmem_shared>>)
        tpu.yield
      }) : () -> ()
      %run_scoped3A_207 = arith.constant 3 : i32
      "tpu.region"() ({
        %run_scoped3A_208 = tpu.sem_alloc : memref<!tpu.dma_semaphore, #tpu.memory_space<semaphore_mem>>
        %dma_start3A_209 = arith.constant 384 : i32
        %dma_start3A_210 = arith.constant 0 : i32
        %dma_start3A_211 = tpu.memref_slice %arg13[%dma_start3A_209, %dma_start3A_210] : memref<512x80xf32, #tpu.memory_space<vmem>> -> memref<128x80xf32, #tpu.memory_space<vmem>>
        %dma_start3A_212 = arith.constant 0 : i32
        %dma_start3A_213 = tpu.memref_slice %arg11[%run_scoped3A_207, %dma_start3A_212] : memref<4x128xi32, #tpu.memory_space<vmem>> -> memref<1x128xi32, #tpu.memory_space<vmem>>
        %dma_start3A_214 = tpu.memref_squeeze %dma_start3A_213 : memref<1x128xi32, #tpu.memory_space<vmem>> -> memref<128xi32, #tpu.memory_space<vmem>>
        %dma_start3A_215 = arith.constant 0 : i32
        %dma_start3A_216 = arith.constant 0 : i32
        %dma_start3A_217 = tpu.memref_slice %arg9[%dma_start3A_215, %dma_start3A_216] : memref<10240x80xf32, #tpu.memory_space<vmem_shared>> -> memref<10240x80xf32, #tpu.memory_space<vmem_shared>>
        tpu.enqueue_indirect_dma source(%dma_start3A_211 : memref<128x80xf32, #tpu.memory_space<vmem>>) target(%dma_start3A_217 : memref<10240x80xf32, #tpu.memory_space<vmem_shared>>) offsets(%dma_start3A_214 : memref<128xi32, #tpu.memory_space<vmem>>) semaphore(%run_scoped3A_208 : memref<!tpu.dma_semaphore, #tpu.memory_space<semaphore_mem>>) {add = true}
        %dma_wait3A_218 = arith.constant 384 : i32
        %dma_wait3A_219 = arith.constant 0 : i32
        %dma_wait3A_220 = tpu.memref_slice %arg13[%dma_wait3A_218, %dma_wait3A_219] : memref<512x80xf32, #tpu.memory_space<vmem>> -> memref<128x80xf32, #tpu.memory_space<vmem>>
        %dma_wait3A_221 = arith.constant 0 : i32
        %dma_wait3A_222 = tpu.memref_slice %arg11[%run_scoped3A_207, %dma_wait3A_221] : memref<4x128xi32, #tpu.memory_space<vmem>> -> memref<1x128xi32, #tpu.memory_space<vmem>>
        %dma_wait3A_223 = tpu.memref_squeeze %dma_wait3A_222 : memref<1x128xi32, #tpu.memory_space<vmem>> -> memref<128xi32, #tpu.memory_space<vmem>>
        %dma_wait3A_224 = arith.constant 0 : i32
        %dma_wait3A_225 = arith.constant 0 : i32
        %dma_wait3A_226 = tpu.memref_slice %arg9[%dma_wait3A_224, %dma_wait3A_225] : memref<10240x80xf32, #tpu.memory_space<vmem_shared>> -> memref<10240x80xf32, #tpu.memory_space<vmem_shared>>
        tpu.wait_indirect_dma semaphore(%run_scoped3A_208 : memref<!tpu.dma_semaphore, #tpu.memory_space<semaphore_mem>>) src(%dma_wait3A_220 : memref<128x80xf32, #tpu.memory_space<vmem>>) dst(%dma_wait3A_226 : memref<10240x80xf32, #tpu.memory_space<vmem_shared>>)
        tpu.yield
      }) : () -> ()
    }
    %scan3A_20 = arith.constant 20 : i32
    %barrier3A_21 = arith.constant 0 : index
    tpu.barrier barrier_id(%barrier3A_21)
    %mul3A_22 = arith.constant 640 : i32
    %mul3A_23 = arith.muli %arg1, %mul3A_22 : i32
    %mul3A_24 = arith.constant 640 : i32
    %mul3A_25 = arith.muli %arg1, %mul3A_24 : i32
    "tpu.region"() ({
      %run_scoped3A = tpu.sem_alloc : memref<!tpu.dma_semaphore, #tpu.memory_space<semaphore_mem>>
      %dma_start3A = arith.constant 0 : i32
      %dma_start3A_26 = tpu.memref_slice %arg8[%arg0, %mul3A_25, %dma_start3A] : memref<2x10240x80xf32, #tpu.memory_space<hbm>> -> memref<1x640x80xf32, #tpu.memory_space<hbm>>
      %dma_start3A_27 = tpu.memref_squeeze %dma_start3A_26 : memref<1x640x80xf32, #tpu.memory_space<hbm>> -> memref<640x80xf32, #tpu.memory_space<hbm>>
      %dma_start3A_28 = arith.constant 0 : i32
      %dma_start3A_29 = tpu.memref_slice %arg9[%mul3A_23, %dma_start3A_28] : memref<10240x80xf32, #tpu.memory_space<vmem_shared>> -> memref<640x80xf32, #tpu.memory_space<vmem_shared>>
      tpu.enqueue_dma source(%dma_start3A_29 : memref<640x80xf32, #tpu.memory_space<vmem_shared>>) target(%dma_start3A_27 : memref<640x80xf32, #tpu.memory_space<hbm>>) target_semaphore(%run_scoped3A : memref<!tpu.dma_semaphore, #tpu.memory_space<semaphore_mem>>)
      %dma_wait3A = arith.constant 0 : i32
      %dma_wait3A_30 = tpu.memref_slice %arg8[%arg0, %mul3A_25, %dma_wait3A] : memref<2x10240x80xf32, #tpu.memory_space<hbm>> -> memref<1x640x80xf32, #tpu.memory_space<hbm>>
      %dma_wait3A_31 = tpu.memref_squeeze %dma_wait3A_30 : memref<1x640x80xf32, #tpu.memory_space<hbm>> -> memref<640x80xf32, #tpu.memory_space<hbm>>
      %dma_wait3A_32 = arith.constant 0 : i32
      %dma_wait3A_33 = tpu.memref_slice %arg9[%mul3A_23, %dma_wait3A_32] : memref<10240x80xf32, #tpu.memory_space<vmem_shared>> -> memref<640x80xf32, #tpu.memory_space<vmem_shared>>
      tpu.wait_dma2 semaphore(%run_scoped3A : memref<!tpu.dma_semaphore, #tpu.memory_space<semaphore_mem>>) src(%dma_wait3A_33 : memref<640x80xf32, #tpu.memory_space<vmem_shared>>) dst(%dma_wait3A_31 : memref<640x80xf32, #tpu.memory_space<hbm>>)
      tpu.yield
    }) : () -> ()
    return
  }
}

#map = affine_map<(d0, d1) -> (0, 0)>
#map1 = affine_map<(d0, d1) -> (0, 0, 0)>
module attributes {stable_mosaic.version = 14 : i64} {
  func.func @_deg_body(%arg0: i32, %arg1: i32, %arg2: memref<1280x128xi32, #tpu.memory_space<hbm>>, %arg3: memref<1280x128xf32, #tpu.memory_space<hbm>>, %arg4: memref<2x10240x16xf32, #tpu.memory_space<hbm>>, %arg5: memref<10240x16xf32, #tpu.memory_space<vmem_shared>>, %arg6: memref<8x128xi32, #tpu.memory_space<vmem>>, %arg7: memref<1040xf32, #tpu.memory_space<vmem>>, %arg8: memref<1024x16xf32, #tpu.memory_space<vmem>>, %arg9: memref<!tpu.dma_semaphore, #tpu.memory_space<semaphore_mem>>) attributes {dimension_semantics = [#tpu.dimension_semantics<core_parallel>, #tpu.dimension_semantics<subcore_parallel>], iteration_bounds = array<i64: 2, 16>, scalar_prefetch = 0 : i64, scratch_operands = 5 : i64, tpu.core_type = #tpu.core_type<sc_vector_subcore>, window_params = [{transform_indices = #map}, {transform_indices = #map}, {transform_indices = #map1}]} {
    %scan3A = arith.constant 0 : i32
    %scan3A_0 = arith.constant 0 : i32
    %scan3A_1 = arith.constant 1024 : i32
    %scan3A_2 = arith.addi %scan3A_0, %scan3A_1 : i32
    %scan3A_3 = arith.constant 1 : i32
    scf.for %scan3A_29 = %scan3A_0 to %scan3A_2 step %scan3A_3  : i32 {
      %broadcast_in_dim3A_30 = arith.constant 0.000000e+00 : f32
      %broadcast_in_dim3A_31 = vector.broadcast %broadcast_in_dim3A_30 : f32 to vector<16xf32>
      %swap3A = arith.index_cast %scan3A_29 : i32 to index
      %swap3A_32 = arith.constant 0 : index
      %swap3A_33 = tpu.vector_load %arg8[%swap3A, %swap3A_32] {strides = array<i32>} : memref<1024x16xf32, #tpu.memory_space<vmem>>, vector<1x16xf32>,
      %swap3A_34 = vector.shape_cast %swap3A_33 : vector<1x16xf32> to vector<16xf32>
      %swap3A_35 = vector.shape_cast %broadcast_in_dim3A_31 : vector<16xf32> to vector<1x16xf32>
      tpu.vector_store %arg8[%swap3A, %swap3A_32], %swap3A_35 {strides = array<i32>} : memref<1024x16xf32, #tpu.memory_space<vmem>>, vector<1x16xf32>,
    }
    %scan3A_4 = arith.constant 1024 : i32
    %mul3A = arith.constant 640 : i32
    %mul3A_5 = arith.muli %arg1, %mul3A : i32
    "tpu.region"() ({
      %run_scoped3A = tpu.sem_alloc : memref<!tpu.dma_semaphore, #tpu.memory_space<semaphore_mem>>
      %dma_start3A = arith.constant 0 : i32
      %dma_start3A_29 = arith.constant 0 : i32
      %dma_start3A_30 = tpu.memref_slice %arg8[%dma_start3A, %dma_start3A_29] : memref<1024x16xf32, #tpu.memory_space<vmem>> -> memref<512x16xf32, #tpu.memory_space<vmem>>
      %dma_start3A_31 = arith.constant 0 : i32
      %dma_start3A_32 = tpu.memref_slice %arg5[%mul3A_5, %dma_start3A_31] : memref<10240x16xf32, #tpu.memory_space<vmem_shared>> -> memref<512x16xf32, #tpu.memory_space<vmem_shared>>
      %dma_start3A_33 = arith.constant 0 : i32
      %dma_start3A_34 = tpu.memref_slice %arg5[%mul3A_5, %dma_start3A_33] : memref<10240x16xf32, #tpu.memory_space<vmem_shared>> -> memref<512x16xf32, #tpu.memory_space<vmem_shared>>
      %dma_start3A_35 = arith.constant 0 : i32
      %dma_start3A_36 = arith.constant 0 : i32
      %dma_start3A_37 = tpu.memref_slice %arg8[%dma_start3A_35, %dma_start3A_36] : memref<1024x16xf32, #tpu.memory_space<vmem>> -> memref<512x16xf32, #tpu.memory_space<vmem>>
      tpu.enqueue_dma source(%dma_start3A_37 : memref<512x16xf32, #tpu.memory_space<vmem>>) target(%dma_start3A_34 : memref<512x16xf32, #tpu.memory_space<vmem_shared>>) target_semaphore(%run_scoped3A : memref<!tpu.dma_semaphore, #tpu.memory_space<semaphore_mem>>)
      %dma_wait3A = arith.constant 0 : i32
      %dma_wait3A_38 = arith.constant 0 : i32
      %dma_wait3A_39 = tpu.memref_slice %arg8[%dma_wait3A, %dma_wait3A_38] : memref<1024x16xf32, #tpu.memory_space<vmem>> -> memref<512x16xf32, #tpu.memory_space<vmem>>
      %dma_wait3A_40 = arith.constant 0 : i32
      %dma_wait3A_41 = tpu.memref_slice %arg5[%mul3A_5, %dma_wait3A_40] : memref<10240x16xf32, #tpu.memory_space<vmem_shared>> -> memref<512x16xf32, #tpu.memory_space<vmem_shared>>
      %dma_wait3A_42 = arith.constant 0 : i32
      %dma_wait3A_43 = tpu.memref_slice %arg5[%mul3A_5, %dma_wait3A_42] : memref<10240x16xf32, #tpu.memory_space<vmem_shared>> -> memref<512x16xf32, #tpu.memory_space<vmem_shared>>
      %dma_wait3A_44 = arith.constant 0 : i32
      %dma_wait3A_45 = arith.constant 0 : i32
      %dma_wait3A_46 = tpu.memref_slice %arg8[%dma_wait3A_44, %dma_wait3A_45] : memref<1024x16xf32, #tpu.memory_space<vmem>> -> memref<512x16xf32, #tpu.memory_space<vmem>>
      tpu.wait_dma2 semaphore(%run_scoped3A : memref<!tpu.dma_semaphore, #tpu.memory_space<semaphore_mem>>) src(%dma_wait3A_46 : memref<512x16xf32, #tpu.memory_space<vmem>>) dst(%dma_wait3A_43 : memref<512x16xf32, #tpu.memory_space<vmem_shared>>)
      tpu.yield
    }) : () -> ()
    %mul3A_6 = arith.constant 640 : i32
    %mul3A_7 = arith.muli %arg1, %mul3A_6 : i32
    %add3A = arith.constant 512 : i32
    %add3A_8 = arith.addi %mul3A_7, %add3A : i32
    "tpu.region"() ({
      %run_scoped3A = tpu.sem_alloc : memref<!tpu.dma_semaphore, #tpu.memory_space<semaphore_mem>>
      %dma_start3A = arith.constant 0 : i32
      %dma_start3A_29 = arith.constant 0 : i32
      %dma_start3A_30 = tpu.memref_slice %arg8[%dma_start3A, %dma_start3A_29] : memref<1024x16xf32, #tpu.memory_space<vmem>> -> memref<128x16xf32, #tpu.memory_space<vmem>>
      %dma_start3A_31 = arith.constant 0 : i32
      %dma_start3A_32 = tpu.memref_slice %arg5[%add3A_8, %dma_start3A_31] : memref<10240x16xf32, #tpu.memory_space<vmem_shared>> -> memref<128x16xf32, #tpu.memory_space<vmem_shared>>
      %dma_start3A_33 = arith.constant 0 : i32
      %dma_start3A_34 = tpu.memref_slice %arg5[%add3A_8, %dma_start3A_33] : memref<10240x16xf32, #tpu.memory_space<vmem_shared>> -> memref<128x16xf32, #tpu.memory_space<vmem_shared>>
      %dma_start3A_35 = arith.constant 0 : i32
      %dma_start3A_36 = arith.constant 0 : i32
      %dma_start3A_37 = tpu.memref_slice %arg8[%dma_start3A_35, %dma_start3A_36] : memref<1024x16xf32, #tpu.memory_space<vmem>> -> memref<128x16xf32, #tpu.memory_space<vmem>>
      tpu.enqueue_dma source(%dma_start3A_37 : memref<128x16xf32, #tpu.memory_space<vmem>>) target(%dma_start3A_34 : memref<128x16xf32, #tpu.memory_space<vmem_shared>>) target_semaphore(%run_scoped3A : memref<!tpu.dma_semaphore, #tpu.memory_space<semaphore_mem>>)
      %dma_wait3A = arith.constant 0 : i32
      %dma_wait3A_38 = arith.constant 0 : i32
      %dma_wait3A_39 = tpu.memref_slice %arg8[%dma_wait3A, %dma_wait3A_38] : memref<1024x16xf32, #tpu.memory_space<vmem>> -> memref<128x16xf32, #tpu.memory_space<vmem>>
      %dma_wait3A_40 = arith.constant 0 : i32
      %dma_wait3A_41 = tpu.memref_slice %arg5[%add3A_8, %dma_wait3A_40] : memref<10240x16xf32, #tpu.memory_space<vmem_shared>> -> memref<128x16xf32, #tpu.memory_space<vmem_shared>>
      %dma_wait3A_42 = arith.constant 0 : i32
      %dma_wait3A_43 = tpu.memref_slice %arg5[%add3A_8, %dma_wait3A_42] : memref<10240x16xf32, #tpu.memory_space<vmem_shared>> -> memref<128x16xf32, #tpu.memory_space<vmem_shared>>
      %dma_wait3A_44 = arith.constant 0 : i32
      %dma_wait3A_45 = arith.constant 0 : i32
      %dma_wait3A_46 = tpu.memref_slice %arg8[%dma_wait3A_44, %dma_wait3A_45] : memref<1024x16xf32, #tpu.memory_space<vmem>> -> memref<128x16xf32, #tpu.memory_space<vmem>>
      tpu.wait_dma2 semaphore(%run_scoped3A : memref<!tpu.dma_semaphore, #tpu.memory_space<semaphore_mem>>) src(%dma_wait3A_46 : memref<128x16xf32, #tpu.memory_space<vmem>>) dst(%dma_wait3A_43 : memref<128x16xf32, #tpu.memory_space<vmem_shared>>)
      tpu.yield
    }) : () -> ()
    %barrier3A = arith.constant 0 : index
    tpu.barrier barrier_id(%barrier3A)
    %mul3A_9 = arith.constant 640 : i32
    %mul3A_10 = arith.muli %arg0, %mul3A_9 : i32
    %mul3A_11 = arith.constant 40 : i32
    %mul3A_12 = arith.muli %arg1, %mul3A_11 : i32
    %add3A_13 = arith.addi %mul3A_10, %mul3A_12 : i32
    %iota3A = tpu.iota {dimensions = array<i32: 0>} : vector<16xi32>
    %eq3A = arith.constant 0 : i32
    %eq3A_14 = vector.broadcast %eq3A : i32 to vector<16xi32>
    %eq3A_15 = arith.cmpi eq, %iota3A, %eq3A_14 : vector<16xi32>
    %jit3A = arith.constant 1.000000e+00 : f32
    %jit3A_16 = arith.constant 0.000000e+00 : f32
    %broadcast_in_dim3A = vector.broadcast %jit3A : f32 to vector<16xf32>
    %broadcast_in_dim3A_17 = vector.broadcast %jit3A_16 : f32 to vector<16xf32>
    %select_n3A = arith.select %eq3A_15, %broadcast_in_dim3A, %broadcast_in_dim3A_17 : vector<16xi1>, vector<16xf32>
    %scan3A_18 = arith.constant 0 : i32
    %scan3A_19 = arith.constant 0 : i32
    %scan3A_20 = arith.constant 5 : i32
    %scan3A_21 = arith.addi %scan3A_19, %scan3A_20 : i32
    %scan3A_22 = arith.constant 1 : i32
    scf.for %scan3A_29 = %scan3A_19 to %scan3A_21 step %scan3A_22  : i32 {
      %mul3A_30 = arith.constant 8 : i32
      %mul3A_31 = arith.muli %scan3A_29, %mul3A_30 : i32
      %add3A_32 = arith.addi %add3A_13, %mul3A_31 : i32
      "tpu.region"() ({
        %run_scoped3A_62 = tpu.sem_alloc : memref<!tpu.dma_semaphore, #tpu.memory_space<semaphore_mem>>
        %dma_start3A = arith.constant 0 : i32
        %dma_start3A_63 = tpu.memref_slice %arg2[%add3A_32, %dma_start3A] : memref<1280x128xi32, #tpu.memory_space<hbm>> -> memref<8x128xi32, #tpu.memory_space<hbm>>
        %dma_start3A_64 = arith.constant 0 : i32
        %dma_start3A_65 = tpu.memref_slice %arg2[%add3A_32, %dma_start3A_64] : memref<1280x128xi32, #tpu.memory_space<hbm>> -> memref<8x128xi32, #tpu.memory_space<hbm>>
        tpu.enqueue_dma source(%dma_start3A_65 : memref<8x128xi32, #tpu.memory_space<hbm>>) target(%arg6 : memref<8x128xi32, #tpu.memory_space<vmem>>) target_semaphore(%run_scoped3A_62 : memref<!tpu.dma_semaphore, #tpu.memory_space<semaphore_mem>>)
        %dma_wait3A = arith.constant 0 : i32
        %dma_wait3A_66 = tpu.memref_slice %arg2[%add3A_32, %dma_wait3A] : memref<1280x128xi32, #tpu.memory_space<hbm>> -> memref<8x128xi32, #tpu.memory_space<hbm>>
        %dma_wait3A_67 = arith.constant 0 : i32
        %dma_wait3A_68 = tpu.memref_slice %arg2[%add3A_32, %dma_wait3A_67] : memref<1280x128xi32, #tpu.memory_space<hbm>> -> memref<8x128xi32, #tpu.memory_space<hbm>>
        tpu.wait_dma2 semaphore(%run_scoped3A_62 : memref<!tpu.dma_semaphore, #tpu.memory_space<semaphore_mem>>) src(%dma_wait3A_68 : memref<8x128xi32, #tpu.memory_space<hbm>>) dst(%arg6 : memref<8x128xi32, #tpu.memory_space<vmem>>)
        tpu.yield
      }) : () -> ()
      %add3A_33 = arith.constant 0 : i32
      %add3A_34 = arith.addi %add3A_32, %add3A_33 : i32
      "tpu.region"() ({
        %run_scoped3A_62 = tpu.sem_alloc : memref<!tpu.dma_semaphore, #tpu.memory_space<semaphore_mem>>
        %dma_start3A = arith.constant 0 : i32
        %dma_start3A_63 = tpu.memref_slice %arg7[%dma_start3A] : memref<1040xf32, #tpu.memory_space<vmem>> -> memref<128xf32, #tpu.memory_space<vmem>>
        %dma_start3A_64 = arith.constant 0 : i32
        %dma_start3A_65 = tpu.memref_slice %arg3[%add3A_34, %dma_start3A_64] : memref<1280x128xf32, #tpu.memory_space<hbm>> -> memref<1x128xf32, #tpu.memory_space<hbm>>
        %dma_start3A_66 = tpu.memref_squeeze %dma_start3A_65 : memref<1x128xf32, #tpu.memory_space<hbm>> -> memref<128xf32, #tpu.memory_space<hbm>>
        %dma_start3A_67 = arith.constant 0 : i32
        %dma_start3A_68 = tpu.memref_slice %arg7[%dma_start3A_67] : memref<1040xf32, #tpu.memory_space<vmem>> -> memref<128xf32, #tpu.memory_space<vmem>>
        %dma_start3A_69 = arith.constant 0 : i32
        %dma_start3A_70 = tpu.memref_slice %arg3[%add3A_34, %dma_start3A_69] : memref<1280x128xf32, #tpu.memory_space<hbm>> -> memref<1x128xf32, #tpu.memory_space<hbm>>
        %dma_start3A_71 = tpu.memref_squeeze %dma_start3A_70 : memref<1x128xf32, #tpu.memory_space<hbm>> -> memref<128xf32, #tpu.memory_space<hbm>>
        tpu.enqueue_dma source(%dma_start3A_71 : memref<128xf32, #tpu.memory_space<hbm>>) target(%dma_start3A_68 : memref<128xf32, #tpu.memory_space<vmem>>) target_semaphore(%run_scoped3A_62 : memref<!tpu.dma_semaphore, #tpu.memory_space<semaphore_mem>>)
        %dma_wait3A = arith.constant 0 : i32
        %dma_wait3A_72 = tpu.memref_slice %arg7[%dma_wait3A] : memref<1040xf32, #tpu.memory_space<vmem>> -> memref<128xf32, #tpu.memory_space<vmem>>
        %dma_wait3A_73 = arith.constant 0 : i32
        %dma_wait3A_74 = tpu.memref_slice %arg3[%add3A_34, %dma_wait3A_73] : memref<1280x128xf32, #tpu.memory_space<hbm>> -> memref<1x128xf32, #tpu.memory_space<hbm>>
        %dma_wait3A_75 = tpu.memref_squeeze %dma_wait3A_74 : memref<1x128xf32, #tpu.memory_space<hbm>> -> memref<128xf32, #tpu.memory_space<hbm>>
        %dma_wait3A_76 = arith.constant 0 : i32
        %dma_wait3A_77 = tpu.memref_slice %arg7[%dma_wait3A_76] : memref<1040xf32, #tpu.memory_space<vmem>> -> memref<128xf32, #tpu.memory_space<vmem>>
        %dma_wait3A_78 = arith.constant 0 : i32
        %dma_wait3A_79 = tpu.memref_slice %arg3[%add3A_34, %dma_wait3A_78] : memref<1280x128xf32, #tpu.memory_space<hbm>> -> memref<1x128xf32, #tpu.memory_space<hbm>>
        %dma_wait3A_80 = tpu.memref_squeeze %dma_wait3A_79 : memref<1x128xf32, #tpu.memory_space<hbm>> -> memref<128xf32, #tpu.memory_space<hbm>>
        tpu.wait_dma2 semaphore(%run_scoped3A_62 : memref<!tpu.dma_semaphore, #tpu.memory_space<semaphore_mem>>) src(%dma_wait3A_80 : memref<128xf32, #tpu.memory_space<hbm>>) dst(%dma_wait3A_77 : memref<128xf32, #tpu.memory_space<vmem>>)
        tpu.yield
      }) : () -> ()
      %add3A_35 = arith.constant 1 : i32
      %add3A_36 = arith.addi %add3A_32, %add3A_35 : i32
      "tpu.region"() ({
        %run_scoped3A_62 = tpu.sem_alloc : memref<!tpu.dma_semaphore, #tpu.memory_space<semaphore_mem>>
        %dma_start3A = arith.constant 128 : i32
        %dma_start3A_63 = tpu.memref_slice %arg7[%dma_start3A] : memref<1040xf32, #tpu.memory_space<vmem>> -> memref<128xf32, #tpu.memory_space<vmem>>
        %dma_start3A_64 = arith.constant 0 : i32
        %dma_start3A_65 = tpu.memref_slice %arg3[%add3A_36, %dma_start3A_64] : memref<1280x128xf32, #tpu.memory_space<hbm>> -> memref<1x128xf32, #tpu.memory_space<hbm>>
        %dma_start3A_66 = tpu.memref_squeeze %dma_start3A_65 : memref<1x128xf32, #tpu.memory_space<hbm>> -> memref<128xf32, #tpu.memory_space<hbm>>
        %dma_start3A_67 = arith.constant 128 : i32
        %dma_start3A_68 = tpu.memref_slice %arg7[%dma_start3A_67] : memref<1040xf32, #tpu.memory_space<vmem>> -> memref<128xf32, #tpu.memory_space<vmem>>
        %dma_start3A_69 = arith.constant 0 : i32
        %dma_start3A_70 = tpu.memref_slice %arg3[%add3A_36, %dma_start3A_69] : memref<1280x128xf32, #tpu.memory_space<hbm>> -> memref<1x128xf32, #tpu.memory_space<hbm>>
        %dma_start3A_71 = tpu.memref_squeeze %dma_start3A_70 : memref<1x128xf32, #tpu.memory_space<hbm>> -> memref<128xf32, #tpu.memory_space<hbm>>
        tpu.enqueue_dma source(%dma_start3A_71 : memref<128xf32, #tpu.memory_space<hbm>>) target(%dma_start3A_68 : memref<128xf32, #tpu.memory_space<vmem>>) target_semaphore(%run_scoped3A_62 : memref<!tpu.dma_semaphore, #tpu.memory_space<semaphore_mem>>)
        %dma_wait3A = arith.constant 128 : i32
        %dma_wait3A_72 = tpu.memref_slice %arg7[%dma_wait3A] : memref<1040xf32, #tpu.memory_space<vmem>> -> memref<128xf32, #tpu.memory_space<vmem>>
        %dma_wait3A_73 = arith.constant 0 : i32
        %dma_wait3A_74 = tpu.memref_slice %arg3[%add3A_36, %dma_wait3A_73] : memref<1280x128xf32, #tpu.memory_space<hbm>> -> memref<1x128xf32, #tpu.memory_space<hbm>>
        %dma_wait3A_75 = tpu.memref_squeeze %dma_wait3A_74 : memref<1x128xf32, #tpu.memory_space<hbm>> -> memref<128xf32, #tpu.memory_space<hbm>>
        %dma_wait3A_76 = arith.constant 128 : i32
        %dma_wait3A_77 = tpu.memref_slice %arg7[%dma_wait3A_76] : memref<1040xf32, #tpu.memory_space<vmem>> -> memref<128xf32, #tpu.memory_space<vmem>>
        %dma_wait3A_78 = arith.constant 0 : i32
        %dma_wait3A_79 = tpu.memref_slice %arg3[%add3A_36, %dma_wait3A_78] : memref<1280x128xf32, #tpu.memory_space<hbm>> -> memref<1x128xf32, #tpu.memory_space<hbm>>
        %dma_wait3A_80 = tpu.memref_squeeze %dma_wait3A_79 : memref<1x128xf32, #tpu.memory_space<hbm>> -> memref<128xf32, #tpu.memory_space<hbm>>
        tpu.wait_dma2 semaphore(%run_scoped3A_62 : memref<!tpu.dma_semaphore, #tpu.memory_space<semaphore_mem>>) src(%dma_wait3A_80 : memref<128xf32, #tpu.memory_space<hbm>>) dst(%dma_wait3A_77 : memref<128xf32, #tpu.memory_space<vmem>>)
        tpu.yield
      }) : () -> ()
      %add3A_37 = arith.constant 2 : i32
      %add3A_38 = arith.addi %add3A_32, %add3A_37 : i32
      "tpu.region"() ({
        %run_scoped3A_62 = tpu.sem_alloc : memref<!tpu.dma_semaphore, #tpu.memory_space<semaphore_mem>>
        %dma_start3A = arith.constant 256 : i32
        %dma_start3A_63 = tpu.memref_slice %arg7[%dma_start3A] : memref<1040xf32, #tpu.memory_space<vmem>> -> memref<128xf32, #tpu.memory_space<vmem>>
        %dma_start3A_64 = arith.constant 0 : i32
        %dma_start3A_65 = tpu.memref_slice %arg3[%add3A_38, %dma_start3A_64] : memref<1280x128xf32, #tpu.memory_space<hbm>> -> memref<1x128xf32, #tpu.memory_space<hbm>>
        %dma_start3A_66 = tpu.memref_squeeze %dma_start3A_65 : memref<1x128xf32, #tpu.memory_space<hbm>> -> memref<128xf32, #tpu.memory_space<hbm>>
        %dma_start3A_67 = arith.constant 256 : i32
        %dma_start3A_68 = tpu.memref_slice %arg7[%dma_start3A_67] : memref<1040xf32, #tpu.memory_space<vmem>> -> memref<128xf32, #tpu.memory_space<vmem>>
        %dma_start3A_69 = arith.constant 0 : i32
        %dma_start3A_70 = tpu.memref_slice %arg3[%add3A_38, %dma_start3A_69] : memref<1280x128xf32, #tpu.memory_space<hbm>> -> memref<1x128xf32, #tpu.memory_space<hbm>>
        %dma_start3A_71 = tpu.memref_squeeze %dma_start3A_70 : memref<1x128xf32, #tpu.memory_space<hbm>> -> memref<128xf32, #tpu.memory_space<hbm>>
        tpu.enqueue_dma source(%dma_start3A_71 : memref<128xf32, #tpu.memory_space<hbm>>) target(%dma_start3A_68 : memref<128xf32, #tpu.memory_space<vmem>>) target_semaphore(%run_scoped3A_62 : memref<!tpu.dma_semaphore, #tpu.memory_space<semaphore_mem>>)
        %dma_wait3A = arith.constant 256 : i32
        %dma_wait3A_72 = tpu.memref_slice %arg7[%dma_wait3A] : memref<1040xf32, #tpu.memory_space<vmem>> -> memref<128xf32, #tpu.memory_space<vmem>>
        %dma_wait3A_73 = arith.constant 0 : i32
        %dma_wait3A_74 = tpu.memref_slice %arg3[%add3A_38, %dma_wait3A_73] : memref<1280x128xf32, #tpu.memory_space<hbm>> -> memref<1x128xf32, #tpu.memory_space<hbm>>
        %dma_wait3A_75 = tpu.memref_squeeze %dma_wait3A_74 : memref<1x128xf32, #tpu.memory_space<hbm>> -> memref<128xf32, #tpu.memory_space<hbm>>
        %dma_wait3A_76 = arith.constant 256 : i32
        %dma_wait3A_77 = tpu.memref_slice %arg7[%dma_wait3A_76] : memref<1040xf32, #tpu.memory_space<vmem>> -> memref<128xf32, #tpu.memory_space<vmem>>
        %dma_wait3A_78 = arith.constant 0 : i32
        %dma_wait3A_79 = tpu.memref_slice %arg3[%add3A_38, %dma_wait3A_78] : memref<1280x128xf32, #tpu.memory_space<hbm>> -> memref<1x128xf32, #tpu.memory_space<hbm>>
        %dma_wait3A_80 = tpu.memref_squeeze %dma_wait3A_79 : memref<1x128xf32, #tpu.memory_space<hbm>> -> memref<128xf32, #tpu.memory_space<hbm>>
        tpu.wait_dma2 semaphore(%run_scoped3A_62 : memref<!tpu.dma_semaphore, #tpu.memory_space<semaphore_mem>>) src(%dma_wait3A_80 : memref<128xf32, #tpu.memory_space<hbm>>) dst(%dma_wait3A_77 : memref<128xf32, #tpu.memory_space<vmem>>)
        tpu.yield
      }) : () -> ()
      %add3A_39 = arith.constant 3 : i32
      %add3A_40 = arith.addi %add3A_32, %add3A_39 : i32
      "tpu.region"() ({
        %run_scoped3A_62 = tpu.sem_alloc : memref<!tpu.dma_semaphore, #tpu.memory_space<semaphore_mem>>
        %dma_start3A = arith.constant 384 : i32
        %dma_start3A_63 = tpu.memref_slice %arg7[%dma_start3A] : memref<1040xf32, #tpu.memory_space<vmem>> -> memref<128xf32, #tpu.memory_space<vmem>>
        %dma_start3A_64 = arith.constant 0 : i32
        %dma_start3A_65 = tpu.memref_slice %arg3[%add3A_40, %dma_start3A_64] : memref<1280x128xf32, #tpu.memory_space<hbm>> -> memref<1x128xf32, #tpu.memory_space<hbm>>
        %dma_start3A_66 = tpu.memref_squeeze %dma_start3A_65 : memref<1x128xf32, #tpu.memory_space<hbm>> -> memref<128xf32, #tpu.memory_space<hbm>>
        %dma_start3A_67 = arith.constant 384 : i32
        %dma_start3A_68 = tpu.memref_slice %arg7[%dma_start3A_67] : memref<1040xf32, #tpu.memory_space<vmem>> -> memref<128xf32, #tpu.memory_space<vmem>>
        %dma_start3A_69 = arith.constant 0 : i32
        %dma_start3A_70 = tpu.memref_slice %arg3[%add3A_40, %dma_start3A_69] : memref<1280x128xf32, #tpu.memory_space<hbm>> -> memref<1x128xf32, #tpu.memory_space<hbm>>
        %dma_start3A_71 = tpu.memref_squeeze %dma_start3A_70 : memref<1x128xf32, #tpu.memory_space<hbm>> -> memref<128xf32, #tpu.memory_space<hbm>>
        tpu.enqueue_dma source(%dma_start3A_71 : memref<128xf32, #tpu.memory_space<hbm>>) target(%dma_start3A_68 : memref<128xf32, #tpu.memory_space<vmem>>) target_semaphore(%run_scoped3A_62 : memref<!tpu.dma_semaphore, #tpu.memory_space<semaphore_mem>>)
        %dma_wait3A = arith.constant 384 : i32
        %dma_wait3A_72 = tpu.memref_slice %arg7[%dma_wait3A] : memref<1040xf32, #tpu.memory_space<vmem>> -> memref<128xf32, #tpu.memory_space<vmem>>
        %dma_wait3A_73 = arith.constant 0 : i32
        %dma_wait3A_74 = tpu.memref_slice %arg3[%add3A_40, %dma_wait3A_73] : memref<1280x128xf32, #tpu.memory_space<hbm>> -> memref<1x128xf32, #tpu.memory_space<hbm>>
        %dma_wait3A_75 = tpu.memref_squeeze %dma_wait3A_74 : memref<1x128xf32, #tpu.memory_space<hbm>> -> memref<128xf32, #tpu.memory_space<hbm>>
        %dma_wait3A_76 = arith.constant 384 : i32
        %dma_wait3A_77 = tpu.memref_slice %arg7[%dma_wait3A_76] : memref<1040xf32, #tpu.memory_space<vmem>> -> memref<128xf32, #tpu.memory_space<vmem>>
        %dma_wait3A_78 = arith.constant 0 : i32
        %dma_wait3A_79 = tpu.memref_slice %arg3[%add3A_40, %dma_wait3A_78] : memref<1280x128xf32, #tpu.memory_space<hbm>> -> memref<1x128xf32, #tpu.memory_space<hbm>>
        %dma_wait3A_80 = tpu.memref_squeeze %dma_wait3A_79 : memref<1x128xf32, #tpu.memory_space<hbm>> -> memref<128xf32, #tpu.memory_space<hbm>>
        tpu.wait_dma2 semaphore(%run_scoped3A_62 : memref<!tpu.dma_semaphore, #tpu.memory_space<semaphore_mem>>) src(%dma_wait3A_80 : memref<128xf32, #tpu.memory_space<hbm>>) dst(%dma_wait3A_77 : memref<128xf32, #tpu.memory_space<vmem>>)
        tpu.yield
      }) : () -> ()
      %add3A_41 = arith.constant 4 : i32
      %add3A_42 = arith.addi %add3A_32, %add3A_41 : i32
      "tpu.region"() ({
        %run_scoped3A_62 = tpu.sem_alloc : memref<!tpu.dma_semaphore, #tpu.memory_space<semaphore_mem>>
        %dma_start3A = arith.constant 512 : i32
        %dma_start3A_63 = tpu.memref_slice %arg7[%dma_start3A] : memref<1040xf32, #tpu.memory_space<vmem>> -> memref<128xf32, #tpu.memory_space<vmem>>
        %dma_start3A_64 = arith.constant 0 : i32
        %dma_start3A_65 = tpu.memref_slice %arg3[%add3A_42, %dma_start3A_64] : memref<1280x128xf32, #tpu.memory_space<hbm>> -> memref<1x128xf32, #tpu.memory_space<hbm>>
        %dma_start3A_66 = tpu.memref_squeeze %dma_start3A_65 : memref<1x128xf32, #tpu.memory_space<hbm>> -> memref<128xf32, #tpu.memory_space<hbm>>
        %dma_start3A_67 = arith.constant 512 : i32
        %dma_start3A_68 = tpu.memref_slice %arg7[%dma_start3A_67] : memref<1040xf32, #tpu.memory_space<vmem>> -> memref<128xf32, #tpu.memory_space<vmem>>
        %dma_start3A_69 = arith.constant 0 : i32
        %dma_start3A_70 = tpu.memref_slice %arg3[%add3A_42, %dma_start3A_69] : memref<1280x128xf32, #tpu.memory_space<hbm>> -> memref<1x128xf32, #tpu.memory_space<hbm>>
        %dma_start3A_71 = tpu.memref_squeeze %dma_start3A_70 : memref<1x128xf32, #tpu.memory_space<hbm>> -> memref<128xf32, #tpu.memory_space<hbm>>
        tpu.enqueue_dma source(%dma_start3A_71 : memref<128xf32, #tpu.memory_space<hbm>>) target(%dma_start3A_68 : memref<128xf32, #tpu.memory_space<vmem>>) target_semaphore(%run_scoped3A_62 : memref<!tpu.dma_semaphore, #tpu.memory_space<semaphore_mem>>)
        %dma_wait3A = arith.constant 512 : i32
        %dma_wait3A_72 = tpu.memref_slice %arg7[%dma_wait3A] : memref<1040xf32, #tpu.memory_space<vmem>> -> memref<128xf32, #tpu.memory_space<vmem>>
        %dma_wait3A_73 = arith.constant 0 : i32
        %dma_wait3A_74 = tpu.memref_slice %arg3[%add3A_42, %dma_wait3A_73] : memref<1280x128xf32, #tpu.memory_space<hbm>> -> memref<1x128xf32, #tpu.memory_space<hbm>>
        %dma_wait3A_75 = tpu.memref_squeeze %dma_wait3A_74 : memref<1x128xf32, #tpu.memory_space<hbm>> -> memref<128xf32, #tpu.memory_space<hbm>>
        %dma_wait3A_76 = arith.constant 512 : i32
        %dma_wait3A_77 = tpu.memref_slice %arg7[%dma_wait3A_76] : memref<1040xf32, #tpu.memory_space<vmem>> -> memref<128xf32, #tpu.memory_space<vmem>>
        %dma_wait3A_78 = arith.constant 0 : i32
        %dma_wait3A_79 = tpu.memref_slice %arg3[%add3A_42, %dma_wait3A_78] : memref<1280x128xf32, #tpu.memory_space<hbm>> -> memref<1x128xf32, #tpu.memory_space<hbm>>
        %dma_wait3A_80 = tpu.memref_squeeze %dma_wait3A_79 : memref<1x128xf32, #tpu.memory_space<hbm>> -> memref<128xf32, #tpu.memory_space<hbm>>
        tpu.wait_dma2 semaphore(%run_scoped3A_62 : memref<!tpu.dma_semaphore, #tpu.memory_space<semaphore_mem>>) src(%dma_wait3A_80 : memref<128xf32, #tpu.memory_space<hbm>>) dst(%dma_wait3A_77 : memref<128xf32, #tpu.memory_space<vmem>>)
        tpu.yield
      }) : () -> ()
      %add3A_43 = arith.constant 5 : i32
      %add3A_44 = arith.addi %add3A_32, %add3A_43 : i32
      "tpu.region"() ({
        %run_scoped3A_62 = tpu.sem_alloc : memref<!tpu.dma_semaphore, #tpu.memory_space<semaphore_mem>>
        %dma_start3A = arith.constant 640 : i32
        %dma_start3A_63 = tpu.memref_slice %arg7[%dma_start3A] : memref<1040xf32, #tpu.memory_space<vmem>> -> memref<128xf32, #tpu.memory_space<vmem>>
        %dma_start3A_64 = arith.constant 0 : i32
        %dma_start3A_65 = tpu.memref_slice %arg3[%add3A_44, %dma_start3A_64] : memref<1280x128xf32, #tpu.memory_space<hbm>> -> memref<1x128xf32, #tpu.memory_space<hbm>>
        %dma_start3A_66 = tpu.memref_squeeze %dma_start3A_65 : memref<1x128xf32, #tpu.memory_space<hbm>> -> memref<128xf32, #tpu.memory_space<hbm>>
        %dma_start3A_67 = arith.constant 640 : i32
        %dma_start3A_68 = tpu.memref_slice %arg7[%dma_start3A_67] : memref<1040xf32, #tpu.memory_space<vmem>> -> memref<128xf32, #tpu.memory_space<vmem>>
        %dma_start3A_69 = arith.constant 0 : i32
        %dma_start3A_70 = tpu.memref_slice %arg3[%add3A_44, %dma_start3A_69] : memref<1280x128xf32, #tpu.memory_space<hbm>> -> memref<1x128xf32, #tpu.memory_space<hbm>>
        %dma_start3A_71 = tpu.memref_squeeze %dma_start3A_70 : memref<1x128xf32, #tpu.memory_space<hbm>> -> memref<128xf32, #tpu.memory_space<hbm>>
        tpu.enqueue_dma source(%dma_start3A_71 : memref<128xf32, #tpu.memory_space<hbm>>) target(%dma_start3A_68 : memref<128xf32, #tpu.memory_space<vmem>>) target_semaphore(%run_scoped3A_62 : memref<!tpu.dma_semaphore, #tpu.memory_space<semaphore_mem>>)
        %dma_wait3A = arith.constant 640 : i32
        %dma_wait3A_72 = tpu.memref_slice %arg7[%dma_wait3A] : memref<1040xf32, #tpu.memory_space<vmem>> -> memref<128xf32, #tpu.memory_space<vmem>>
        %dma_wait3A_73 = arith.constant 0 : i32
        %dma_wait3A_74 = tpu.memref_slice %arg3[%add3A_44, %dma_wait3A_73] : memref<1280x128xf32, #tpu.memory_space<hbm>> -> memref<1x128xf32, #tpu.memory_space<hbm>>
        %dma_wait3A_75 = tpu.memref_squeeze %dma_wait3A_74 : memref<1x128xf32, #tpu.memory_space<hbm>> -> memref<128xf32, #tpu.memory_space<hbm>>
        %dma_wait3A_76 = arith.constant 640 : i32
        %dma_wait3A_77 = tpu.memref_slice %arg7[%dma_wait3A_76] : memref<1040xf32, #tpu.memory_space<vmem>> -> memref<128xf32, #tpu.memory_space<vmem>>
        %dma_wait3A_78 = arith.constant 0 : i32
        %dma_wait3A_79 = tpu.memref_slice %arg3[%add3A_44, %dma_wait3A_78] : memref<1280x128xf32, #tpu.memory_space<hbm>> -> memref<1x128xf32, #tpu.memory_space<hbm>>
        %dma_wait3A_80 = tpu.memref_squeeze %dma_wait3A_79 : memref<1x128xf32, #tpu.memory_space<hbm>> -> memref<128xf32, #tpu.memory_space<hbm>>
        tpu.wait_dma2 semaphore(%run_scoped3A_62 : memref<!tpu.dma_semaphore, #tpu.memory_space<semaphore_mem>>) src(%dma_wait3A_80 : memref<128xf32, #tpu.memory_space<hbm>>) dst(%dma_wait3A_77 : memref<128xf32, #tpu.memory_space<vmem>>)
        tpu.yield
      }) : () -> ()
      %add3A_45 = arith.constant 6 : i32
      %add3A_46 = arith.addi %add3A_32, %add3A_45 : i32
      "tpu.region"() ({
        %run_scoped3A_62 = tpu.sem_alloc : memref<!tpu.dma_semaphore, #tpu.memory_space<semaphore_mem>>
        %dma_start3A = arith.constant 768 : i32
        %dma_start3A_63 = tpu.memref_slice %arg7[%dma_start3A] : memref<1040xf32, #tpu.memory_space<vmem>> -> memref<128xf32, #tpu.memory_space<vmem>>
        %dma_start3A_64 = arith.constant 0 : i32
        %dma_start3A_65 = tpu.memref_slice %arg3[%add3A_46, %dma_start3A_64] : memref<1280x128xf32, #tpu.memory_space<hbm>> -> memref<1x128xf32, #tpu.memory_space<hbm>>
        %dma_start3A_66 = tpu.memref_squeeze %dma_start3A_65 : memref<1x128xf32, #tpu.memory_space<hbm>> -> memref<128xf32, #tpu.memory_space<hbm>>
        %dma_start3A_67 = arith.constant 768 : i32
        %dma_start3A_68 = tpu.memref_slice %arg7[%dma_start3A_67] : memref<1040xf32, #tpu.memory_space<vmem>> -> memref<128xf32, #tpu.memory_space<vmem>>
        %dma_start3A_69 = arith.constant 0 : i32
        %dma_start3A_70 = tpu.memref_slice %arg3[%add3A_46, %dma_start3A_69] : memref<1280x128xf32, #tpu.memory_space<hbm>> -> memref<1x128xf32, #tpu.memory_space<hbm>>
        %dma_start3A_71 = tpu.memref_squeeze %dma_start3A_70 : memref<1x128xf32, #tpu.memory_space<hbm>> -> memref<128xf32, #tpu.memory_space<hbm>>
        tpu.enqueue_dma source(%dma_start3A_71 : memref<128xf32, #tpu.memory_space<hbm>>) target(%dma_start3A_68 : memref<128xf32, #tpu.memory_space<vmem>>) target_semaphore(%run_scoped3A_62 : memref<!tpu.dma_semaphore, #tpu.memory_space<semaphore_mem>>)
        %dma_wait3A = arith.constant 768 : i32
        %dma_wait3A_72 = tpu.memref_slice %arg7[%dma_wait3A] : memref<1040xf32, #tpu.memory_space<vmem>> -> memref<128xf32, #tpu.memory_space<vmem>>
        %dma_wait3A_73 = arith.constant 0 : i32
        %dma_wait3A_74 = tpu.memref_slice %arg3[%add3A_46, %dma_wait3A_73] : memref<1280x128xf32, #tpu.memory_space<hbm>> -> memref<1x128xf32, #tpu.memory_space<hbm>>
        %dma_wait3A_75 = tpu.memref_squeeze %dma_wait3A_74 : memref<1x128xf32, #tpu.memory_space<hbm>> -> memref<128xf32, #tpu.memory_space<hbm>>
        %dma_wait3A_76 = arith.constant 768 : i32
        %dma_wait3A_77 = tpu.memref_slice %arg7[%dma_wait3A_76] : memref<1040xf32, #tpu.memory_space<vmem>> -> memref<128xf32, #tpu.memory_space<vmem>>
        %dma_wait3A_78 = arith.constant 0 : i32
        %dma_wait3A_79 = tpu.memref_slice %arg3[%add3A_46, %dma_wait3A_78] : memref<1280x128xf32, #tpu.memory_space<hbm>> -> memref<1x128xf32, #tpu.memory_space<hbm>>
        %dma_wait3A_80 = tpu.memref_squeeze %dma_wait3A_79 : memref<1x128xf32, #tpu.memory_space<hbm>> -> memref<128xf32, #tpu.memory_space<hbm>>
        tpu.wait_dma2 semaphore(%run_scoped3A_62 : memref<!tpu.dma_semaphore, #tpu.memory_space<semaphore_mem>>) src(%dma_wait3A_80 : memref<128xf32, #tpu.memory_space<hbm>>) dst(%dma_wait3A_77 : memref<128xf32, #tpu.memory_space<vmem>>)
        tpu.yield
      }) : () -> ()
      %add3A_47 = arith.constant 7 : i32
      %add3A_48 = arith.addi %add3A_32, %add3A_47 : i32
      "tpu.region"() ({
        %run_scoped3A_62 = tpu.sem_alloc : memref<!tpu.dma_semaphore, #tpu.memory_space<semaphore_mem>>
        %dma_start3A = arith.constant 896 : i32
        %dma_start3A_63 = tpu.memref_slice %arg7[%dma_start3A] : memref<1040xf32, #tpu.memory_space<vmem>> -> memref<128xf32, #tpu.memory_space<vmem>>
        %dma_start3A_64 = arith.constant 0 : i32
        %dma_start3A_65 = tpu.memref_slice %arg3[%add3A_48, %dma_start3A_64] : memref<1280x128xf32, #tpu.memory_space<hbm>> -> memref<1x128xf32, #tpu.memory_space<hbm>>
        %dma_start3A_66 = tpu.memref_squeeze %dma_start3A_65 : memref<1x128xf32, #tpu.memory_space<hbm>> -> memref<128xf32, #tpu.memory_space<hbm>>
        %dma_start3A_67 = arith.constant 896 : i32
        %dma_start3A_68 = tpu.memref_slice %arg7[%dma_start3A_67] : memref<1040xf32, #tpu.memory_space<vmem>> -> memref<128xf32, #tpu.memory_space<vmem>>
        %dma_start3A_69 = arith.constant 0 : i32
        %dma_start3A_70 = tpu.memref_slice %arg3[%add3A_48, %dma_start3A_69] : memref<1280x128xf32, #tpu.memory_space<hbm>> -> memref<1x128xf32, #tpu.memory_space<hbm>>
        %dma_start3A_71 = tpu.memref_squeeze %dma_start3A_70 : memref<1x128xf32, #tpu.memory_space<hbm>> -> memref<128xf32, #tpu.memory_space<hbm>>
        tpu.enqueue_dma source(%dma_start3A_71 : memref<128xf32, #tpu.memory_space<hbm>>) target(%dma_start3A_68 : memref<128xf32, #tpu.memory_space<vmem>>) target_semaphore(%run_scoped3A_62 : memref<!tpu.dma_semaphore, #tpu.memory_space<semaphore_mem>>)
        %dma_wait3A = arith.constant 896 : i32
        %dma_wait3A_72 = tpu.memref_slice %arg7[%dma_wait3A] : memref<1040xf32, #tpu.memory_space<vmem>> -> memref<128xf32, #tpu.memory_space<vmem>>
        %dma_wait3A_73 = arith.constant 0 : i32
        %dma_wait3A_74 = tpu.memref_slice %arg3[%add3A_48, %dma_wait3A_73] : memref<1280x128xf32, #tpu.memory_space<hbm>> -> memref<1x128xf32, #tpu.memory_space<hbm>>
        %dma_wait3A_75 = tpu.memref_squeeze %dma_wait3A_74 : memref<1x128xf32, #tpu.memory_space<hbm>> -> memref<128xf32, #tpu.memory_space<hbm>>
        %dma_wait3A_76 = arith.constant 896 : i32
        %dma_wait3A_77 = tpu.memref_slice %arg7[%dma_wait3A_76] : memref<1040xf32, #tpu.memory_space<vmem>> -> memref<128xf32, #tpu.memory_space<vmem>>
        %dma_wait3A_78 = arith.constant 0 : i32
        %dma_wait3A_79 = tpu.memref_slice %arg3[%add3A_48, %dma_wait3A_78] : memref<1280x128xf32, #tpu.memory_space<hbm>> -> memref<1x128xf32, #tpu.memory_space<hbm>>
        %dma_wait3A_80 = tpu.memref_squeeze %dma_wait3A_79 : memref<1x128xf32, #tpu.memory_space<hbm>> -> memref<128xf32, #tpu.memory_space<hbm>>
        tpu.wait_dma2 semaphore(%run_scoped3A_62 : memref<!tpu.dma_semaphore, #tpu.memory_space<semaphore_mem>>) src(%dma_wait3A_80 : memref<128xf32, #tpu.memory_space<hbm>>) dst(%dma_wait3A_77 : memref<128xf32, #tpu.memory_space<vmem>>)
        tpu.yield
      }) : () -> ()
      %scan3A_49 = arith.constant 0 : i32
      %scan3A_50 = arith.constant 0 : i32
      %scan3A_51 = arith.constant 1024 : i32
      %scan3A_52 = arith.addi %scan3A_50, %scan3A_51 : i32
      %scan3A_53 = arith.constant 1 : i32
      scf.for %scan3A_62 = %scan3A_50 to %scan3A_52 step %scan3A_53  : i32 {
        %get3A = arith.index_cast %scan3A_62 : i32 to index
        %get3A_63 = tpu.vector_load %arg7[%get3A] {strides = array<i32>} : memref<1040xf32, #tpu.memory_space<vmem>>, vector<16xf32>,
        %get3A_64 = vector.shape_cast %get3A_63 : vector<16xf32> to vector<16xf32>
        %slice3A = vector.extract_strided_slice %get3A_64 {offsets = [0], sizes = [1], strides = [1]} : vector<16xf32> to vector<1xf32>
        %squeeze3A = vector.extract %slice3A[0] : f32 from vector<1xf32>
        %mul3A_65 = vector.broadcast %squeeze3A : f32 to vector<16xf32>
        %mul3A_66 = arith.mulf %select_n3A, %mul3A_65 : vector<16xf32>
        %swap3A = arith.index_cast %scan3A_62 : i32 to index
        %swap3A_67 = arith.constant 0 : index
        %swap3A_68 = tpu.vector_load %arg8[%swap3A, %swap3A_67] {strides = array<i32>} : memref<1024x16xf32, #tpu.memory_space<vmem>>, vector<1x16xf32>,
        %swap3A_69 = vector.shape_cast %swap3A_68 : vector<1x16xf32> to vector<16xf32>
        %swap3A_70 = vector.shape_cast %mul3A_66 : vector<16xf32> to vector<1x16xf32>
        tpu.vector_store %arg8[%swap3A, %swap3A_67], %swap3A_70 {strides = array<i32>} : memref<1024x16xf32, #tpu.memory_space<vmem>>, vector<1x16xf32>,
      }
      %scan3A_54 = arith.constant 1024 : i32
      %run_scoped3A = arith.constant 0 : i32
      "tpu.region"() ({
        %run_scoped3A_62 = tpu.sem_alloc : memref<!tpu.dma_semaphore, #tpu.memory_space<semaphore_mem>>
        %dma_start3A = arith.constant 0 : i32
        %dma_start3A_63 = arith.constant 0 : i32
        %dma_start3A_64 = tpu.memref_slice %arg8[%dma_start3A, %dma_start3A_63] : memref<1024x16xf32, #tpu.memory_space<vmem>> -> memref<128x16xf32, #tpu.memory_space<vmem>>
        %dma_start3A_65 = arith.constant 0 : i32
        %dma_start3A_66 = tpu.memref_slice %arg6[%run_scoped3A, %dma_start3A_65] : memref<8x128xi32, #tpu.memory_space<vmem>> -> memref<1x128xi32, #tpu.memory_space<vmem>>
        %dma_start3A_67 = tpu.memref_squeeze %dma_start3A_66 : memref<1x128xi32, #tpu.memory_space<vmem>> -> memref<128xi32, #tpu.memory_space<vmem>>
        %dma_start3A_68 = arith.constant 0 : i32
        %dma_start3A_69 = arith.constant 0 : i32
        %dma_start3A_70 = tpu.memref_slice %arg5[%dma_start3A_68, %dma_start3A_69] : memref<10240x16xf32, #tpu.memory_space<vmem_shared>> -> memref<10240x16xf32, #tpu.memory_space<vmem_shared>>
        tpu.enqueue_indirect_dma source(%dma_start3A_64 : memref<128x16xf32, #tpu.memory_space<vmem>>) target(%dma_start3A_70 : memref<10240x16xf32, #tpu.memory_space<vmem_shared>>) offsets(%dma_start3A_67 : memref<128xi32, #tpu.memory_space<vmem>>) semaphore(%run_scoped3A_62 : memref<!tpu.dma_semaphore, #tpu.memory_space<semaphore_mem>>) {add = true}
        %dma_wait3A = arith.constant 0 : i32
        %dma_wait3A_71 = arith.constant 0 : i32
        %dma_wait3A_72 = tpu.memref_slice %arg8[%dma_wait3A, %dma_wait3A_71] : memref<1024x16xf32, #tpu.memory_space<vmem>> -> memref<128x16xf32, #tpu.memory_space<vmem>>
        %dma_wait3A_73 = arith.constant 0 : i32
        %dma_wait3A_74 = tpu.memref_slice %arg6[%run_scoped3A, %dma_wait3A_73] : memref<8x128xi32, #tpu.memory_space<vmem>> -> memref<1x128xi32, #tpu.memory_space<vmem>>
        %dma_wait3A_75 = tpu.memref_squeeze %dma_wait3A_74 : memref<1x128xi32, #tpu.memory_space<vmem>> -> memref<128xi32, #tpu.memory_space<vmem>>
        %dma_wait3A_76 = arith.constant 0 : i32
        %dma_wait3A_77 = arith.constant 0 : i32
        %dma_wait3A_78 = tpu.memref_slice %arg5[%dma_wait3A_76, %dma_wait3A_77] : memref<10240x16xf32, #tpu.memory_space<vmem_shared>> -> memref<10240x16xf32, #tpu.memory_space<vmem_shared>>
        tpu.wait_indirect_dma semaphore(%run_scoped3A_62 : memref<!tpu.dma_semaphore, #tpu.memory_space<semaphore_mem>>) src(%dma_wait3A_72 : memref<128x16xf32, #tpu.memory_space<vmem>>) dst(%dma_wait3A_78 : memref<10240x16xf32, #tpu.memory_space<vmem_shared>>)
        tpu.yield
      }) : () -> ()
      %run_scoped3A_55 = arith.constant 1 : i32
      "tpu.region"() ({
        %run_scoped3A_62 = tpu.sem_alloc : memref<!tpu.dma_semaphore, #tpu.memory_space<semaphore_mem>>
        %dma_start3A = arith.constant 128 : i32
        %dma_start3A_63 = arith.constant 0 : i32
        %dma_start3A_64 = tpu.memref_slice %arg8[%dma_start3A, %dma_start3A_63] : memref<1024x16xf32, #tpu.memory_space<vmem>> -> memref<128x16xf32, #tpu.memory_space<vmem>>
        %dma_start3A_65 = arith.constant 0 : i32
        %dma_start3A_66 = tpu.memref_slice %arg6[%run_scoped3A_55, %dma_start3A_65] : memref<8x128xi32, #tpu.memory_space<vmem>> -> memref<1x128xi32, #tpu.memory_space<vmem>>
        %dma_start3A_67 = tpu.memref_squeeze %dma_start3A_66 : memref<1x128xi32, #tpu.memory_space<vmem>> -> memref<128xi32, #tpu.memory_space<vmem>>
        %dma_start3A_68 = arith.constant 0 : i32
        %dma_start3A_69 = arith.constant 0 : i32
        %dma_start3A_70 = tpu.memref_slice %arg5[%dma_start3A_68, %dma_start3A_69] : memref<10240x16xf32, #tpu.memory_space<vmem_shared>> -> memref<10240x16xf32, #tpu.memory_space<vmem_shared>>
        tpu.enqueue_indirect_dma source(%dma_start3A_64 : memref<128x16xf32, #tpu.memory_space<vmem>>) target(%dma_start3A_70 : memref<10240x16xf32, #tpu.memory_space<vmem_shared>>) offsets(%dma_start3A_67 : memref<128xi32, #tpu.memory_space<vmem>>) semaphore(%run_scoped3A_62 : memref<!tpu.dma_semaphore, #tpu.memory_space<semaphore_mem>>) {add = true}
        %dma_wait3A = arith.constant 128 : i32
        %dma_wait3A_71 = arith.constant 0 : i32
        %dma_wait3A_72 = tpu.memref_slice %arg8[%dma_wait3A, %dma_wait3A_71] : memref<1024x16xf32, #tpu.memory_space<vmem>> -> memref<128x16xf32, #tpu.memory_space<vmem>>
        %dma_wait3A_73 = arith.constant 0 : i32
        %dma_wait3A_74 = tpu.memref_slice %arg6[%run_scoped3A_55, %dma_wait3A_73] : memref<8x128xi32, #tpu.memory_space<vmem>> -> memref<1x128xi32, #tpu.memory_space<vmem>>
        %dma_wait3A_75 = tpu.memref_squeeze %dma_wait3A_74 : memref<1x128xi32, #tpu.memory_space<vmem>> -> memref<128xi32, #tpu.memory_space<vmem>>
        %dma_wait3A_76 = arith.constant 0 : i32
        %dma_wait3A_77 = arith.constant 0 : i32
        %dma_wait3A_78 = tpu.memref_slice %arg5[%dma_wait3A_76, %dma_wait3A_77] : memref<10240x16xf32, #tpu.memory_space<vmem_shared>> -> memref<10240x16xf32, #tpu.memory_space<vmem_shared>>
        tpu.wait_indirect_dma semaphore(%run_scoped3A_62 : memref<!tpu.dma_semaphore, #tpu.memory_space<semaphore_mem>>) src(%dma_wait3A_72 : memref<128x16xf32, #tpu.memory_space<vmem>>) dst(%dma_wait3A_78 : memref<10240x16xf32, #tpu.memory_space<vmem_shared>>)
        tpu.yield
      }) : () -> ()
      %run_scoped3A_56 = arith.constant 2 : i32
      "tpu.region"() ({
        %run_scoped3A_62 = tpu.sem_alloc : memref<!tpu.dma_semaphore, #tpu.memory_space<semaphore_mem>>
        %dma_start3A = arith.constant 256 : i32
        %dma_start3A_63 = arith.constant 0 : i32
        %dma_start3A_64 = tpu.memref_slice %arg8[%dma_start3A, %dma_start3A_63] : memref<1024x16xf32, #tpu.memory_space<vmem>> -> memref<128x16xf32, #tpu.memory_space<vmem>>
        %dma_start3A_65 = arith.constant 0 : i32
        %dma_start3A_66 = tpu.memref_slice %arg6[%run_scoped3A_56, %dma_start3A_65] : memref<8x128xi32, #tpu.memory_space<vmem>> -> memref<1x128xi32, #tpu.memory_space<vmem>>
        %dma_start3A_67 = tpu.memref_squeeze %dma_start3A_66 : memref<1x128xi32, #tpu.memory_space<vmem>> -> memref<128xi32, #tpu.memory_space<vmem>>
        %dma_start3A_68 = arith.constant 0 : i32
        %dma_start3A_69 = arith.constant 0 : i32
        %dma_start3A_70 = tpu.memref_slice %arg5[%dma_start3A_68, %dma_start3A_69] : memref<10240x16xf32, #tpu.memory_space<vmem_shared>> -> memref<10240x16xf32, #tpu.memory_space<vmem_shared>>
        tpu.enqueue_indirect_dma source(%dma_start3A_64 : memref<128x16xf32, #tpu.memory_space<vmem>>) target(%dma_start3A_70 : memref<10240x16xf32, #tpu.memory_space<vmem_shared>>) offsets(%dma_start3A_67 : memref<128xi32, #tpu.memory_space<vmem>>) semaphore(%run_scoped3A_62 : memref<!tpu.dma_semaphore, #tpu.memory_space<semaphore_mem>>) {add = true}
        %dma_wait3A = arith.constant 256 : i32
        %dma_wait3A_71 = arith.constant 0 : i32
        %dma_wait3A_72 = tpu.memref_slice %arg8[%dma_wait3A, %dma_wait3A_71] : memref<1024x16xf32, #tpu.memory_space<vmem>> -> memref<128x16xf32, #tpu.memory_space<vmem>>
        %dma_wait3A_73 = arith.constant 0 : i32
        %dma_wait3A_74 = tpu.memref_slice %arg6[%run_scoped3A_56, %dma_wait3A_73] : memref<8x128xi32, #tpu.memory_space<vmem>> -> memref<1x128xi32, #tpu.memory_space<vmem>>
        %dma_wait3A_75 = tpu.memref_squeeze %dma_wait3A_74 : memref<1x128xi32, #tpu.memory_space<vmem>> -> memref<128xi32, #tpu.memory_space<vmem>>
        %dma_wait3A_76 = arith.constant 0 : i32
        %dma_wait3A_77 = arith.constant 0 : i32
        %dma_wait3A_78 = tpu.memref_slice %arg5[%dma_wait3A_76, %dma_wait3A_77] : memref<10240x16xf32, #tpu.memory_space<vmem_shared>> -> memref<10240x16xf32, #tpu.memory_space<vmem_shared>>
        tpu.wait_indirect_dma semaphore(%run_scoped3A_62 : memref<!tpu.dma_semaphore, #tpu.memory_space<semaphore_mem>>) src(%dma_wait3A_72 : memref<128x16xf32, #tpu.memory_space<vmem>>) dst(%dma_wait3A_78 : memref<10240x16xf32, #tpu.memory_space<vmem_shared>>)
        tpu.yield
      }) : () -> ()
      %run_scoped3A_57 = arith.constant 3 : i32
      "tpu.region"() ({
        %run_scoped3A_62 = tpu.sem_alloc : memref<!tpu.dma_semaphore, #tpu.memory_space<semaphore_mem>>
        %dma_start3A = arith.constant 384 : i32
        %dma_start3A_63 = arith.constant 0 : i32
        %dma_start3A_64 = tpu.memref_slice %arg8[%dma_start3A, %dma_start3A_63] : memref<1024x16xf32, #tpu.memory_space<vmem>> -> memref<128x16xf32, #tpu.memory_space<vmem>>
        %dma_start3A_65 = arith.constant 0 : i32
        %dma_start3A_66 = tpu.memref_slice %arg6[%run_scoped3A_57, %dma_start3A_65] : memref<8x128xi32, #tpu.memory_space<vmem>> -> memref<1x128xi32, #tpu.memory_space<vmem>>
        %dma_start3A_67 = tpu.memref_squeeze %dma_start3A_66 : memref<1x128xi32, #tpu.memory_space<vmem>> -> memref<128xi32, #tpu.memory_space<vmem>>
        %dma_start3A_68 = arith.constant 0 : i32
        %dma_start3A_69 = arith.constant 0 : i32
        %dma_start3A_70 = tpu.memref_slice %arg5[%dma_start3A_68, %dma_start3A_69] : memref<10240x16xf32, #tpu.memory_space<vmem_shared>> -> memref<10240x16xf32, #tpu.memory_space<vmem_shared>>
        tpu.enqueue_indirect_dma source(%dma_start3A_64 : memref<128x16xf32, #tpu.memory_space<vmem>>) target(%dma_start3A_70 : memref<10240x16xf32, #tpu.memory_space<vmem_shared>>) offsets(%dma_start3A_67 : memref<128xi32, #tpu.memory_space<vmem>>) semaphore(%run_scoped3A_62 : memref<!tpu.dma_semaphore, #tpu.memory_space<semaphore_mem>>) {add = true}
        %dma_wait3A = arith.constant 384 : i32
        %dma_wait3A_71 = arith.constant 0 : i32
        %dma_wait3A_72 = tpu.memref_slice %arg8[%dma_wait3A, %dma_wait3A_71] : memref<1024x16xf32, #tpu.memory_space<vmem>> -> memref<128x16xf32, #tpu.memory_space<vmem>>
        %dma_wait3A_73 = arith.constant 0 : i32
        %dma_wait3A_74 = tpu.memref_slice %arg6[%run_scoped3A_57, %dma_wait3A_73] : memref<8x128xi32, #tpu.memory_space<vmem>> -> memref<1x128xi32, #tpu.memory_space<vmem>>
        %dma_wait3A_75 = tpu.memref_squeeze %dma_wait3A_74 : memref<1x128xi32, #tpu.memory_space<vmem>> -> memref<128xi32, #tpu.memory_space<vmem>>
        %dma_wait3A_76 = arith.constant 0 : i32
        %dma_wait3A_77 = arith.constant 0 : i32
        %dma_wait3A_78 = tpu.memref_slice %arg5[%dma_wait3A_76, %dma_wait3A_77] : memref<10240x16xf32, #tpu.memory_space<vmem_shared>> -> memref<10240x16xf32, #tpu.memory_space<vmem_shared>>
        tpu.wait_indirect_dma semaphore(%run_scoped3A_62 : memref<!tpu.dma_semaphore, #tpu.memory_space<semaphore_mem>>) src(%dma_wait3A_72 : memref<128x16xf32, #tpu.memory_space<vmem>>) dst(%dma_wait3A_78 : memref<10240x16xf32, #tpu.memory_space<vmem_shared>>)
        tpu.yield
      }) : () -> ()
      %run_scoped3A_58 = arith.constant 4 : i32
      "tpu.region"() ({
        %run_scoped3A_62 = tpu.sem_alloc : memref<!tpu.dma_semaphore, #tpu.memory_space<semaphore_mem>>
        %dma_start3A = arith.constant 512 : i32
        %dma_start3A_63 = arith.constant 0 : i32
        %dma_start3A_64 = tpu.memref_slice %arg8[%dma_start3A, %dma_start3A_63] : memref<1024x16xf32, #tpu.memory_space<vmem>> -> memref<128x16xf32, #tpu.memory_space<vmem>>
        %dma_start3A_65 = arith.constant 0 : i32
        %dma_start3A_66 = tpu.memref_slice %arg6[%run_scoped3A_58, %dma_start3A_65] : memref<8x128xi32, #tpu.memory_space<vmem>> -> memref<1x128xi32, #tpu.memory_space<vmem>>
        %dma_start3A_67 = tpu.memref_squeeze %dma_start3A_66 : memref<1x128xi32, #tpu.memory_space<vmem>> -> memref<128xi32, #tpu.memory_space<vmem>>
        %dma_start3A_68 = arith.constant 0 : i32
        %dma_start3A_69 = arith.constant 0 : i32
        %dma_start3A_70 = tpu.memref_slice %arg5[%dma_start3A_68, %dma_start3A_69] : memref<10240x16xf32, #tpu.memory_space<vmem_shared>> -> memref<10240x16xf32, #tpu.memory_space<vmem_shared>>
        tpu.enqueue_indirect_dma source(%dma_start3A_64 : memref<128x16xf32, #tpu.memory_space<vmem>>) target(%dma_start3A_70 : memref<10240x16xf32, #tpu.memory_space<vmem_shared>>) offsets(%dma_start3A_67 : memref<128xi32, #tpu.memory_space<vmem>>) semaphore(%run_scoped3A_62 : memref<!tpu.dma_semaphore, #tpu.memory_space<semaphore_mem>>) {add = true}
        %dma_wait3A = arith.constant 512 : i32
        %dma_wait3A_71 = arith.constant 0 : i32
        %dma_wait3A_72 = tpu.memref_slice %arg8[%dma_wait3A, %dma_wait3A_71] : memref<1024x16xf32, #tpu.memory_space<vmem>> -> memref<128x16xf32, #tpu.memory_space<vmem>>
        %dma_wait3A_73 = arith.constant 0 : i32
        %dma_wait3A_74 = tpu.memref_slice %arg6[%run_scoped3A_58, %dma_wait3A_73] : memref<8x128xi32, #tpu.memory_space<vmem>> -> memref<1x128xi32, #tpu.memory_space<vmem>>
        %dma_wait3A_75 = tpu.memref_squeeze %dma_wait3A_74 : memref<1x128xi32, #tpu.memory_space<vmem>> -> memref<128xi32, #tpu.memory_space<vmem>>
        %dma_wait3A_76 = arith.constant 0 : i32
        %dma_wait3A_77 = arith.constant 0 : i32
        %dma_wait3A_78 = tpu.memref_slice %arg5[%dma_wait3A_76, %dma_wait3A_77] : memref<10240x16xf32, #tpu.memory_space<vmem_shared>> -> memref<10240x16xf32, #tpu.memory_space<vmem_shared>>
        tpu.wait_indirect_dma semaphore(%run_scoped3A_62 : memref<!tpu.dma_semaphore, #tpu.memory_space<semaphore_mem>>) src(%dma_wait3A_72 : memref<128x16xf32, #tpu.memory_space<vmem>>) dst(%dma_wait3A_78 : memref<10240x16xf32, #tpu.memory_space<vmem_shared>>)
        tpu.yield
      }) : () -> ()
      %run_scoped3A_59 = arith.constant 5 : i32
      "tpu.region"() ({
        %run_scoped3A_62 = tpu.sem_alloc : memref<!tpu.dma_semaphore, #tpu.memory_space<semaphore_mem>>
        %dma_start3A = arith.constant 640 : i32
        %dma_start3A_63 = arith.constant 0 : i32
        %dma_start3A_64 = tpu.memref_slice %arg8[%dma_start3A, %dma_start3A_63] : memref<1024x16xf32, #tpu.memory_space<vmem>> -> memref<128x16xf32, #tpu.memory_space<vmem>>
        %dma_start3A_65 = arith.constant 0 : i32
        %dma_start3A_66 = tpu.memref_slice %arg6[%run_scoped3A_59, %dma_start3A_65] : memref<8x128xi32, #tpu.memory_space<vmem>> -> memref<1x128xi32, #tpu.memory_space<vmem>>
        %dma_start3A_67 = tpu.memref_squeeze %dma_start3A_66 : memref<1x128xi32, #tpu.memory_space<vmem>> -> memref<128xi32, #tpu.memory_space<vmem>>
        %dma_start3A_68 = arith.constant 0 : i32
        %dma_start3A_69 = arith.constant 0 : i32
        %dma_start3A_70 = tpu.memref_slice %arg5[%dma_start3A_68, %dma_start3A_69] : memref<10240x16xf32, #tpu.memory_space<vmem_shared>> -> memref<10240x16xf32, #tpu.memory_space<vmem_shared>>
        tpu.enqueue_indirect_dma source(%dma_start3A_64 : memref<128x16xf32, #tpu.memory_space<vmem>>) target(%dma_start3A_70 : memref<10240x16xf32, #tpu.memory_space<vmem_shared>>) offsets(%dma_start3A_67 : memref<128xi32, #tpu.memory_space<vmem>>) semaphore(%run_scoped3A_62 : memref<!tpu.dma_semaphore, #tpu.memory_space<semaphore_mem>>) {add = true}
        %dma_wait3A = arith.constant 640 : i32
        %dma_wait3A_71 = arith.constant 0 : i32
        %dma_wait3A_72 = tpu.memref_slice %arg8[%dma_wait3A, %dma_wait3A_71] : memref<1024x16xf32, #tpu.memory_space<vmem>> -> memref<128x16xf32, #tpu.memory_space<vmem>>
        %dma_wait3A_73 = arith.constant 0 : i32
        %dma_wait3A_74 = tpu.memref_slice %arg6[%run_scoped3A_59, %dma_wait3A_73] : memref<8x128xi32, #tpu.memory_space<vmem>> -> memref<1x128xi32, #tpu.memory_space<vmem>>
        %dma_wait3A_75 = tpu.memref_squeeze %dma_wait3A_74 : memref<1x128xi32, #tpu.memory_space<vmem>> -> memref<128xi32, #tpu.memory_space<vmem>>
        %dma_wait3A_76 = arith.constant 0 : i32
        %dma_wait3A_77 = arith.constant 0 : i32
        %dma_wait3A_78 = tpu.memref_slice %arg5[%dma_wait3A_76, %dma_wait3A_77] : memref<10240x16xf32, #tpu.memory_space<vmem_shared>> -> memref<10240x16xf32, #tpu.memory_space<vmem_shared>>
        tpu.wait_indirect_dma semaphore(%run_scoped3A_62 : memref<!tpu.dma_semaphore, #tpu.memory_space<semaphore_mem>>) src(%dma_wait3A_72 : memref<128x16xf32, #tpu.memory_space<vmem>>) dst(%dma_wait3A_78 : memref<10240x16xf32, #tpu.memory_space<vmem_shared>>)
        tpu.yield
      }) : () -> ()
      %run_scoped3A_60 = arith.constant 6 : i32
      "tpu.region"() ({
        %run_scoped3A_62 = tpu.sem_alloc : memref<!tpu.dma_semaphore, #tpu.memory_space<semaphore_mem>>
        %dma_start3A = arith.constant 768 : i32
        %dma_start3A_63 = arith.constant 0 : i32
        %dma_start3A_64 = tpu.memref_slice %arg8[%dma_start3A, %dma_start3A_63] : memref<1024x16xf32, #tpu.memory_space<vmem>> -> memref<128x16xf32, #tpu.memory_space<vmem>>
        %dma_start3A_65 = arith.constant 0 : i32
        %dma_start3A_66 = tpu.memref_slice %arg6[%run_scoped3A_60, %dma_start3A_65] : memref<8x128xi32, #tpu.memory_space<vmem>> -> memref<1x128xi32, #tpu.memory_space<vmem>>
        %dma_start3A_67 = tpu.memref_squeeze %dma_start3A_66 : memref<1x128xi32, #tpu.memory_space<vmem>> -> memref<128xi32, #tpu.memory_space<vmem>>
        %dma_start3A_68 = arith.constant 0 : i32
        %dma_start3A_69 = arith.constant 0 : i32
        %dma_start3A_70 = tpu.memref_slice %arg5[%dma_start3A_68, %dma_start3A_69] : memref<10240x16xf32, #tpu.memory_space<vmem_shared>> -> memref<10240x16xf32, #tpu.memory_space<vmem_shared>>
        tpu.enqueue_indirect_dma source(%dma_start3A_64 : memref<128x16xf32, #tpu.memory_space<vmem>>) target(%dma_start3A_70 : memref<10240x16xf32, #tpu.memory_space<vmem_shared>>) offsets(%dma_start3A_67 : memref<128xi32, #tpu.memory_space<vmem>>) semaphore(%run_scoped3A_62 : memref<!tpu.dma_semaphore, #tpu.memory_space<semaphore_mem>>) {add = true}
        %dma_wait3A = arith.constant 768 : i32
        %dma_wait3A_71 = arith.constant 0 : i32
        %dma_wait3A_72 = tpu.memref_slice %arg8[%dma_wait3A, %dma_wait3A_71] : memref<1024x16xf32, #tpu.memory_space<vmem>> -> memref<128x16xf32, #tpu.memory_space<vmem>>
        %dma_wait3A_73 = arith.constant 0 : i32
        %dma_wait3A_74 = tpu.memref_slice %arg6[%run_scoped3A_60, %dma_wait3A_73] : memref<8x128xi32, #tpu.memory_space<vmem>> -> memref<1x128xi32, #tpu.memory_space<vmem>>
        %dma_wait3A_75 = tpu.memref_squeeze %dma_wait3A_74 : memref<1x128xi32, #tpu.memory_space<vmem>> -> memref<128xi32, #tpu.memory_space<vmem>>
        %dma_wait3A_76 = arith.constant 0 : i32
        %dma_wait3A_77 = arith.constant 0 : i32
        %dma_wait3A_78 = tpu.memref_slice %arg5[%dma_wait3A_76, %dma_wait3A_77] : memref<10240x16xf32, #tpu.memory_space<vmem_shared>> -> memref<10240x16xf32, #tpu.memory_space<vmem_shared>>
        tpu.wait_indirect_dma semaphore(%run_scoped3A_62 : memref<!tpu.dma_semaphore, #tpu.memory_space<semaphore_mem>>) src(%dma_wait3A_72 : memref<128x16xf32, #tpu.memory_space<vmem>>) dst(%dma_wait3A_78 : memref<10240x16xf32, #tpu.memory_space<vmem_shared>>)
        tpu.yield
      }) : () -> ()
      %run_scoped3A_61 = arith.constant 7 : i32
      "tpu.region"() ({
        %run_scoped3A_62 = tpu.sem_alloc : memref<!tpu.dma_semaphore, #tpu.memory_space<semaphore_mem>>
        %dma_start3A = arith.constant 896 : i32
        %dma_start3A_63 = arith.constant 0 : i32
        %dma_start3A_64 = tpu.memref_slice %arg8[%dma_start3A, %dma_start3A_63] : memref<1024x16xf32, #tpu.memory_space<vmem>> -> memref<128x16xf32, #tpu.memory_space<vmem>>
        %dma_start3A_65 = arith.constant 0 : i32
        %dma_start3A_66 = tpu.memref_slice %arg6[%run_scoped3A_61, %dma_start3A_65] : memref<8x128xi32, #tpu.memory_space<vmem>> -> memref<1x128xi32, #tpu.memory_space<vmem>>
        %dma_start3A_67 = tpu.memref_squeeze %dma_start3A_66 : memref<1x128xi32, #tpu.memory_space<vmem>> -> memref<128xi32, #tpu.memory_space<vmem>>
        %dma_start3A_68 = arith.constant 0 : i32
        %dma_start3A_69 = arith.constant 0 : i32
        %dma_start3A_70 = tpu.memref_slice %arg5[%dma_start3A_68, %dma_start3A_69] : memref<10240x16xf32, #tpu.memory_space<vmem_shared>> -> memref<10240x16xf32, #tpu.memory_space<vmem_shared>>
        tpu.enqueue_indirect_dma source(%dma_start3A_64 : memref<128x16xf32, #tpu.memory_space<vmem>>) target(%dma_start3A_70 : memref<10240x16xf32, #tpu.memory_space<vmem_shared>>) offsets(%dma_start3A_67 : memref<128xi32, #tpu.memory_space<vmem>>) semaphore(%run_scoped3A_62 : memref<!tpu.dma_semaphore, #tpu.memory_space<semaphore_mem>>) {add = true}
        %dma_wait3A = arith.constant 896 : i32
        %dma_wait3A_71 = arith.constant 0 : i32
        %dma_wait3A_72 = tpu.memref_slice %arg8[%dma_wait3A, %dma_wait3A_71] : memref<1024x16xf32, #tpu.memory_space<vmem>> -> memref<128x16xf32, #tpu.memory_space<vmem>>
        %dma_wait3A_73 = arith.constant 0 : i32
        %dma_wait3A_74 = tpu.memref_slice %arg6[%run_scoped3A_61, %dma_wait3A_73] : memref<8x128xi32, #tpu.memory_space<vmem>> -> memref<1x128xi32, #tpu.memory_space<vmem>>
        %dma_wait3A_75 = tpu.memref_squeeze %dma_wait3A_74 : memref<1x128xi32, #tpu.memory_space<vmem>> -> memref<128xi32, #tpu.memory_space<vmem>>
        %dma_wait3A_76 = arith.constant 0 : i32
        %dma_wait3A_77 = arith.constant 0 : i32
        %dma_wait3A_78 = tpu.memref_slice %arg5[%dma_wait3A_76, %dma_wait3A_77] : memref<10240x16xf32, #tpu.memory_space<vmem_shared>> -> memref<10240x16xf32, #tpu.memory_space<vmem_shared>>
        tpu.wait_indirect_dma semaphore(%run_scoped3A_62 : memref<!tpu.dma_semaphore, #tpu.memory_space<semaphore_mem>>) src(%dma_wait3A_72 : memref<128x16xf32, #tpu.memory_space<vmem>>) dst(%dma_wait3A_78 : memref<10240x16xf32, #tpu.memory_space<vmem_shared>>)
        tpu.yield
      }) : () -> ()
    }
    %scan3A_23 = arith.constant 5 : i32
    %barrier3A_24 = arith.constant 0 : index
    tpu.barrier barrier_id(%barrier3A_24)
    %mul3A_25 = arith.constant 640 : i32
    %mul3A_26 = arith.muli %arg1, %mul3A_25 : i32
    %mul3A_27 = arith.constant 640 : i32
    %mul3A_28 = arith.muli %arg1, %mul3A_27 : i32
    "tpu.region"() ({
      %run_scoped3A = tpu.sem_alloc : memref<!tpu.dma_semaphore, #tpu.memory_space<semaphore_mem>>
      %dma_start3A = arith.constant 0 : i32
      %dma_start3A_29 = tpu.memref_slice %arg4[%arg0, %mul3A_28, %dma_start3A] : memref<2x10240x16xf32, #tpu.memory_space<hbm>> -> memref<1x640x16xf32, #tpu.memory_space<hbm>>
      %dma_start3A_30 = tpu.memref_squeeze %dma_start3A_29 : memref<1x640x16xf32, #tpu.memory_space<hbm>> -> memref<640x16xf32, #tpu.memory_space<hbm>>
      %dma_start3A_31 = arith.constant 0 : i32
      %dma_start3A_32 = tpu.memref_slice %arg5[%mul3A_26, %dma_start3A_31] : memref<10240x16xf32, #tpu.memory_space<vmem_shared>> -> memref<640x16xf32, #tpu.memory_space<vmem_shared>>
      tpu.enqueue_dma source(%dma_start3A_32 : memref<640x16xf32, #tpu.memory_space<vmem_shared>>) target(%dma_start3A_30 : memref<640x16xf32, #tpu.memory_space<hbm>>) target_semaphore(%run_scoped3A : memref<!tpu.dma_semaphore, #tpu.memory_space<semaphore_mem>>)
      %dma_wait3A = arith.constant 0 : i32
      %dma_wait3A_33 = tpu.memref_slice %arg4[%arg0, %mul3A_28, %dma_wait3A] : memref<2x10240x16xf32, #tpu.memory_space<hbm>> -> memref<1x640x16xf32, #tpu.memory_space<hbm>>
      %dma_wait3A_34 = tpu.memref_squeeze %dma_wait3A_33 : memref<1x640x16xf32, #tpu.memory_space<hbm>> -> memref<640x16xf32, #tpu.memory_space<hbm>>
      %dma_wait3A_35 = arith.constant 0 : i32
      %dma_wait3A_36 = tpu.memref_slice %arg5[%mul3A_26, %dma_wait3A_35] : memref<10240x16xf32, #tpu.memory_space<vmem_shared>> -> memref<640x16xf32, #tpu.memory_space<vmem_shared>>
      tpu.wait_dma2 semaphore(%run_scoped3A : memref<!tpu.dma_semaphore, #tpu.memory_space<semaphore_mem>>) src(%dma_wait3A_36 : memref<640x16xf32, #tpu.memory_space<vmem_shared>>) dst(%dma_wait3A_34 : memref<640x16xf32, #tpu.memory_space<hbm>>)
      tpu.yield
    }) : () -> ()
    return
  }
}

#map = affine_map<(d0, d1) -> (0, 0)>
#map1 = affine_map<(d0, d1) -> (0, 0, 0)>
module attributes {stable_mosaic.version = 14 : i64} {
  func.func @_acc1_body(%arg0: i32, %arg1: i32, %arg2: memref<2560x128xi32, #tpu.memory_space<hbm>>, %arg3: memref<1280x128xi32, #tpu.memory_space<hbm>>, %arg4: memref<1280x128xf32, #tpu.memory_space<hbm>>, %arg5: memref<20480x128xf32, #tpu.memory_space<hbm>>, %arg6: memref<2x10240x128xf32, #tpu.memory_space<hbm>>, %arg7: memref<10240x128xf32, #tpu.memory_space<vmem_shared>>, %arg8: memref<2x128xi32, #tpu.memory_space<vmem>>, %arg9: memref<2x128xi32, #tpu.memory_space<vmem>>, %arg10: memref<272xf32, #tpu.memory_space<vmem>>, %arg11: memref<256x128xf32, #tpu.memory_space<vmem>>, %arg12: memref<!tpu.dma_semaphore, #tpu.memory_space<semaphore_mem>>) attributes {dimension_semantics = [#tpu.dimension_semantics<core_parallel>, #tpu.dimension_semantics<subcore_parallel>], iteration_bounds = array<i64: 2, 16>, scalar_prefetch = 0 : i64, scratch_operands = 6 : i64, tpu.core_type = #tpu.core_type<sc_vector_subcore>, window_params = [{transform_indices = #map}, {transform_indices = #map}, {transform_indices = #map}, {transform_indices = #map}, {transform_indices = #map1}]} {
    %scan3A = arith.constant 0 : i32
    %scan3A_0 = arith.constant 0 : i32
    %scan3A_1 = arith.constant 256 : i32
    %scan3A_2 = arith.addi %scan3A_0, %scan3A_1 : i32
    %scan3A_3 = arith.constant 1 : i32
    scf.for %scan3A_28 = %scan3A_0 to %scan3A_2 step %scan3A_3  : i32 {
      %broadcast_in_dim3A = arith.constant 0.000000e+00 : f32
      %broadcast_in_dim3A_29 = vector.broadcast %broadcast_in_dim3A : f32 to vector<16xf32>
      %swap3A = arith.index_cast %scan3A_28 : i32 to index
      %swap3A_30 = arith.constant 0 : index
      %swap3A_31 = tpu.vector_load %arg11[%swap3A, %swap3A_30] {strides = array<i32>} : memref<256x128xf32, #tpu.memory_space<vmem>>, vector<1x16xf32>,
      %swap3A_32 = vector.shape_cast %swap3A_31 : vector<1x16xf32> to vector<16xf32>
      %swap3A_33 = vector.shape_cast %broadcast_in_dim3A_29 : vector<16xf32> to vector<1x16xf32>
      tpu.vector_store %arg11[%swap3A, %swap3A_30], %swap3A_33 {strides = array<i32>} : memref<256x128xf32, #tpu.memory_space<vmem>>, vector<1x16xf32>,
      %broadcast_in_dim3A_34 = arith.constant 0.000000e+00 : f32
      %broadcast_in_dim3A_35 = vector.broadcast %broadcast_in_dim3A_34 : f32 to vector<16xf32>
      %swap3A_36 = arith.index_cast %scan3A_28 : i32 to index
      %swap3A_37 = arith.constant 16 : index
      %swap3A_38 = tpu.vector_load %arg11[%swap3A_36, %swap3A_37] {strides = array<i32>} : memref<256x128xf32, #tpu.memory_space<vmem>>, vector<1x16xf32>,
      %swap3A_39 = vector.shape_cast %swap3A_38 : vector<1x16xf32> to vector<16xf32>
      %swap3A_40 = vector.shape_cast %broadcast_in_dim3A_35 : vector<16xf32> to vector<1x16xf32>
      tpu.vector_store %arg11[%swap3A_36, %swap3A_37], %swap3A_40 {strides = array<i32>} : memref<256x128xf32, #tpu.memory_space<vmem>>, vector<1x16xf32>,
      %broadcast_in_dim3A_41 = arith.constant 0.000000e+00 : f32
      %broadcast_in_dim3A_42 = vector.broadcast %broadcast_in_dim3A_41 : f32 to vector<16xf32>
      %swap3A_43 = arith.index_cast %scan3A_28 : i32 to index
      %swap3A_44 = arith.constant 32 : index
      %swap3A_45 = tpu.vector_load %arg11[%swap3A_43, %swap3A_44] {strides = array<i32>} : memref<256x128xf32, #tpu.memory_space<vmem>>, vector<1x16xf32>,
      %swap3A_46 = vector.shape_cast %swap3A_45 : vector<1x16xf32> to vector<16xf32>
      %swap3A_47 = vector.shape_cast %broadcast_in_dim3A_42 : vector<16xf32> to vector<1x16xf32>
      tpu.vector_store %arg11[%swap3A_43, %swap3A_44], %swap3A_47 {strides = array<i32>} : memref<256x128xf32, #tpu.memory_space<vmem>>, vector<1x16xf32>,
      %broadcast_in_dim3A_48 = arith.constant 0.000000e+00 : f32
      %broadcast_in_dim3A_49 = vector.broadcast %broadcast_in_dim3A_48 : f32 to vector<16xf32>
      %swap3A_50 = arith.index_cast %scan3A_28 : i32 to index
      %swap3A_51 = arith.constant 48 : index
      %swap3A_52 = tpu.vector_load %arg11[%swap3A_50, %swap3A_51] {strides = array<i32>} : memref<256x128xf32, #tpu.memory_space<vmem>>, vector<1x16xf32>,
      %swap3A_53 = vector.shape_cast %swap3A_52 : vector<1x16xf32> to vector<16xf32>
      %swap3A_54 = vector.shape_cast %broadcast_in_dim3A_49 : vector<16xf32> to vector<1x16xf32>
      tpu.vector_store %arg11[%swap3A_50, %swap3A_51], %swap3A_54 {strides = array<i32>} : memref<256x128xf32, #tpu.memory_space<vmem>>, vector<1x16xf32>,
      %broadcast_in_dim3A_55 = arith.constant 0.000000e+00 : f32
      %broadcast_in_dim3A_56 = vector.broadcast %broadcast_in_dim3A_55 : f32 to vector<16xf32>
      %swap3A_57 = arith.index_cast %scan3A_28 : i32 to index
      %swap3A_58 = arith.constant 64 : index
      %swap3A_59 = tpu.vector_load %arg11[%swap3A_57, %swap3A_58] {strides = array<i32>} : memref<256x128xf32, #tpu.memory_space<vmem>>, vector<1x16xf32>,
      %swap3A_60 = vector.shape_cast %swap3A_59 : vector<1x16xf32> to vector<16xf32>
      %swap3A_61 = vector.shape_cast %broadcast_in_dim3A_56 : vector<16xf32> to vector<1x16xf32>
      tpu.vector_store %arg11[%swap3A_57, %swap3A_58], %swap3A_61 {strides = array<i32>} : memref<256x128xf32, #tpu.memory_space<vmem>>, vector<1x16xf32>,
      %broadcast_in_dim3A_62 = arith.constant 0.000000e+00 : f32
      %broadcast_in_dim3A_63 = vector.broadcast %broadcast_in_dim3A_62 : f32 to vector<16xf32>
      %swap3A_64 = arith.index_cast %scan3A_28 : i32 to index
      %swap3A_65 = arith.constant 80 : index
      %swap3A_66 = tpu.vector_load %arg11[%swap3A_64, %swap3A_65] {strides = array<i32>} : memref<256x128xf32, #tpu.memory_space<vmem>>, vector<1x16xf32>,
      %swap3A_67 = vector.shape_cast %swap3A_66 : vector<1x16xf32> to vector<16xf32>
      %swap3A_68 = vector.shape_cast %broadcast_in_dim3A_63 : vector<16xf32> to vector<1x16xf32>
      tpu.vector_store %arg11[%swap3A_64, %swap3A_65], %swap3A_68 {strides = array<i32>} : memref<256x128xf32, #tpu.memory_space<vmem>>, vector<1x16xf32>,
      %broadcast_in_dim3A_69 = arith.constant 0.000000e+00 : f32
      %broadcast_in_dim3A_70 = vector.broadcast %broadcast_in_dim3A_69 : f32 to vector<16xf32>
      %swap3A_71 = arith.index_cast %scan3A_28 : i32 to index
      %swap3A_72 = arith.constant 96 : index
      %swap3A_73 = tpu.vector_load %arg11[%swap3A_71, %swap3A_72] {strides = array<i32>} : memref<256x128xf32, #tpu.memory_space<vmem>>, vector<1x16xf32>,
      %swap3A_74 = vector.shape_cast %swap3A_73 : vector<1x16xf32> to vector<16xf32>
      %swap3A_75 = vector.shape_cast %broadcast_in_dim3A_70 : vector<16xf32> to vector<1x16xf32>
      tpu.vector_store %arg11[%swap3A_71, %swap3A_72], %swap3A_75 {strides = array<i32>} : memref<256x128xf32, #tpu.memory_space<vmem>>, vector<1x16xf32>,
      %broadcast_in_dim3A_76 = arith.constant 0.000000e+00 : f32
      %broadcast_in_dim3A_77 = vector.broadcast %broadcast_in_dim3A_76 : f32 to vector<16xf32>
      %swap3A_78 = arith.index_cast %scan3A_28 : i32 to index
      %swap3A_79 = arith.constant 112 : index
      %swap3A_80 = tpu.vector_load %arg11[%swap3A_78, %swap3A_79] {strides = array<i32>} : memref<256x128xf32, #tpu.memory_space<vmem>>, vector<1x16xf32>,
      %swap3A_81 = vector.shape_cast %swap3A_80 : vector<1x16xf32> to vector<16xf32>
      %swap3A_82 = vector.shape_cast %broadcast_in_dim3A_77 : vector<16xf32> to vector<1x16xf32>
      tpu.vector_store %arg11[%swap3A_78, %swap3A_79], %swap3A_82 {strides = array<i32>} : memref<256x128xf32, #tpu.memory_space<vmem>>, vector<1x16xf32>,
    }
    %scan3A_4 = arith.constant 256 : i32
    %mul3A = arith.constant 640 : i32
    %mul3A_5 = arith.muli %arg1, %mul3A : i32
    %add3A = arith.constant 0 : i32
    %add3A_6 = arith.addi %mul3A_5, %add3A : i32
    "tpu.region"() ({
      %run_scoped3A = tpu.sem_alloc : memref<!tpu.dma_semaphore, #tpu.memory_space<semaphore_mem>>
      %dma_start3A = arith.constant 0 : i32
      %dma_start3A_28 = tpu.memref_slice %arg7[%add3A_6, %dma_start3A] : memref<10240x128xf32, #tpu.memory_space<vmem_shared>> -> memref<256x128xf32, #tpu.memory_space<vmem_shared>>
      %dma_start3A_29 = arith.constant 0 : i32
      %dma_start3A_30 = tpu.memref_slice %arg7[%add3A_6, %dma_start3A_29] : memref<10240x128xf32, #tpu.memory_space<vmem_shared>> -> memref<256x128xf32, #tpu.memory_space<vmem_shared>>
      tpu.enqueue_dma source(%arg11 : memref<256x128xf32, #tpu.memory_space<vmem>>) target(%dma_start3A_30 : memref<256x128xf32, #tpu.memory_space<vmem_shared>>) target_semaphore(%run_scoped3A : memref<!tpu.dma_semaphore, #tpu.memory_space<semaphore_mem>>)
      %dma_wait3A = arith.constant 0 : i32
      %dma_wait3A_31 = tpu.memref_slice %arg7[%add3A_6, %dma_wait3A] : memref<10240x128xf32, #tpu.memory_space<vmem_shared>> -> memref<256x128xf32, #tpu.memory_space<vmem_shared>>
      %dma_wait3A_32 = arith.constant 0 : i32
      %dma_wait3A_33 = tpu.memref_slice %arg7[%add3A_6, %dma_wait3A_32] : memref<10240x128xf32, #tpu.memory_space<vmem_shared>> -> memref<256x128xf32, #tpu.memory_space<vmem_shared>>
      tpu.wait_dma2 semaphore(%run_scoped3A : memref<!tpu.dma_semaphore, #tpu.memory_space<semaphore_mem>>) src(%arg11 : memref<256x128xf32, #tpu.memory_space<vmem>>) dst(%dma_wait3A_33 : memref<256x128xf32, #tpu.memory_space<vmem_shared>>)
      tpu.yield
    }) : () -> ()
    %mul3A_7 = arith.constant 640 : i32
    %mul3A_8 = arith.muli %arg1, %mul3A_7 : i32
    %add3A_9 = arith.constant 256 : i32
    %add3A_10 = arith.addi %mul3A_8, %add3A_9 : i32
    "tpu.region"() ({
      %run_scoped3A = tpu.sem_alloc : memref<!tpu.dma_semaphore, #tpu.memory_space<semaphore_mem>>
      %dma_start3A = arith.constant 0 : i32
      %dma_start3A_28 = tpu.memref_slice %arg7[%add3A_10, %dma_start3A] : memref<10240x128xf32, #tpu.memory_space<vmem_shared>> -> memref<256x128xf32, #tpu.memory_space<vmem_shared>>
      %dma_start3A_29 = arith.constant 0 : i32
      %dma_start3A_30 = tpu.memref_slice %arg7[%add3A_10, %dma_start3A_29] : memref<10240x128xf32, #tpu.memory_space<vmem_shared>> -> memref<256x128xf32, #tpu.memory_space<vmem_shared>>
      tpu.enqueue_dma source(%arg11 : memref<256x128xf32, #tpu.memory_space<vmem>>) target(%dma_start3A_30 : memref<256x128xf32, #tpu.memory_space<vmem_shared>>) target_semaphore(%run_scoped3A : memref<!tpu.dma_semaphore, #tpu.memory_space<semaphore_mem>>)
      %dma_wait3A = arith.constant 0 : i32
      %dma_wait3A_31 = tpu.memref_slice %arg7[%add3A_10, %dma_wait3A] : memref<10240x128xf32, #tpu.memory_space<vmem_shared>> -> memref<256x128xf32, #tpu.memory_space<vmem_shared>>
      %dma_wait3A_32 = arith.constant 0 : i32
      %dma_wait3A_33 = tpu.memref_slice %arg7[%add3A_10, %dma_wait3A_32] : memref<10240x128xf32, #tpu.memory_space<vmem_shared>> -> memref<256x128xf32, #tpu.memory_space<vmem_shared>>
      tpu.wait_dma2 semaphore(%run_scoped3A : memref<!tpu.dma_semaphore, #tpu.memory_space<semaphore_mem>>) src(%arg11 : memref<256x128xf32, #tpu.memory_space<vmem>>) dst(%dma_wait3A_33 : memref<256x128xf32, #tpu.memory_space<vmem_shared>>)
      tpu.yield
    }) : () -> ()
    %mul3A_11 = arith.constant 640 : i32
    %mul3A_12 = arith.muli %arg1, %mul3A_11 : i32
    %add3A_13 = arith.constant 512 : i32
    %add3A_14 = arith.addi %mul3A_12, %add3A_13 : i32
    "tpu.region"() ({
      %run_scoped3A = tpu.sem_alloc : memref<!tpu.dma_semaphore, #tpu.memory_space<semaphore_mem>>
      %dma_start3A = arith.constant 0 : i32
      %dma_start3A_28 = arith.constant 0 : i32
      %dma_start3A_29 = tpu.memref_slice %arg11[%dma_start3A, %dma_start3A_28] : memref<256x128xf32, #tpu.memory_space<vmem>> -> memref<128x128xf32, #tpu.memory_space<vmem>>
      %dma_start3A_30 = arith.constant 0 : i32
      %dma_start3A_31 = tpu.memref_slice %arg7[%add3A_14, %dma_start3A_30] : memref<10240x128xf32, #tpu.memory_space<vmem_shared>> -> memref<128x128xf32, #tpu.memory_space<vmem_shared>>
      %dma_start3A_32 = arith.constant 0 : i32
      %dma_start3A_33 = tpu.memref_slice %arg7[%add3A_14, %dma_start3A_32] : memref<10240x128xf32, #tpu.memory_space<vmem_shared>> -> memref<128x128xf32, #tpu.memory_space<vmem_shared>>
      %dma_start3A_34 = arith.constant 0 : i32
      %dma_start3A_35 = arith.constant 0 : i32
      %dma_start3A_36 = tpu.memref_slice %arg11[%dma_start3A_34, %dma_start3A_35] : memref<256x128xf32, #tpu.memory_space<vmem>> -> memref<128x128xf32, #tpu.memory_space<vmem>>
      tpu.enqueue_dma source(%dma_start3A_36 : memref<128x128xf32, #tpu.memory_space<vmem>>) target(%dma_start3A_33 : memref<128x128xf32, #tpu.memory_space<vmem_shared>>) target_semaphore(%run_scoped3A : memref<!tpu.dma_semaphore, #tpu.memory_space<semaphore_mem>>)
      %dma_wait3A = arith.constant 0 : i32
      %dma_wait3A_37 = arith.constant 0 : i32
      %dma_wait3A_38 = tpu.memref_slice %arg11[%dma_wait3A, %dma_wait3A_37] : memref<256x128xf32, #tpu.memory_space<vmem>> -> memref<128x128xf32, #tpu.memory_space<vmem>>
      %dma_wait3A_39 = arith.constant 0 : i32
      %dma_wait3A_40 = tpu.memref_slice %arg7[%add3A_14, %dma_wait3A_39] : memref<10240x128xf32, #tpu.memory_space<vmem_shared>> -> memref<128x128xf32, #tpu.memory_space<vmem_shared>>
      %dma_wait3A_41 = arith.constant 0 : i32
      %dma_wait3A_42 = tpu.memref_slice %arg7[%add3A_14, %dma_wait3A_41] : memref<10240x128xf32, #tpu.memory_space<vmem_shared>> -> memref<128x128xf32, #tpu.memory_space<vmem_shared>>
      %dma_wait3A_43 = arith.constant 0 : i32
      %dma_wait3A_44 = arith.constant 0 : i32
      %dma_wait3A_45 = tpu.memref_slice %arg11[%dma_wait3A_43, %dma_wait3A_44] : memref<256x128xf32, #tpu.memory_space<vmem>> -> memref<128x128xf32, #tpu.memory_space<vmem>>
      tpu.wait_dma2 semaphore(%run_scoped3A : memref<!tpu.dma_semaphore, #tpu.memory_space<semaphore_mem>>) src(%dma_wait3A_45 : memref<128x128xf32, #tpu.memory_space<vmem>>) dst(%dma_wait3A_42 : memref<128x128xf32, #tpu.memory_space<vmem_shared>>)
      tpu.yield
    }) : () -> ()
    %barrier3A = arith.constant 0 : index
    tpu.barrier barrier_id(%barrier3A)
    %mul3A_15 = arith.constant 80 : i32
    %mul3A_16 = arith.muli %arg1, %mul3A_15 : i32
    %scan3A_17 = arith.constant 0 : i32
    %scan3A_18 = arith.constant 0 : i32
    %scan3A_19 = arith.constant 40 : i32
    %scan3A_20 = arith.addi %scan3A_18, %scan3A_19 : i32
    %scan3A_21 = arith.constant 1 : i32
    scf.for %scan3A_28 = %scan3A_18 to %scan3A_20 step %scan3A_21  : i32 {
      %mul3A_29 = arith.constant 2 : i32
      %mul3A_30 = arith.muli %scan3A_28, %mul3A_29 : i32
      %add3A_31 = arith.addi %mul3A_16, %mul3A_30 : i32
      %mul3A_32 = arith.constant 1280 : i32
      %mul3A_33 = arith.muli %arg0, %mul3A_32 : i32
      %add3A_34 = arith.addi %mul3A_33, %add3A_31 : i32
      "tpu.region"() ({
        %run_scoped3A_84 = tpu.sem_alloc : memref<!tpu.dma_semaphore, #tpu.memory_space<semaphore_mem>>
        %dma_start3A_85 = arith.constant 0 : i32
        %dma_start3A_86 = tpu.memref_slice %arg2[%add3A_34, %dma_start3A_85] : memref<2560x128xi32, #tpu.memory_space<hbm>> -> memref<2x128xi32, #tpu.memory_space<hbm>>
        %dma_start3A_87 = arith.constant 0 : i32
        %dma_start3A_88 = tpu.memref_slice %arg2[%add3A_34, %dma_start3A_87] : memref<2560x128xi32, #tpu.memory_space<hbm>> -> memref<2x128xi32, #tpu.memory_space<hbm>>
        tpu.enqueue_dma source(%dma_start3A_88 : memref<2x128xi32, #tpu.memory_space<hbm>>) target(%arg8 : memref<2x128xi32, #tpu.memory_space<vmem>>) target_semaphore(%run_scoped3A_84 : memref<!tpu.dma_semaphore, #tpu.memory_space<semaphore_mem>>)
        %dma_wait3A_89 = arith.constant 0 : i32
        %dma_wait3A_90 = tpu.memref_slice %arg2[%add3A_34, %dma_wait3A_89] : memref<2560x128xi32, #tpu.memory_space<hbm>> -> memref<2x128xi32, #tpu.memory_space<hbm>>
        %dma_wait3A_91 = arith.constant 0 : i32
        %dma_wait3A_92 = tpu.memref_slice %arg2[%add3A_34, %dma_wait3A_91] : memref<2560x128xi32, #tpu.memory_space<hbm>> -> memref<2x128xi32, #tpu.memory_space<hbm>>
        tpu.wait_dma2 semaphore(%run_scoped3A_84 : memref<!tpu.dma_semaphore, #tpu.memory_space<semaphore_mem>>) src(%dma_wait3A_92 : memref<2x128xi32, #tpu.memory_space<hbm>>) dst(%arg8 : memref<2x128xi32, #tpu.memory_space<vmem>>)
        tpu.yield
      }) : () -> ()
      "tpu.region"() ({
        %run_scoped3A_84 = tpu.sem_alloc : memref<!tpu.dma_semaphore, #tpu.memory_space<semaphore_mem>>
        %dma_start3A_85 = arith.constant 0 : i32
        %dma_start3A_86 = tpu.memref_slice %arg3[%add3A_31, %dma_start3A_85] : memref<1280x128xi32, #tpu.memory_space<hbm>> -> memref<2x128xi32, #tpu.memory_space<hbm>>
        %dma_start3A_87 = arith.constant 0 : i32
        %dma_start3A_88 = tpu.memref_slice %arg3[%add3A_31, %dma_start3A_87] : memref<1280x128xi32, #tpu.memory_space<hbm>> -> memref<2x128xi32, #tpu.memory_space<hbm>>
        tpu.enqueue_dma source(%dma_start3A_88 : memref<2x128xi32, #tpu.memory_space<hbm>>) target(%arg9 : memref<2x128xi32, #tpu.memory_space<vmem>>) target_semaphore(%run_scoped3A_84 : memref<!tpu.dma_semaphore, #tpu.memory_space<semaphore_mem>>)
        %dma_wait3A_89 = arith.constant 0 : i32
        %dma_wait3A_90 = tpu.memref_slice %arg3[%add3A_31, %dma_wait3A_89] : memref<1280x128xi32, #tpu.memory_space<hbm>> -> memref<2x128xi32, #tpu.memory_space<hbm>>
        %dma_wait3A_91 = arith.constant 0 : i32
        %dma_wait3A_92 = tpu.memref_slice %arg3[%add3A_31, %dma_wait3A_91] : memref<1280x128xi32, #tpu.memory_space<hbm>> -> memref<2x128xi32, #tpu.memory_space<hbm>>
        tpu.wait_dma2 semaphore(%run_scoped3A_84 : memref<!tpu.dma_semaphore, #tpu.memory_space<semaphore_mem>>) src(%dma_wait3A_92 : memref<2x128xi32, #tpu.memory_space<hbm>>) dst(%arg9 : memref<2x128xi32, #tpu.memory_space<vmem>>)
        tpu.yield
      }) : () -> ()
      %add3A_35 = arith.constant 0 : i32
      %add3A_36 = arith.addi %add3A_31, %add3A_35 : i32
      "tpu.region"() ({
        %run_scoped3A_84 = tpu.sem_alloc : memref<!tpu.dma_semaphore, #tpu.memory_space<semaphore_mem>>
        %dma_start3A_85 = arith.constant 0 : i32
        %dma_start3A_86 = tpu.memref_slice %arg10[%dma_start3A_85] : memref<272xf32, #tpu.memory_space<vmem>> -> memref<128xf32, #tpu.memory_space<vmem>>
        %dma_start3A_87 = arith.constant 0 : i32
        %dma_start3A_88 = tpu.memref_slice %arg4[%add3A_36, %dma_start3A_87] : memref<1280x128xf32, #tpu.memory_space<hbm>> -> memref<1x128xf32, #tpu.memory_space<hbm>>
        %dma_start3A_89 = tpu.memref_squeeze %dma_start3A_88 : memref<1x128xf32, #tpu.memory_space<hbm>> -> memref<128xf32, #tpu.memory_space<hbm>>
        %dma_start3A_90 = arith.constant 0 : i32
        %dma_start3A_91 = tpu.memref_slice %arg10[%dma_start3A_90] : memref<272xf32, #tpu.memory_space<vmem>> -> memref<128xf32, #tpu.memory_space<vmem>>
        %dma_start3A_92 = arith.constant 0 : i32
        %dma_start3A_93 = tpu.memref_slice %arg4[%add3A_36, %dma_start3A_92] : memref<1280x128xf32, #tpu.memory_space<hbm>> -> memref<1x128xf32, #tpu.memory_space<hbm>>
        %dma_start3A_94 = tpu.memref_squeeze %dma_start3A_93 : memref<1x128xf32, #tpu.memory_space<hbm>> -> memref<128xf32, #tpu.memory_space<hbm>>
        tpu.enqueue_dma source(%dma_start3A_94 : memref<128xf32, #tpu.memory_space<hbm>>) target(%dma_start3A_91 : memref<128xf32, #tpu.memory_space<vmem>>) target_semaphore(%run_scoped3A_84 : memref<!tpu.dma_semaphore, #tpu.memory_space<semaphore_mem>>)
        %dma_wait3A_95 = arith.constant 0 : i32
        %dma_wait3A_96 = tpu.memref_slice %arg10[%dma_wait3A_95] : memref<272xf32, #tpu.memory_space<vmem>> -> memref<128xf32, #tpu.memory_space<vmem>>
        %dma_wait3A_97 = arith.constant 0 : i32
        %dma_wait3A_98 = tpu.memref_slice %arg4[%add3A_36, %dma_wait3A_97] : memref<1280x128xf32, #tpu.memory_space<hbm>> -> memref<1x128xf32, #tpu.memory_space<hbm>>
        %dma_wait3A_99 = tpu.memref_squeeze %dma_wait3A_98 : memref<1x128xf32, #tpu.memory_space<hbm>> -> memref<128xf32, #tpu.memory_space<hbm>>
        %dma_wait3A_100 = arith.constant 0 : i32
        %dma_wait3A_101 = tpu.memref_slice %arg10[%dma_wait3A_100] : memref<272xf32, #tpu.memory_space<vmem>> -> memref<128xf32, #tpu.memory_space<vmem>>
        %dma_wait3A_102 = arith.constant 0 : i32
        %dma_wait3A_103 = tpu.memref_slice %arg4[%add3A_36, %dma_wait3A_102] : memref<1280x128xf32, #tpu.memory_space<hbm>> -> memref<1x128xf32, #tpu.memory_space<hbm>>
        %dma_wait3A_104 = tpu.memref_squeeze %dma_wait3A_103 : memref<1x128xf32, #tpu.memory_space<hbm>> -> memref<128xf32, #tpu.memory_space<hbm>>
        tpu.wait_dma2 semaphore(%run_scoped3A_84 : memref<!tpu.dma_semaphore, #tpu.memory_space<semaphore_mem>>) src(%dma_wait3A_104 : memref<128xf32, #tpu.memory_space<hbm>>) dst(%dma_wait3A_101 : memref<128xf32, #tpu.memory_space<vmem>>)
        tpu.yield
      }) : () -> ()
      %add3A_37 = arith.constant 1 : i32
      %add3A_38 = arith.addi %add3A_31, %add3A_37 : i32
      "tpu.region"() ({
        %run_scoped3A_84 = tpu.sem_alloc : memref<!tpu.dma_semaphore, #tpu.memory_space<semaphore_mem>>
        %dma_start3A_85 = arith.constant 128 : i32
        %dma_start3A_86 = tpu.memref_slice %arg10[%dma_start3A_85] : memref<272xf32, #tpu.memory_space<vmem>> -> memref<128xf32, #tpu.memory_space<vmem>>
        %dma_start3A_87 = arith.constant 0 : i32
        %dma_start3A_88 = tpu.memref_slice %arg4[%add3A_38, %dma_start3A_87] : memref<1280x128xf32, #tpu.memory_space<hbm>> -> memref<1x128xf32, #tpu.memory_space<hbm>>
        %dma_start3A_89 = tpu.memref_squeeze %dma_start3A_88 : memref<1x128xf32, #tpu.memory_space<hbm>> -> memref<128xf32, #tpu.memory_space<hbm>>
        %dma_start3A_90 = arith.constant 128 : i32
        %dma_start3A_91 = tpu.memref_slice %arg10[%dma_start3A_90] : memref<272xf32, #tpu.memory_space<vmem>> -> memref<128xf32, #tpu.memory_space<vmem>>
        %dma_start3A_92 = arith.constant 0 : i32
        %dma_start3A_93 = tpu.memref_slice %arg4[%add3A_38, %dma_start3A_92] : memref<1280x128xf32, #tpu.memory_space<hbm>> -> memref<1x128xf32, #tpu.memory_space<hbm>>
        %dma_start3A_94 = tpu.memref_squeeze %dma_start3A_93 : memref<1x128xf32, #tpu.memory_space<hbm>> -> memref<128xf32, #tpu.memory_space<hbm>>
        tpu.enqueue_dma source(%dma_start3A_94 : memref<128xf32, #tpu.memory_space<hbm>>) target(%dma_start3A_91 : memref<128xf32, #tpu.memory_space<vmem>>) target_semaphore(%run_scoped3A_84 : memref<!tpu.dma_semaphore, #tpu.memory_space<semaphore_mem>>)
        %dma_wait3A_95 = arith.constant 128 : i32
        %dma_wait3A_96 = tpu.memref_slice %arg10[%dma_wait3A_95] : memref<272xf32, #tpu.memory_space<vmem>> -> memref<128xf32, #tpu.memory_space<vmem>>
        %dma_wait3A_97 = arith.constant 0 : i32
        %dma_wait3A_98 = tpu.memref_slice %arg4[%add3A_38, %dma_wait3A_97] : memref<1280x128xf32, #tpu.memory_space<hbm>> -> memref<1x128xf32, #tpu.memory_space<hbm>>
        %dma_wait3A_99 = tpu.memref_squeeze %dma_wait3A_98 : memref<1x128xf32, #tpu.memory_space<hbm>> -> memref<128xf32, #tpu.memory_space<hbm>>
        %dma_wait3A_100 = arith.constant 128 : i32
        %dma_wait3A_101 = tpu.memref_slice %arg10[%dma_wait3A_100] : memref<272xf32, #tpu.memory_space<vmem>> -> memref<128xf32, #tpu.memory_space<vmem>>
        %dma_wait3A_102 = arith.constant 0 : i32
        %dma_wait3A_103 = tpu.memref_slice %arg4[%add3A_38, %dma_wait3A_102] : memref<1280x128xf32, #tpu.memory_space<hbm>> -> memref<1x128xf32, #tpu.memory_space<hbm>>
        %dma_wait3A_104 = tpu.memref_squeeze %dma_wait3A_103 : memref<1x128xf32, #tpu.memory_space<hbm>> -> memref<128xf32, #tpu.memory_space<hbm>>
        tpu.wait_dma2 semaphore(%run_scoped3A_84 : memref<!tpu.dma_semaphore, #tpu.memory_space<semaphore_mem>>) src(%dma_wait3A_104 : memref<128xf32, #tpu.memory_space<hbm>>) dst(%dma_wait3A_101 : memref<128xf32, #tpu.memory_space<vmem>>)
        tpu.yield
      }) : () -> ()
      %dma_start3A = arith.constant 0 : i32
      %dma_start3A_39 = arith.constant 0 : i32
      %dma_start3A_40 = arith.constant 0 : i32
      %dma_start3A_41 = tpu.memref_slice %arg11[%dma_start3A_39, %dma_start3A_40] : memref<256x128xf32, #tpu.memory_space<vmem>> -> memref<128x128xf32, #tpu.memory_space<vmem>>
      %dma_start3A_42 = arith.constant 0 : i32
      %dma_start3A_43 = tpu.memref_slice %arg8[%dma_start3A, %dma_start3A_42] : memref<2x128xi32, #tpu.memory_space<vmem>> -> memref<1x128xi32, #tpu.memory_space<vmem>>
      %dma_start3A_44 = tpu.memref_squeeze %dma_start3A_43 : memref<1x128xi32, #tpu.memory_space<vmem>> -> memref<128xi32, #tpu.memory_space<vmem>>
      %dma_start3A_45 = arith.constant 0 : i32
      %dma_start3A_46 = arith.constant 0 : i32
      %dma_start3A_47 = tpu.memref_slice %arg5[%dma_start3A_45, %dma_start3A_46] : memref<20480x128xf32, #tpu.memory_space<hbm>> -> memref<20480x128xf32, #tpu.memory_space<hbm>>
      tpu.enqueue_indirect_dma source(%dma_start3A_47 : memref<20480x128xf32, #tpu.memory_space<hbm>>) target(%dma_start3A_41 : memref<128x128xf32, #tpu.memory_space<vmem>>) offsets(%dma_start3A_44 : memref<128xi32, #tpu.memory_space<vmem>>) semaphore(%arg12 : memref<!tpu.dma_semaphore, #tpu.memory_space<semaphore_mem>>)
      %dma_start3A_48 = arith.constant 1 : i32
      %dma_start3A_49 = arith.constant 128 : i32
      %dma_start3A_50 = arith.constant 0 : i32
      %dma_start3A_51 = tpu.memref_slice %arg11[%dma_start3A_49, %dma_start3A_50] : memref<256x128xf32, #tpu.memory_space<vmem>> -> memref<128x128xf32, #tpu.memory_space<vmem>>
      %dma_start3A_52 = arith.constant 0 : i32
      %dma_start3A_53 = tpu.memref_slice %arg8[%dma_start3A_48, %dma_start3A_52] : memref<2x128xi32, #tpu.memory_space<vmem>> -> memref<1x128xi32, #tpu.memory_space<vmem>>
      %dma_start3A_54 = tpu.memref_squeeze %dma_start3A_53 : memref<1x128xi32, #tpu.memory_space<vmem>> -> memref<128xi32, #tpu.memory_space<vmem>>
      %dma_start3A_55 = arith.constant 0 : i32
      %dma_start3A_56 = arith.constant 0 : i32
      %dma_start3A_57 = tpu.memref_slice %arg5[%dma_start3A_55, %dma_start3A_56] : memref<20480x128xf32, #tpu.memory_space<hbm>> -> memref<20480x128xf32, #tpu.memory_space<hbm>>
      tpu.enqueue_indirect_dma source(%dma_start3A_57 : memref<20480x128xf32, #tpu.memory_space<hbm>>) target(%dma_start3A_51 : memref<128x128xf32, #tpu.memory_space<vmem>>) offsets(%dma_start3A_54 : memref<128xi32, #tpu.memory_space<vmem>>) semaphore(%arg12 : memref<!tpu.dma_semaphore, #tpu.memory_space<semaphore_mem>>)
      %dma_wait3A = arith.constant 0 : i32
      %dma_wait3A_58 = arith.constant 0 : i32
      %dma_wait3A_59 = arith.constant 0 : i32
      %dma_wait3A_60 = tpu.memref_slice %arg11[%dma_wait3A_58, %dma_wait3A_59] : memref<256x128xf32, #tpu.memory_space<vmem>> -> memref<128x128xf32, #tpu.memory_space<vmem>>
      %dma_wait3A_61 = arith.constant 0 : i32
      %dma_wait3A_62 = tpu.memref_slice %arg8[%dma_wait3A, %dma_wait3A_61] : memref<2x128xi32, #tpu.memory_space<vmem>> -> memref<1x128xi32, #tpu.memory_space<vmem>>
      %dma_wait3A_63 = tpu.memref_squeeze %dma_wait3A_62 : memref<1x128xi32, #tpu.memory_space<vmem>> -> memref<128xi32, #tpu.memory_space<vmem>>
      %dma_wait3A_64 = arith.constant 0 : i32
      %dma_wait3A_65 = arith.constant 0 : i32
      %dma_wait3A_66 = tpu.memref_slice %arg5[%dma_wait3A_64, %dma_wait3A_65] : memref<20480x128xf32, #tpu.memory_space<hbm>> -> memref<20480x128xf32, #tpu.memory_space<hbm>>
      tpu.wait_indirect_dma semaphore(%arg12 : memref<!tpu.dma_semaphore, #tpu.memory_space<semaphore_mem>>) src(%dma_wait3A_66 : memref<20480x128xf32, #tpu.memory_space<hbm>>) dst(%dma_wait3A_60 : memref<128x128xf32, #tpu.memory_space<vmem>>)
      %dma_wait3A_67 = arith.constant 1 : i32
      %dma_wait3A_68 = arith.constant 128 : i32
      %dma_wait3A_69 = arith.constant 0 : i32
      %dma_wait3A_70 = tpu.memref_slice %arg11[%dma_wait3A_68, %dma_wait3A_69] : memref<256x128xf32, #tpu.memory_space<vmem>> -> memref<128x128xf32, #tpu.memory_space<vmem>>
      %dma_wait3A_71 = arith.constant 0 : i32
      %dma_wait3A_72 = tpu.memref_slice %arg8[%dma_wait3A_67, %dma_wait3A_71] : memref<2x128xi32, #tpu.memory_space<vmem>> -> memref<1x128xi32, #tpu.memory_space<vmem>>
      %dma_wait3A_73 = tpu.memref_squeeze %dma_wait3A_72 : memref<1x128xi32, #tpu.memory_space<vmem>> -> memref<128xi32, #tpu.memory_space<vmem>>
      %dma_wait3A_74 = arith.constant 0 : i32
      %dma_wait3A_75 = arith.constant 0 : i32
      %dma_wait3A_76 = tpu.memref_slice %arg5[%dma_wait3A_74, %dma_wait3A_75] : memref<20480x128xf32, #tpu.memory_space<hbm>> -> memref<20480x128xf32, #tpu.memory_space<hbm>>
      tpu.wait_indirect_dma semaphore(%arg12 : memref<!tpu.dma_semaphore, #tpu.memory_space<semaphore_mem>>) src(%dma_wait3A_76 : memref<20480x128xf32, #tpu.memory_space<hbm>>) dst(%dma_wait3A_70 : memref<128x128xf32, #tpu.memory_space<vmem>>)
      %scan3A_77 = arith.constant 0 : i32
      %scan3A_78 = arith.constant 0 : i32
      %scan3A_79 = arith.constant 256 : i32
      %scan3A_80 = arith.addi %scan3A_78, %scan3A_79 : i32
      %scan3A_81 = arith.constant 1 : i32
      scf.for %scan3A_84 = %scan3A_78 to %scan3A_80 step %scan3A_81  : i32 {
        %get3A = arith.index_cast %scan3A_84 : i32 to index
        %get3A_85 = tpu.vector_load %arg10[%get3A] {strides = array<i32>} : memref<272xf32, #tpu.memory_space<vmem>>, vector<16xf32>,
        %get3A_86 = vector.shape_cast %get3A_85 : vector<16xf32> to vector<16xf32>
        %slice3A = vector.extract_strided_slice %get3A_86 {offsets = [0], sizes = [1], strides = [1]} : vector<16xf32> to vector<1xf32>
        %squeeze3A = vector.extract %slice3A[0] : f32 from vector<1xf32>
        %get3A_87 = arith.index_cast %scan3A_84 : i32 to index
        %get3A_88 = arith.constant 0 : index
        %get3A_89 = tpu.vector_load %arg11[%get3A_87, %get3A_88] {strides = array<i32>} : memref<256x128xf32, #tpu.memory_space<vmem>>, vector<1x16xf32>,
        %get3A_90 = vector.shape_cast %get3A_89 : vector<1x16xf32> to vector<16xf32>
        %mul3A_91 = vector.broadcast %squeeze3A : f32 to vector<16xf32>
        %mul3A_92 = arith.mulf %get3A_90, %mul3A_91 : vector<16xf32>
        %swap3A = arith.index_cast %scan3A_84 : i32 to index
        %swap3A_93 = arith.constant 0 : index
        %swap3A_94 = tpu.vector_load %arg11[%swap3A, %swap3A_93] {strides = array<i32>} : memref<256x128xf32, #tpu.memory_space<vmem>>, vector<1x16xf32>,
        %swap3A_95 = vector.shape_cast %swap3A_94 : vector<1x16xf32> to vector<16xf32>
        %swap3A_96 = vector.shape_cast %mul3A_92 : vector<16xf32> to vector<1x16xf32>
        tpu.vector_store %arg11[%swap3A, %swap3A_93], %swap3A_96 {strides = array<i32>} : memref<256x128xf32, #tpu.memory_space<vmem>>, vector<1x16xf32>,
        %get3A_97 = arith.index_cast %scan3A_84 : i32 to index
        %get3A_98 = arith.constant 16 : index
        %get3A_99 = tpu.vector_load %arg11[%get3A_97, %get3A_98] {strides = array<i32>} : memref<256x128xf32, #tpu.memory_space<vmem>>, vector<1x16xf32>,
        %get3A_100 = vector.shape_cast %get3A_99 : vector<1x16xf32> to vector<16xf32>
        %mul3A_101 = vector.broadcast %squeeze3A : f32 to vector<16xf32>
        %mul3A_102 = arith.mulf %get3A_100, %mul3A_101 : vector<16xf32>
        %swap3A_103 = arith.index_cast %scan3A_84 : i32 to index
        %swap3A_104 = arith.constant 16 : index
        %swap3A_105 = tpu.vector_load %arg11[%swap3A_103, %swap3A_104] {strides = array<i32>} : memref<256x128xf32, #tpu.memory_space<vmem>>, vector<1x16xf32>,
        %swap3A_106 = vector.shape_cast %swap3A_105 : vector<1x16xf32> to vector<16xf32>
        %swap3A_107 = vector.shape_cast %mul3A_102 : vector<16xf32> to vector<1x16xf32>
        tpu.vector_store %arg11[%swap3A_103, %swap3A_104], %swap3A_107 {strides = array<i32>} : memref<256x128xf32, #tpu.memory_space<vmem>>, vector<1x16xf32>,
        %get3A_108 = arith.index_cast %scan3A_84 : i32 to index
        %get3A_109 = arith.constant 32 : index
        %get3A_110 = tpu.vector_load %arg11[%get3A_108, %get3A_109] {strides = array<i32>} : memref<256x128xf32, #tpu.memory_space<vmem>>, vector<1x16xf32>,
        %get3A_111 = vector.shape_cast %get3A_110 : vector<1x16xf32> to vector<16xf32>
        %mul3A_112 = vector.broadcast %squeeze3A : f32 to vector<16xf32>
        %mul3A_113 = arith.mulf %get3A_111, %mul3A_112 : vector<16xf32>
        %swap3A_114 = arith.index_cast %scan3A_84 : i32 to index
        %swap3A_115 = arith.constant 32 : index
        %swap3A_116 = tpu.vector_load %arg11[%swap3A_114, %swap3A_115] {strides = array<i32>} : memref<256x128xf32, #tpu.memory_space<vmem>>, vector<1x16xf32>,
        %swap3A_117 = vector.shape_cast %swap3A_116 : vector<1x16xf32> to vector<16xf32>
        %swap3A_118 = vector.shape_cast %mul3A_113 : vector<16xf32> to vector<1x16xf32>
        tpu.vector_store %arg11[%swap3A_114, %swap3A_115], %swap3A_118 {strides = array<i32>} : memref<256x128xf32, #tpu.memory_space<vmem>>, vector<1x16xf32>,
        %get3A_119 = arith.index_cast %scan3A_84 : i32 to index
        %get3A_120 = arith.constant 48 : index
        %get3A_121 = tpu.vector_load %arg11[%get3A_119, %get3A_120] {strides = array<i32>} : memref<256x128xf32, #tpu.memory_space<vmem>>, vector<1x16xf32>,
        %get3A_122 = vector.shape_cast %get3A_121 : vector<1x16xf32> to vector<16xf32>
        %mul3A_123 = vector.broadcast %squeeze3A : f32 to vector<16xf32>
        %mul3A_124 = arith.mulf %get3A_122, %mul3A_123 : vector<16xf32>
        %swap3A_125 = arith.index_cast %scan3A_84 : i32 to index
        %swap3A_126 = arith.constant 48 : index
        %swap3A_127 = tpu.vector_load %arg11[%swap3A_125, %swap3A_126] {strides = array<i32>} : memref<256x128xf32, #tpu.memory_space<vmem>>, vector<1x16xf32>,
        %swap3A_128 = vector.shape_cast %swap3A_127 : vector<1x16xf32> to vector<16xf32>
        %swap3A_129 = vector.shape_cast %mul3A_124 : vector<16xf32> to vector<1x16xf32>
        tpu.vector_store %arg11[%swap3A_125, %swap3A_126], %swap3A_129 {strides = array<i32>} : memref<256x128xf32, #tpu.memory_space<vmem>>, vector<1x16xf32>,
        %get3A_130 = arith.index_cast %scan3A_84 : i32 to index
        %get3A_131 = arith.constant 64 : index
        %get3A_132 = tpu.vector_load %arg11[%get3A_130, %get3A_131] {strides = array<i32>} : memref<256x128xf32, #tpu.memory_space<vmem>>, vector<1x16xf32>,
        %get3A_133 = vector.shape_cast %get3A_132 : vector<1x16xf32> to vector<16xf32>
        %mul3A_134 = vector.broadcast %squeeze3A : f32 to vector<16xf32>
        %mul3A_135 = arith.mulf %get3A_133, %mul3A_134 : vector<16xf32>
        %swap3A_136 = arith.index_cast %scan3A_84 : i32 to index
        %swap3A_137 = arith.constant 64 : index
        %swap3A_138 = tpu.vector_load %arg11[%swap3A_136, %swap3A_137] {strides = array<i32>} : memref<256x128xf32, #tpu.memory_space<vmem>>, vector<1x16xf32>,
        %swap3A_139 = vector.shape_cast %swap3A_138 : vector<1x16xf32> to vector<16xf32>
        %swap3A_140 = vector.shape_cast %mul3A_135 : vector<16xf32> to vector<1x16xf32>
        tpu.vector_store %arg11[%swap3A_136, %swap3A_137], %swap3A_140 {strides = array<i32>} : memref<256x128xf32, #tpu.memory_space<vmem>>, vector<1x16xf32>,
        %get3A_141 = arith.index_cast %scan3A_84 : i32 to index
        %get3A_142 = arith.constant 80 : index
        %get3A_143 = tpu.vector_load %arg11[%get3A_141, %get3A_142] {strides = array<i32>} : memref<256x128xf32, #tpu.memory_space<vmem>>, vector<1x16xf32>,
        %get3A_144 = vector.shape_cast %get3A_143 : vector<1x16xf32> to vector<16xf32>
        %mul3A_145 = vector.broadcast %squeeze3A : f32 to vector<16xf32>
        %mul3A_146 = arith.mulf %get3A_144, %mul3A_145 : vector<16xf32>
        %swap3A_147 = arith.index_cast %scan3A_84 : i32 to index
        %swap3A_148 = arith.constant 80 : index
        %swap3A_149 = tpu.vector_load %arg11[%swap3A_147, %swap3A_148] {strides = array<i32>} : memref<256x128xf32, #tpu.memory_space<vmem>>, vector<1x16xf32>,
        %swap3A_150 = vector.shape_cast %swap3A_149 : vector<1x16xf32> to vector<16xf32>
        %swap3A_151 = vector.shape_cast %mul3A_146 : vector<16xf32> to vector<1x16xf32>
        tpu.vector_store %arg11[%swap3A_147, %swap3A_148], %swap3A_151 {strides = array<i32>} : memref<256x128xf32, #tpu.memory_space<vmem>>, vector<1x16xf32>,
        %get3A_152 = arith.index_cast %scan3A_84 : i32 to index
        %get3A_153 = arith.constant 96 : index
        %get3A_154 = tpu.vector_load %arg11[%get3A_152, %get3A_153] {strides = array<i32>} : memref<256x128xf32, #tpu.memory_space<vmem>>, vector<1x16xf32>,
        %get3A_155 = vector.shape_cast %get3A_154 : vector<1x16xf32> to vector<16xf32>
        %mul3A_156 = vector.broadcast %squeeze3A : f32 to vector<16xf32>
        %mul3A_157 = arith.mulf %get3A_155, %mul3A_156 : vector<16xf32>
        %swap3A_158 = arith.index_cast %scan3A_84 : i32 to index
        %swap3A_159 = arith.constant 96 : index
        %swap3A_160 = tpu.vector_load %arg11[%swap3A_158, %swap3A_159] {strides = array<i32>} : memref<256x128xf32, #tpu.memory_space<vmem>>, vector<1x16xf32>,
        %swap3A_161 = vector.shape_cast %swap3A_160 : vector<1x16xf32> to vector<16xf32>
        %swap3A_162 = vector.shape_cast %mul3A_157 : vector<16xf32> to vector<1x16xf32>
        tpu.vector_store %arg11[%swap3A_158, %swap3A_159], %swap3A_162 {strides = array<i32>} : memref<256x128xf32, #tpu.memory_space<vmem>>, vector<1x16xf32>,
        %get3A_163 = arith.index_cast %scan3A_84 : i32 to index
        %get3A_164 = arith.constant 112 : index
        %get3A_165 = tpu.vector_load %arg11[%get3A_163, %get3A_164] {strides = array<i32>} : memref<256x128xf32, #tpu.memory_space<vmem>>, vector<1x16xf32>,
        %get3A_166 = vector.shape_cast %get3A_165 : vector<1x16xf32> to vector<16xf32>
        %mul3A_167 = vector.broadcast %squeeze3A : f32 to vector<16xf32>
        %mul3A_168 = arith.mulf %get3A_166, %mul3A_167 : vector<16xf32>
        %swap3A_169 = arith.index_cast %scan3A_84 : i32 to index
        %swap3A_170 = arith.constant 112 : index
        %swap3A_171 = tpu.vector_load %arg11[%swap3A_169, %swap3A_170] {strides = array<i32>} : memref<256x128xf32, #tpu.memory_space<vmem>>, vector<1x16xf32>,
        %swap3A_172 = vector.shape_cast %swap3A_171 : vector<1x16xf32> to vector<16xf32>
        %swap3A_173 = vector.shape_cast %mul3A_168 : vector<16xf32> to vector<1x16xf32>
        tpu.vector_store %arg11[%swap3A_169, %swap3A_170], %swap3A_173 {strides = array<i32>} : memref<256x128xf32, #tpu.memory_space<vmem>>, vector<1x16xf32>,
      }
      %scan3A_82 = arith.constant 256 : i32
      %run_scoped3A = arith.constant 0 : i32
      "tpu.region"() ({
        %run_scoped3A_84 = tpu.sem_alloc : memref<!tpu.dma_semaphore, #tpu.memory_space<semaphore_mem>>
        %dma_start3A_85 = arith.constant 0 : i32
        %dma_start3A_86 = arith.constant 0 : i32
        %dma_start3A_87 = tpu.memref_slice %arg11[%dma_start3A_85, %dma_start3A_86] : memref<256x128xf32, #tpu.memory_space<vmem>> -> memref<128x128xf32, #tpu.memory_space<vmem>>
        %dma_start3A_88 = arith.constant 0 : i32
        %dma_start3A_89 = tpu.memref_slice %arg9[%run_scoped3A, %dma_start3A_88] : memref<2x128xi32, #tpu.memory_space<vmem>> -> memref<1x128xi32, #tpu.memory_space<vmem>>
        %dma_start3A_90 = tpu.memref_squeeze %dma_start3A_89 : memref<1x128xi32, #tpu.memory_space<vmem>> -> memref<128xi32, #tpu.memory_space<vmem>>
        %dma_start3A_91 = arith.constant 0 : i32
        %dma_start3A_92 = arith.constant 0 : i32
        %dma_start3A_93 = tpu.memref_slice %arg7[%dma_start3A_91, %dma_start3A_92] : memref<10240x128xf32, #tpu.memory_space<vmem_shared>> -> memref<10240x128xf32, #tpu.memory_space<vmem_shared>>
        tpu.enqueue_indirect_dma source(%dma_start3A_87 : memref<128x128xf32, #tpu.memory_space<vmem>>) target(%dma_start3A_93 : memref<10240x128xf32, #tpu.memory_space<vmem_shared>>) offsets(%dma_start3A_90 : memref<128xi32, #tpu.memory_space<vmem>>) semaphore(%run_scoped3A_84 : memref<!tpu.dma_semaphore, #tpu.memory_space<semaphore_mem>>) {add = true}
        %dma_wait3A_94 = arith.constant 0 : i32
        %dma_wait3A_95 = arith.constant 0 : i32
        %dma_wait3A_96 = tpu.memref_slice %arg11[%dma_wait3A_94, %dma_wait3A_95] : memref<256x128xf32, #tpu.memory_space<vmem>> -> memref<128x128xf32, #tpu.memory_space<vmem>>
        %dma_wait3A_97 = arith.constant 0 : i32
        %dma_wait3A_98 = tpu.memref_slice %arg9[%run_scoped3A, %dma_wait3A_97] : memref<2x128xi32, #tpu.memory_space<vmem>> -> memref<1x128xi32, #tpu.memory_space<vmem>>
        %dma_wait3A_99 = tpu.memref_squeeze %dma_wait3A_98 : memref<1x128xi32, #tpu.memory_space<vmem>> -> memref<128xi32, #tpu.memory_space<vmem>>
        %dma_wait3A_100 = arith.constant 0 : i32
        %dma_wait3A_101 = arith.constant 0 : i32
        %dma_wait3A_102 = tpu.memref_slice %arg7[%dma_wait3A_100, %dma_wait3A_101] : memref<10240x128xf32, #tpu.memory_space<vmem_shared>> -> memref<10240x128xf32, #tpu.memory_space<vmem_shared>>
        tpu.wait_indirect_dma semaphore(%run_scoped3A_84 : memref<!tpu.dma_semaphore, #tpu.memory_space<semaphore_mem>>) src(%dma_wait3A_96 : memref<128x128xf32, #tpu.memory_space<vmem>>) dst(%dma_wait3A_102 : memref<10240x128xf32, #tpu.memory_space<vmem_shared>>)
        tpu.yield
      }) : () -> ()
      %run_scoped3A_83 = arith.constant 1 : i32
      "tpu.region"() ({
        %run_scoped3A_84 = tpu.sem_alloc : memref<!tpu.dma_semaphore, #tpu.memory_space<semaphore_mem>>
        %dma_start3A_85 = arith.constant 128 : i32
        %dma_start3A_86 = arith.constant 0 : i32
        %dma_start3A_87 = tpu.memref_slice %arg11[%dma_start3A_85, %dma_start3A_86] : memref<256x128xf32, #tpu.memory_space<vmem>> -> memref<128x128xf32, #tpu.memory_space<vmem>>
        %dma_start3A_88 = arith.constant 0 : i32
        %dma_start3A_89 = tpu.memref_slice %arg9[%run_scoped3A_83, %dma_start3A_88] : memref<2x128xi32, #tpu.memory_space<vmem>> -> memref<1x128xi32, #tpu.memory_space<vmem>>
        %dma_start3A_90 = tpu.memref_squeeze %dma_start3A_89 : memref<1x128xi32, #tpu.memory_space<vmem>> -> memref<128xi32, #tpu.memory_space<vmem>>
        %dma_start3A_91 = arith.constant 0 : i32
        %dma_start3A_92 = arith.constant 0 : i32
        %dma_start3A_93 = tpu.memref_slice %arg7[%dma_start3A_91, %dma_start3A_92] : memref<10240x128xf32, #tpu.memory_space<vmem_shared>> -> memref<10240x128xf32, #tpu.memory_space<vmem_shared>>
        tpu.enqueue_indirect_dma source(%dma_start3A_87 : memref<128x128xf32, #tpu.memory_space<vmem>>) target(%dma_start3A_93 : memref<10240x128xf32, #tpu.memory_space<vmem_shared>>) offsets(%dma_start3A_90 : memref<128xi32, #tpu.memory_space<vmem>>) semaphore(%run_scoped3A_84 : memref<!tpu.dma_semaphore, #tpu.memory_space<semaphore_mem>>) {add = true}
        %dma_wait3A_94 = arith.constant 128 : i32
        %dma_wait3A_95 = arith.constant 0 : i32
        %dma_wait3A_96 = tpu.memref_slice %arg11[%dma_wait3A_94, %dma_wait3A_95] : memref<256x128xf32, #tpu.memory_space<vmem>> -> memref<128x128xf32, #tpu.memory_space<vmem>>
        %dma_wait3A_97 = arith.constant 0 : i32
        %dma_wait3A_98 = tpu.memref_slice %arg9[%run_scoped3A_83, %dma_wait3A_97] : memref<2x128xi32, #tpu.memory_space<vmem>> -> memref<1x128xi32, #tpu.memory_space<vmem>>
        %dma_wait3A_99 = tpu.memref_squeeze %dma_wait3A_98 : memref<1x128xi32, #tpu.memory_space<vmem>> -> memref<128xi32, #tpu.memory_space<vmem>>
        %dma_wait3A_100 = arith.constant 0 : i32
        %dma_wait3A_101 = arith.constant 0 : i32
        %dma_wait3A_102 = tpu.memref_slice %arg7[%dma_wait3A_100, %dma_wait3A_101] : memref<10240x128xf32, #tpu.memory_space<vmem_shared>> -> memref<10240x128xf32, #tpu.memory_space<vmem_shared>>
        tpu.wait_indirect_dma semaphore(%run_scoped3A_84 : memref<!tpu.dma_semaphore, #tpu.memory_space<semaphore_mem>>) src(%dma_wait3A_96 : memref<128x128xf32, #tpu.memory_space<vmem>>) dst(%dma_wait3A_102 : memref<10240x128xf32, #tpu.memory_space<vmem_shared>>)
        tpu.yield
      }) : () -> ()
    }
    %scan3A_22 = arith.constant 40 : i32
    %barrier3A_23 = arith.constant 0 : index
    tpu.barrier barrier_id(%barrier3A_23)
    %mul3A_24 = arith.constant 640 : i32
    %mul3A_25 = arith.muli %arg1, %mul3A_24 : i32
    %mul3A_26 = arith.constant 640 : i32
    %mul3A_27 = arith.muli %arg1, %mul3A_26 : i32
    "tpu.region"() ({
      %run_scoped3A = tpu.sem_alloc : memref<!tpu.dma_semaphore, #tpu.memory_space<semaphore_mem>>
      %dma_start3A = arith.constant 0 : i32
      %dma_start3A_28 = tpu.memref_slice %arg6[%arg0, %mul3A_27, %dma_start3A] : memref<2x10240x128xf32, #tpu.memory_space<hbm>> -> memref<1x640x128xf32, #tpu.memory_space<hbm>>
      %dma_start3A_29 = tpu.memref_squeeze %dma_start3A_28 : memref<1x640x128xf32, #tpu.memory_space<hbm>> -> memref<640x128xf32, #tpu.memory_space<hbm>>
      %dma_start3A_30 = arith.constant 0 : i32
      %dma_start3A_31 = tpu.memref_slice %arg7[%mul3A_25, %dma_start3A_30] : memref<10240x128xf32, #tpu.memory_space<vmem_shared>> -> memref<640x128xf32, #tpu.memory_space<vmem_shared>>
      tpu.enqueue_dma source(%dma_start3A_31 : memref<640x128xf32, #tpu.memory_space<vmem_shared>>) target(%dma_start3A_29 : memref<640x128xf32, #tpu.memory_space<hbm>>) target_semaphore(%run_scoped3A : memref<!tpu.dma_semaphore, #tpu.memory_space<semaphore_mem>>)
      %dma_wait3A = arith.constant 0 : i32
      %dma_wait3A_32 = tpu.memref_slice %arg6[%arg0, %mul3A_27, %dma_wait3A] : memref<2x10240x128xf32, #tpu.memory_space<hbm>> -> memref<1x640x128xf32, #tpu.memory_space<hbm>>
      %dma_wait3A_33 = tpu.memref_squeeze %dma_wait3A_32 : memref<1x640x128xf32, #tpu.memory_space<hbm>> -> memref<640x128xf32, #tpu.memory_space<hbm>>
      %dma_wait3A_34 = arith.constant 0 : i32
      %dma_wait3A_35 = tpu.memref_slice %arg7[%mul3A_25, %dma_wait3A_34] : memref<10240x128xf32, #tpu.memory_space<vmem_shared>> -> memref<640x128xf32, #tpu.memory_space<vmem_shared>>
      tpu.wait_dma2 semaphore(%run_scoped3A : memref<!tpu.dma_semaphore, #tpu.memory_space<semaphore_mem>>) src(%dma_wait3A_35 : memref<640x128xf32, #tpu.memory_space<vmem_shared>>) dst(%dma_wait3A_33 : memref<640x128xf32, #tpu.memory_space<hbm>>)
      tpu.yield
    }) : () -> ()
    return
  }
}

module attributes {stable_mosaic.version = 14 : i64} {
  func.func @_tc1_body(%arg0: i32, %arg1: memref<512x256xf32, #tpu.memory_space<vmem>>, %arg2: memref<256x256xf32, #tpu.memory_space<vmem>>, %arg3: memref<2x512x16xf32, #tpu.memory_space<vmem>>, %arg4: memref<2x512x128xf32, #tpu.memory_space<vmem>>) attributes {dimension_semantics = [#tpu.dimension_semantics<arbitrary>], iteration_bounds = array<i64: 20>, scalar_prefetch = 0 : i64, scratch_operands = 0 : i64, tpu.core_type = #tpu.core_type<tc>, window_params = [{transform_indices = @transform_0, window_bounds = array<i64: 512, 256>}, {pipeline_mode = #tpu.pipeline_mode<synchronous>, transform_indices = @transform_1, window_bounds = array<i64: 256, 256>}, {transform_indices = @transform_2, window_bounds = array<i64: 2, 512, 16>}, {transform_indices = @transform_3, window_bounds = array<i64: 2, 512, 128>}]} {
    %get3A = arith.constant 0 : index
    %get3A_0 = arith.constant 0 : index
    %get3A_1 = arith.constant 0 : index
    %get3A_2 = vector.load %arg3[%get3A, %get3A_0, %get3A_1] : memref<2x512x16xf32, #tpu.memory_space<vmem>>, vector<2x512x16xf32>
    %slice3A = vector.extract_strided_slice %get3A_2 {offsets = [0, 0, 0], sizes = [1, 512, 1], strides = [1, 1, 1]} : vector<2x512x16xf32> to vector<1x512x1xf32>
    %squeeze3A = vector.shape_cast %slice3A : vector<1x512x1xf32> to vector<512xf32>
    %slice3A_3 = vector.extract_strided_slice %get3A_2 {offsets = [1, 0, 0], sizes = [1, 512, 1], strides = [1, 1, 1]} : vector<2x512x16xf32> to vector<1x512x1xf32>
    %squeeze3A_4 = vector.shape_cast %slice3A_3 : vector<1x512x1xf32> to vector<512xf32>
    %add3A = arith.addf %squeeze3A, %squeeze3A_4 : vector<512xf32>
    %add3A_5 = arith.constant 1.000000e+00 : f32
    %add3A_6 = vector.broadcast %add3A_5 : f32 to vector<512xf32>
    %add3A_7 = arith.addf %add3A, %add3A_6 : vector<512xf32>
    %rsqrt3A = math.rsqrt %add3A_7 : vector<512xf32>
    %get3A_8 = arith.constant 0 : index
    %get3A_9 = arith.constant 0 : index
    %get3A_10 = vector.load %arg1[%get3A_8, %get3A_9] : memref<512x256xf32, #tpu.memory_space<vmem>>, vector<512x256xf32>
    %get3A_11 = arith.constant 0 : index
    %get3A_12 = arith.constant 0 : index
    %get3A_13 = vector.load %arg2[%get3A_11, %get3A_12] : memref<256x256xf32, #tpu.memory_space<vmem>>, vector<256x256xf32>
    %dot_general3A = arith.constant dense<0.000000e+00> : vector<512x256xf32>
    %dot_general3A_14 = tpu.matmul %get3A_10, %get3A_13, %dot_general3A {dimension_numbers = #tpu.dot_dimension_numbers<[1], [0], [0], [1], [0, 0, 1, 1], [], []>, transpose_lhs_hint = false} : vector<512x256xf32>, vector<256x256xf32>, vector<512x256xf32> -> vector<512x256xf32>
    %broadcast_in_dim3A = vector.shape_cast %rsqrt3A : vector<512xf32> to vector<512x1xf32>
    %mul3A = vector.broadcast %broadcast_in_dim3A : vector<512x1xf32> to vector<512x256xf32>
    %mul3A_15 = arith.mulf %dot_general3A_14, %mul3A : vector<512x256xf32>
    %slice3A_16 = vector.extract_strided_slice %mul3A_15 {offsets = [0, 0], sizes = [512, 128], strides = [1, 1]} : vector<512x256xf32> to vector<512x128xf32>
    %swap3A = arith.constant 0 : index
    %swap3A_17 = arith.constant 0 : index
    %swap3A_18 = arith.constant 0 : index
    %swap3A_19 = vector.load %arg4[%swap3A, %swap3A_17, %swap3A_18] : memref<2x512x128xf32, #tpu.memory_space<vmem>>, vector<1x512x128xf32>
    %swap3A_20 = vector.shape_cast %swap3A_19 : vector<1x512x128xf32> to vector<512x128xf32>
    %swap3A_21 = vector.shape_cast %slice3A_16 : vector<512x128xf32> to vector<1x512x128xf32>
    tpu.vector_store %arg4[%swap3A, %swap3A_17, %swap3A_18], %swap3A_21 {strides = array<i32>} : memref<2x512x128xf32, #tpu.memory_space<vmem>>, vector<1x512x128xf32>,
    %slice3A_22 = vector.extract_strided_slice %mul3A_15 {offsets = [0, 128], sizes = [512, 128], strides = [1, 1]} : vector<512x256xf32> to vector<512x128xf32>
    %swap3A_23 = arith.constant 1 : index
    %swap3A_24 = arith.constant 0 : index
    %swap3A_25 = arith.constant 0 : index
    %swap3A_26 = vector.load %arg4[%swap3A_23, %swap3A_24, %swap3A_25] : memref<2x512x128xf32, #tpu.memory_space<vmem>>, vector<1x512x128xf32>
    %swap3A_27 = vector.shape_cast %swap3A_26 : vector<1x512x128xf32> to vector<512x128xf32>
    %swap3A_28 = vector.shape_cast %slice3A_22 : vector<512x128xf32> to vector<1x512x128xf32>
    tpu.vector_store %arg4[%swap3A_23, %swap3A_24, %swap3A_25], %swap3A_28 {strides = array<i32>} : memref<2x512x128xf32, #tpu.memory_space<vmem>>, vector<1x512x128xf32>,
    return
  }
  func.func @transform_0(%arg0: i32) -> (i32, i32) {
    %c0_i32 = arith.constant 0 : i32
    %c0_i32_0 = arith.constant 0 : i32
    return %arg0, %c0_i32 : i32, i32
  }
  func.func @transform_1(%arg0: i32) -> (i32, i32) {
    %c0_i32 = arith.constant 0 : i32
    %c0_i32_0 = arith.constant 0 : i32
    %c0_i32_1 = arith.constant 0 : i32
    return %c0_i32, %c0_i32_0 : i32, i32
  }
  func.func @transform_2(%arg0: i32) -> (i32, i32, i32) {
    %c0_i32 = arith.constant 0 : i32
    %c0_i32_0 = arith.constant 0 : i32
    %c0_i32_1 = arith.constant 0 : i32
    return %c0_i32, %arg0, %c0_i32_0 : i32, i32, i32
  }
  func.func @transform_3(%arg0: i32) -> (i32, i32, i32) {
    %c0_i32 = arith.constant 0 : i32
    %c0_i32_0 = arith.constant 0 : i32
    %c0_i32_1 = arith.constant 0 : i32
    return %c0_i32, %arg0, %c0_i32_0 : i32, i32, i32
  }
}

module attributes {stable_mosaic.version = 14 : i64} {
  func.func @_tc2_body(%arg0: i32, %arg1: memref<2x512x128xf32, #tpu.memory_space<vmem>>, %arg2: memref<2x512x128xf32, #tpu.memory_space<vmem>>, %arg3: memref<2x512x16xf32, #tpu.memory_space<vmem>>, %arg4: memref<1x256xf32, #tpu.memory_space<vmem>>, %arg5: memref<256x128xf32, #tpu.memory_space<vmem>>, %arg6: memref<1x128xf32, #tpu.memory_space<vmem>>, %arg7: memref<1x128xf32, #tpu.memory_space<vmem>>, %arg8: memref<1x128xf32, #tpu.memory_space<vmem>>, %arg9: memref<1x128xf32, #tpu.memory_space<vmem>>, %arg10: memref<512x80xf32, #tpu.memory_space<vmem>>, %arg11: memref<512x80xf32, #tpu.memory_space<vmem>>, %arg12: memref<512x16xf32, #tpu.memory_space<vmem>>, %arg13: memref<8x128xf32, #tpu.memory_space<vmem>>) attributes {dimension_semantics = [#tpu.dimension_semantics<arbitrary>], iteration_bounds = array<i64: 20>, scalar_prefetch = 0 : i64, scratch_operands = 0 : i64, tpu.core_type = #tpu.core_type<tc>, window_params = [{transform_indices = @transform_0, window_bounds = array<i64: 2, 512, 128>}, {transform_indices = @transform_1, window_bounds = array<i64: 2, 512, 128>}, {transform_indices = @transform_2, window_bounds = array<i64: 2, 512, 16>}, {pipeline_mode = #tpu.pipeline_mode<synchronous>, transform_indices = @transform_3, window_bounds = array<i64: 1, 256>}, {pipeline_mode = #tpu.pipeline_mode<synchronous>, transform_indices = @transform_4, window_bounds = array<i64: 256, 128>}, {pipeline_mode = #tpu.pipeline_mode<synchronous>, transform_indices = @transform_5, window_bounds = array<i64: 1, 128>}, {pipeline_mode = #tpu.pipeline_mode<synchronous>, transform_indices = @transform_6, window_bounds = array<i64: 1, 128>}, {pipeline_mode = #tpu.pipeline_mode<synchronous>, transform_indices = @transform_7, window_bounds = array<i64: 1, 128>}, {pipeline_mode = #tpu.pipeline_mode<synchronous>, transform_indices = @transform_8, window_bounds = array<i64: 1, 128>}, {transform_indices = @transform_9, window_bounds = array<i64: 512, 80>}, {transform_indices = @transform_10, window_bounds = array<i64: 512, 80>}, {transform_indices = @transform_11, window_bounds = array<i64: 512, 16>}, {pipeline_mode = #tpu.pipeline_mode<synchronous>, transform_indices = @transform_12, window_bounds = array<i64: 8, 128>}]} {
    %get3A = arith.constant 0 : index
    %get3A_0 = arith.constant 0 : index
    %get3A_1 = arith.constant 0 : index
    %get3A_2 = vector.load %arg1[%get3A, %get3A_0, %get3A_1] : memref<2x512x128xf32, #tpu.memory_space<vmem>>, vector<2x512x128xf32>
    %get3A_3 = arith.constant 0 : index
    %get3A_4 = arith.constant 0 : index
    %get3A_5 = arith.constant 0 : index
    %get3A_6 = vector.load %arg2[%get3A_3, %get3A_4, %get3A_5] : memref<2x512x128xf32, #tpu.memory_space<vmem>>, vector<2x512x128xf32>
    %slice3A = vector.extract_strided_slice %get3A_2 {offsets = [0, 0, 0], sizes = [1, 512, 128], strides = [1, 1, 1]} : vector<2x512x128xf32> to vector<1x512x128xf32>
    %squeeze3A = vector.shape_cast %slice3A : vector<1x512x128xf32> to vector<512x128xf32>
    %slice3A_7 = vector.extract_strided_slice %get3A_2 {offsets = [1, 0, 0], sizes = [1, 512, 128], strides = [1, 1, 1]} : vector<2x512x128xf32> to vector<1x512x128xf32>
    %squeeze3A_8 = vector.shape_cast %slice3A_7 : vector<1x512x128xf32> to vector<512x128xf32>
    %concatenate3A = tpu.concatenate %squeeze3A, %squeeze3A_8 in 1 : vector<512x128xf32>, vector<512x128xf32> -> vector<512x256xf32>
    %slice3A_9 = vector.extract_strided_slice %get3A_6 {offsets = [0, 0, 0], sizes = [1, 512, 128], strides = [1, 1, 1]} : vector<2x512x128xf32> to vector<1x512x128xf32>
    %squeeze3A_10 = vector.shape_cast %slice3A_9 : vector<1x512x128xf32> to vector<512x128xf32>
    %slice3A_11 = vector.extract_strided_slice %get3A_6 {offsets = [1, 0, 0], sizes = [1, 512, 128], strides = [1, 1, 1]} : vector<2x512x128xf32> to vector<1x512x128xf32>
    %squeeze3A_12 = vector.shape_cast %slice3A_11 : vector<1x512x128xf32> to vector<512x128xf32>
    %concatenate3A_13 = tpu.concatenate %squeeze3A_10, %squeeze3A_12 in 1 : vector<512x128xf32>, vector<512x128xf32> -> vector<512x256xf32>
    %get3A_14 = arith.constant 0 : index
    %get3A_15 = arith.constant 0 : index
    %get3A_16 = arith.constant 0 : index
    %get3A_17 = vector.load %arg3[%get3A_14, %get3A_15, %get3A_16] : memref<2x512x16xf32, #tpu.memory_space<vmem>>, vector<2x512x16xf32>
    %slice3A_18 = vector.extract_strided_slice %get3A_17 {offsets = [0, 0, 0], sizes = [1, 512, 1], strides = [1, 1, 1]} : vector<2x512x16xf32> to vector<1x512x1xf32>
    %squeeze3A_19 = vector.shape_cast %slice3A_18 : vector<1x512x1xf32> to vector<512xf32>
    %slice3A_20 = vector.extract_strided_slice %get3A_17 {offsets = [1, 0, 0], sizes = [1, 512, 1], strides = [1, 1, 1]} : vector<2x512x16xf32> to vector<1x512x1xf32>
    %squeeze3A_21 = vector.shape_cast %slice3A_20 : vector<1x512x1xf32> to vector<512xf32>
    %add3A = arith.addf %squeeze3A_19, %squeeze3A_21 : vector<512xf32>
    %add3A_22 = arith.constant 1.000000e+00 : f32
    %add3A_23 = vector.broadcast %add3A_22 : f32 to vector<512xf32>
    %add3A_24 = arith.addf %add3A, %add3A_23 : vector<512xf32>
    %rsqrt3A = math.rsqrt %add3A_24 : vector<512xf32>
    %add3A_25 = arith.addf %concatenate3A, %concatenate3A_13 : vector<512x256xf32>
    %broadcast_in_dim3A = vector.shape_cast %rsqrt3A : vector<512xf32> to vector<512x1xf32>
    %mul3A = vector.broadcast %broadcast_in_dim3A : vector<512x1xf32> to vector<512x256xf32>
    %mul3A_26 = arith.mulf %add3A_25, %mul3A : vector<512x256xf32>
    %get3A_27 = arith.constant 0 : index
    %get3A_28 = arith.constant 0 : index
    %get3A_29 = vector.load %arg4[%get3A_27, %get3A_28] : memref<1x256xf32, #tpu.memory_space<vmem>>, vector<1x256xf32>
    %add3A_30 = vector.broadcast %get3A_29 : vector<1x256xf32> to vector<512x256xf32>
    %add3A_31 = arith.addf %mul3A_26, %add3A_30 : vector<512x256xf32>
    %max3A = arith.constant 0.000000e+00 : f32
    %max3A_32 = vector.broadcast %max3A : f32 to vector<512x256xf32>
    %max3A_33 = arith.maximumf %add3A_31, %max3A_32 : vector<512x256xf32>
    %get3A_34 = arith.constant 0 : index
    %get3A_35 = arith.constant 0 : index
    %get3A_36 = vector.load %arg5[%get3A_34, %get3A_35] : memref<256x128xf32, #tpu.memory_space<vmem>>, vector<256x128xf32>
    %dot_general3A = arith.constant dense<0.000000e+00> : vector<512x128xf32>
    %dot_general3A_37 = tpu.matmul %max3A_33, %get3A_36, %dot_general3A {dimension_numbers = #tpu.dot_dimension_numbers<[1], [0], [0], [1], [0, 0, 1, 1], [], []>, transpose_lhs_hint = false} : vector<512x256xf32>, vector<256x128xf32>, vector<512x128xf32> -> vector<512x128xf32>
    %get3A_38 = arith.constant 0 : index
    %get3A_39 = arith.constant 0 : index
    %get3A_40 = vector.load %arg6[%get3A_38, %get3A_39] : memref<1x128xf32, #tpu.memory_space<vmem>>, vector<1x128xf32>
    %dot_general3A_41 = arith.constant dense<0.000000e+00> : vector<512x1xf32>
    %dot_general3A_42 = tpu.matmul %dot_general3A_37, %get3A_40, %dot_general3A_41 {dimension_numbers = #tpu.dot_dimension_numbers<[1], [1], [0], [0], [0, 0, 1, 0], [], []>, transpose_lhs_hint = false} : vector<512x128xf32>, vector<1x128xf32>, vector<512x1xf32> -> vector<512x1xf32>
    %get3A_43 = arith.constant 0 : index
    %get3A_44 = arith.constant 0 : index
    %get3A_45 = vector.load %arg7[%get3A_43, %get3A_44] : memref<1x128xf32, #tpu.memory_space<vmem>>, vector<1x128xf32>
    %dot_general3A_46 = arith.constant dense<0.000000e+00> : vector<512x1xf32>
    %dot_general3A_47 = tpu.matmul %dot_general3A_37, %get3A_45, %dot_general3A_46 {dimension_numbers = #tpu.dot_dimension_numbers<[1], [1], [0], [0], [0, 0, 1, 0], [], []>, transpose_lhs_hint = false} : vector<512x128xf32>, vector<1x128xf32>, vector<512x1xf32> -> vector<512x1xf32>
    %broadcast_in_dim3A_48 = arith.constant 1.000000e+00 : f32
    %broadcast_in_dim3A_49 = vector.broadcast %broadcast_in_dim3A_48 : f32 to vector<512x1xf32>
    %broadcast_in_dim3A_50 = arith.constant 0.000000e+00 : f32
    %broadcast_in_dim3A_51 = vector.broadcast %broadcast_in_dim3A_50 : f32 to vector<512x14xf32>
    %slice3A_52 = vector.extract_strided_slice %dot_general3A_37 {offsets = [0, 0], sizes = [512, 64], strides = [1, 1]} : vector<512x128xf32> to vector<512x64xf32>
    %concatenate3A_53 = tpu.concatenate %slice3A_52, %broadcast_in_dim3A_49, %dot_general3A_42, %broadcast_in_dim3A_51 in 1 : vector<512x64xf32>, vector<512x1xf32>, vector<512x1xf32>, vector<512x14xf32> -> vector<512x80xf32>
    %swap3A = arith.constant 0 : index
    %swap3A_54 = arith.constant 0 : index
    %swap3A_55 = vector.load %arg10[%swap3A, %swap3A_54] : memref<512x80xf32, #tpu.memory_space<vmem>>, vector<512x80xf32>
    tpu.vector_store %arg10[%swap3A, %swap3A_54], %concatenate3A_53 {strides = array<i32>} : memref<512x80xf32, #tpu.memory_space<vmem>>, vector<512x80xf32>,
    %slice3A_56 = vector.extract_strided_slice %dot_general3A_37 {offsets = [0, 64], sizes = [512, 64], strides = [1, 1]} : vector<512x128xf32> to vector<512x64xf32>
    %concatenate3A_57 = tpu.concatenate %slice3A_56, %broadcast_in_dim3A_49, %dot_general3A_42, %broadcast_in_dim3A_51 in 1 : vector<512x64xf32>, vector<512x1xf32>, vector<512x1xf32>, vector<512x14xf32> -> vector<512x80xf32>
    %swap3A_58 = arith.constant 0 : index
    %swap3A_59 = arith.constant 0 : index
    %swap3A_60 = vector.load %arg11[%swap3A_58, %swap3A_59] : memref<512x80xf32, #tpu.memory_space<vmem>>, vector<512x80xf32>
    tpu.vector_store %arg11[%swap3A_58, %swap3A_59], %concatenate3A_57 {strides = array<i32>} : memref<512x80xf32, #tpu.memory_space<vmem>>, vector<512x80xf32>,
    %broadcast_in_dim3A_61 = arith.constant 0.000000e+00 : f32
    %broadcast_in_dim3A_62 = vector.broadcast %broadcast_in_dim3A_61 : f32 to vector<512x15xf32>
    %concatenate3A_63 = tpu.concatenate %dot_general3A_47, %broadcast_in_dim3A_62 in 1 : vector<512x1xf32>, vector<512x15xf32> -> vector<512x16xf32>
    %swap3A_64 = arith.constant 0 : index
    %swap3A_65 = arith.constant 0 : index
    %swap3A_66 = vector.load %arg12[%swap3A_64, %swap3A_65] : memref<512x16xf32, #tpu.memory_space<vmem>>, vector<512x16xf32>
    tpu.vector_store %arg12[%swap3A_64, %swap3A_65], %concatenate3A_63 {strides = array<i32>} : memref<512x16xf32, #tpu.memory_space<vmem>>, vector<512x16xf32>,
    %get3A_67 = arith.constant 0 : index
    %get3A_68 = arith.constant 0 : index
    %get3A_69 = vector.load %arg8[%get3A_67, %get3A_68] : memref<1x128xf32, #tpu.memory_space<vmem>>, vector<1x128xf32>
    %get3A_70 = arith.constant 0 : index
    %get3A_71 = arith.constant 0 : index
    %get3A_72 = vector.load %arg9[%get3A_70, %get3A_71] : memref<1x128xf32, #tpu.memory_space<vmem>>, vector<1x128xf32>
    %mul3A_73 = arith.mulf %get3A_69, %get3A_72 : vector<1x128xf32>
    %reduce_sum3A = vector.shape_cast %mul3A_73 : vector<1x128xf32> to vector<1x1x128xf32>
    %reduce_sum3A_74 = arith.constant dense<0.000000e+00> : vector<1xf32>
    %reduce_sum3A_75 = vector.multi_reduction <add>, %reduce_sum3A, %reduce_sum3A_74 [1, 2] : vector<1x1x128xf32> to vector<1xf32>
    %reduce_sum3A_76 = vector.shape_cast %reduce_sum3A_75 : vector<1xf32> to vector<1x1x1xf32>
    %reduce_sum3A_77 = vector.extract %reduce_sum3A_76[0, 0, 0] : f32 from vector<1x1x1xf32>
    %broadcast_in_dim3A_78 = vector.broadcast %reduce_sum3A_77 : f32 to vector<8x128xf32>
    %swap3A_79 = arith.constant 0 : index
    %swap3A_80 = arith.constant 0 : index
    %swap3A_81 = vector.load %arg13[%swap3A_79, %swap3A_80] : memref<8x128xf32, #tpu.memory_space<vmem>>, vector<8x128xf32>
    tpu.vector_store %arg13[%swap3A_79, %swap3A_80], %broadcast_in_dim3A_78 {strides = array<i32>} : memref<8x128xf32, #tpu.memory_space<vmem>>, vector<8x128xf32>,
    return
  }
  func.func @transform_0(%arg0: i32) -> (i32, i32, i32) {
    %c0_i32 = arith.constant 0 : i32
    %c0_i32_0 = arith.constant 0 : i32
    %c0_i32_1 = arith.constant 0 : i32
    return %c0_i32, %arg0, %c0_i32_0 : i32, i32, i32
  }
  func.func @transform_1(%arg0: i32) -> (i32, i32, i32) {
    %c0_i32 = arith.constant 0 : i32
    %c0_i32_0 = arith.constant 0 : i32
    %c0_i32_1 = arith.constant 0 : i32
    return %c0_i32, %arg0, %c0_i32_0 : i32, i32, i32
  }
  func.func @transform_2(%arg0: i32) -> (i32, i32, i32) {
    %c0_i32 = arith.constant 0 : i32
    %c0_i32_0 = arith.constant 0 : i32
    %c0_i32_1 = arith.constant 0 : i32
    return %c0_i32, %arg0, %c0_i32_0 : i32, i32, i32
  }
  func.func @transform_3(%arg0: i32) -> (i32, i32) {
    %c0_i32 = arith.constant 0 : i32
    %c0_i32_0 = arith.constant 0 : i32
    %c0_i32_1 = arith.constant 0 : i32
    return %c0_i32, %c0_i32_0 : i32, i32
  }
  func.func @transform_4(%arg0: i32) -> (i32, i32) {
    %c0_i32 = arith.constant 0 : i32
    %c0_i32_0 = arith.constant 0 : i32
    %c0_i32_1 = arith.constant 0 : i32
    return %c0_i32, %c0_i32_0 : i32, i32
  }
  func.func @transform_5(%arg0: i32) -> (i32, i32) {
    %c0_i32 = arith.constant 0 : i32
    %c0_i32_0 = arith.constant 0 : i32
    %c0_i32_1 = arith.constant 0 : i32
    return %c0_i32, %c0_i32_0 : i32, i32
  }
  func.func @transform_6(%arg0: i32) -> (i32, i32) {
    %c0_i32 = arith.constant 0 : i32
    %c0_i32_0 = arith.constant 0 : i32
    %c0_i32_1 = arith.constant 0 : i32
    return %c0_i32, %c0_i32_0 : i32, i32
  }
  func.func @transform_7(%arg0: i32) -> (i32, i32) {
    %c0_i32 = arith.constant 0 : i32
    %c0_i32_0 = arith.constant 0 : i32
    %c0_i32_1 = arith.constant 0 : i32
    return %c0_i32, %c0_i32_0 : i32, i32
  }
  func.func @transform_8(%arg0: i32) -> (i32, i32) {
    %c0_i32 = arith.constant 0 : i32
    %c0_i32_0 = arith.constant 0 : i32
    %c0_i32_1 = arith.constant 0 : i32
    return %c0_i32, %c0_i32_0 : i32, i32
  }
  func.func @transform_9(%arg0: i32) -> (i32, i32) {
    %c0_i32 = arith.constant 0 : i32
    %c0_i32_0 = arith.constant 0 : i32
    return %arg0, %c0_i32 : i32, i32
  }
  func.func @transform_10(%arg0: i32) -> (i32, i32) {
    %c0_i32 = arith.constant 0 : i32
    %c0_i32_0 = arith.constant 0 : i32
    return %arg0, %c0_i32 : i32, i32
  }
  func.func @transform_11(%arg0: i32) -> (i32, i32) {
    %c0_i32 = arith.constant 0 : i32
    %c0_i32_0 = arith.constant 0 : i32
    return %arg0, %c0_i32 : i32, i32
  }
  func.func @transform_12(%arg0: i32) -> (i32, i32) {
    %c0_i32 = arith.constant 0 : i32
    %c0_i32_0 = arith.constant 0 : i32
    %c0_i32_1 = arith.constant 0 : i32
    return %c0_i32, %c0_i32_0 : i32, i32
  }
}

module attributes {stable_mosaic.version = 14 : i64} {
  func.func @_tc3_body(%arg0: memref<2x10240x80xf32, #tpu.memory_space<vmem>>, %arg1: memref<10240x80xf32, #tpu.memory_space<vmem>>, %arg2: memref<10240x80xf32, #tpu.memory_space<vmem>>, %arg3: memref<10240x16xf32, #tpu.memory_space<vmem>>, %arg4: memref<8x128xf32, #tpu.memory_space<vmem>>, %arg5: memref<1x128xf32, #tpu.memory_space<vmem>>, %arg6: memref<10000x128xf32, #tpu.memory_space<vmem>>) attributes {dimension_semantics = [], scalar_prefetch = 0 : i64, scratch_operands = 0 : i64, tpu.core_type = #tpu.core_type<tc>} {
    %get3A = arith.constant 0 : index
    %get3A_0 = arith.constant 0 : index
    %get3A_1 = arith.constant 0 : index
    %get3A_2 = vector.load %arg0[%get3A, %get3A_0, %get3A_1] : memref<2x10240x80xf32, #tpu.memory_space<vmem>>, vector<2x10240x80xf32>
    %slice3A = vector.extract_strided_slice %get3A_2 {offsets = [0, 0, 0], sizes = [1, 10000, 64], strides = [1, 1, 1]} : vector<2x10240x80xf32> to vector<1x10000x64xf32>
    %squeeze3A = vector.shape_cast %slice3A : vector<1x10000x64xf32> to vector<10000x64xf32>
    %slice3A_3 = vector.extract_strided_slice %get3A_2 {offsets = [1, 0, 0], sizes = [1, 10000, 64], strides = [1, 1, 1]} : vector<2x10240x80xf32> to vector<1x10000x64xf32>
    %squeeze3A_4 = vector.shape_cast %slice3A_3 : vector<1x10000x64xf32> to vector<10000x64xf32>
    %concatenate3A = tpu.concatenate %squeeze3A, %squeeze3A_4 in 1 : vector<10000x64xf32>, vector<10000x64xf32> -> vector<10000x128xf32>
    %slice3A_5 = vector.extract_strided_slice %get3A_2 {offsets = [0, 0, 64], sizes = [1, 10000, 1], strides = [1, 1, 1]} : vector<2x10240x80xf32> to vector<1x10000x1xf32>
    %squeeze3A_6 = vector.shape_cast %slice3A_5 : vector<1x10000x1xf32> to vector<10000xf32>
    %get3A_7 = arith.constant 0 : index
    %get3A_8 = arith.constant 0 : index
    %get3A_9 = vector.load %arg1[%get3A_7, %get3A_8] : memref<10240x80xf32, #tpu.memory_space<vmem>>, vector<10240x80xf32>
    %get3A_10 = arith.constant 0 : index
    %get3A_11 = arith.constant 0 : index
    %get3A_12 = vector.load %arg2[%get3A_10, %get3A_11] : memref<10240x80xf32, #tpu.memory_space<vmem>>, vector<10240x80xf32>
    %slice3A_13 = vector.extract_strided_slice %get3A_9 {offsets = [0, 0], sizes = [10000, 64], strides = [1, 1]} : vector<10240x80xf32> to vector<10000x64xf32>
    %slice3A_14 = vector.extract_strided_slice %get3A_12 {offsets = [0, 0], sizes = [10000, 64], strides = [1, 1]} : vector<10240x80xf32> to vector<10000x64xf32>
    %concatenate3A_15 = tpu.concatenate %slice3A_13, %slice3A_14 in 1 : vector<10000x64xf32>, vector<10000x64xf32> -> vector<10000x128xf32>
    %get3A_16 = arith.constant 0 : index
    %get3A_17 = arith.constant 0 : index
    %get3A_18 = vector.load %arg4[%get3A_16, %get3A_17] : memref<8x128xf32, #tpu.memory_space<vmem>>, vector<1x1xf32>
    %get3A_19 = vector.extract %get3A_18[0, 0] : f32 from vector<1x1xf32>
    %slice3A_20 = vector.extract_strided_slice %get3A_9 {offsets = [0, 65], sizes = [10000, 1], strides = [1, 1]} : vector<10240x80xf32> to vector<10000x1xf32>
    %squeeze3A_21 = vector.shape_cast %slice3A_20 : vector<10000x1xf32> to vector<10000xf32>
    %get3A_22 = arith.constant 0 : index
    %get3A_23 = arith.constant 0 : index
    %get3A_24 = vector.load %arg3[%get3A_22, %get3A_23] : memref<10240x16xf32, #tpu.memory_space<vmem>>, vector<10240x16xf32>
    %slice3A_25 = vector.extract_strided_slice %get3A_24 {offsets = [0, 0], sizes = [10000, 1], strides = [1, 1]} : vector<10240x16xf32> to vector<10000x1xf32>
    %squeeze3A_26 = vector.shape_cast %slice3A_25 : vector<10000x1xf32> to vector<10000xf32>
    %add3A = arith.addf %squeeze3A_21, %squeeze3A_26 : vector<10000xf32>
    %add3A_27 = vector.broadcast %get3A_19 : f32 to vector<10000xf32>
    %add3A_28 = arith.addf %add3A, %add3A_27 : vector<10000xf32>
    %ge3A = arith.constant 0.000000e+00 : f32
    %ge3A_29 = vector.broadcast %ge3A : f32 to vector<10000xf32>
    %ge3A_30 = arith.cmpf oge, %add3A_28, %ge3A_29 : vector<10000xf32>
    %mul3A = arith.constant 2.000000e-01 : f32
    %mul3A_31 = vector.broadcast %mul3A : f32 to vector<10000xf32>
    %mul3A_32 = arith.mulf %mul3A_31, %add3A_28 : vector<10000xf32>
    %select_n3A = arith.select %ge3A_30, %add3A_28, %mul3A_32 : vector<10000xi1>, vector<10000xf32>
    %exp3A = math.exp %select_n3A : vector<10000xf32>
    %broadcast_in_dim3A = vector.shape_cast %exp3A : vector<10000xf32> to vector<10000x1xf32>
    %mul3A_33 = vector.broadcast %broadcast_in_dim3A : vector<10000x1xf32> to vector<10000x128xf32>
    %mul3A_34 = arith.mulf %mul3A_33, %concatenate3A_15 : vector<10000x128xf32>
    %add3A_35 = arith.addf %concatenate3A, %mul3A_34 : vector<10000x128xf32>
    %add3A_36 = arith.addf %squeeze3A_6, %exp3A : vector<10000xf32>
    %add3A_37 = arith.constant 1.000000e-16 : f32
    %add3A_38 = vector.broadcast %add3A_37 : f32 to vector<10000xf32>
    %add3A_39 = arith.addf %add3A_36, %add3A_38 : vector<10000xf32>
    %broadcast_in_dim3A_40 = vector.shape_cast %add3A_39 : vector<10000xf32> to vector<10000x1xf32>
    %div3A = vector.broadcast %broadcast_in_dim3A_40 : vector<10000x1xf32> to vector<10000x128xf32>
    %div3A_41 = arith.divf %add3A_35, %div3A : vector<10000x128xf32>
    %get3A_42 = arith.constant 0 : index
    %get3A_43 = arith.constant 0 : index
    %get3A_44 = vector.load %arg5[%get3A_42, %get3A_43] : memref<1x128xf32, #tpu.memory_space<vmem>>, vector<1x128xf32>
    %add3A_45 = vector.broadcast %get3A_44 : vector<1x128xf32> to vector<10000x128xf32>
    %add3A_46 = arith.addf %div3A_41, %add3A_45 : vector<10000x128xf32>
    %reduce_max3A = arith.constant dense<0xFF800000> : vector<128xf32>
    %reduce_max3A_47 = vector.multi_reduction <maximumf>, %add3A_46, %reduce_max3A [0] : vector<10000x128xf32> to vector<128xf32>
    %broadcast_in_dim3A_48 = vector.shape_cast %reduce_max3A_47 : vector<128xf32> to vector<1x128xf32>
    %sub3A = vector.broadcast %broadcast_in_dim3A_48 : vector<1x128xf32> to vector<10000x128xf32>
    %sub3A_49 = arith.subf %add3A_46, %sub3A : vector<10000x128xf32>
    %exp3A_50 = math.exp %sub3A_49 : vector<10000x128xf32>
    %reduce_sum3A = arith.constant dense<0.000000e+00> : vector<128xf32>
    %reduce_sum3A_51 = vector.multi_reduction <add>, %exp3A_50, %reduce_sum3A [0] : vector<10000x128xf32> to vector<128xf32>
    %broadcast_in_dim3A_52 = vector.shape_cast %reduce_sum3A_51 : vector<128xf32> to vector<1x128xf32>
    %div3A_53 = vector.broadcast %broadcast_in_dim3A_52 : vector<1x128xf32> to vector<10000x128xf32>
    %div3A_54 = arith.divf %exp3A_50, %div3A_53 : vector<10000x128xf32>
    %swap3A = arith.constant 0 : index
    %swap3A_55 = arith.constant 0 : index
    %swap3A_56 = vector.load %arg6[%swap3A, %swap3A_55] : memref<10000x128xf32, #tpu.memory_space<vmem>>, vector<10000x128xf32>
    tpu.vector_store %arg6[%swap3A, %swap3A_55], %div3A_54 {strides = array<i32>} : memref<10000x128xf32, #tpu.memory_space<vmem>>, vector<10000x128xf32>,
    return
  }
}

</mosaic_0001>

<sc_bundles>
// kernel: kernel.11.cloned.1.call-start
scs
__scs_entry_jumppad:
0x0: {  	(pc) =	sbr.rel $0x88, $3  }
0x1: {  	(tag) =	ssettag $0x0;
	lr =	simm.s32 $0x1  }
0x2: {  	[smem:$0x3F96] =	sst lr;
	_ =	strace $0xD0000000  }
0x3: {  	_ = 	snop  }
0x4: {  	_ = 	snop  }
0x5: {  	_ = 	snop  }
0x6: {  	_ = 	snop  }
0x7: {  	_ = 	snop  }
__scs_overlays_trampoline_lowered:
0x8: {  	[smem:$0x3FA5] =	sst s0  }
0x9: {  	[smem:$0x3FA6] =	sst s1  }
0xa: {  	[smem:$0x3FA7] =	sst s2  }
0xb: {  	[smem:$0x3FA8] =	sst s3  }
0xc: {  	[smem:$0x3FA9] =	sst s4  }
0xd: {  	[smem:$0x3FAA] =	sst s5  }
0xe: {  	[smem:$0x3FAB] =	sst s6  }
0xf: {  	[smem:$0x3FAC] =	sst s7  }
0x10: {  	[smem:$0x3FAD] =	sst s8  }
0x11: {  	[smem:$0x3FAE] =	sst s9;
	s0 =	simm.s32 @!p0 $0x0  }
0x12: {  	s1 =	sld [smem:$0x3F94];
	s0 =	simm.s32 @p0 $0x1  }
0x13: {  	[smem:$0x3FAF] =	sst s0;
	s0 =	simm.s32 @!p1 $0x0  }
0x14: {  	s2 =	sld [smem:$0x3F93];
	s0 =	simm.s32 @p1 $0x1  }
0x15: {  	[smem:$0x3FB0] =	sst s0;
	s0 =	simm.s32 @!p2 $0x0  }
0x16: {  	s3 =	sld [smem:$0x3FDB];
	s0 =	simm.s32 @p2 $0x1  }
0x17: {  	s4 =	simm.s32 $0x1BF5;
	[smem:$0x3FB2] =	sst s0  }
0x18: {  	s0 =	sld [smem:$0x3F95];
	_ =	swait.ge [sflag:s4], $0x0  }
0x19: {  	s7 =	sld [smem:$0x3F96]  }
0x1a: {  	s8 =	sadd.s32 $0xFFFFE003, lr  }
0x1b: {  	s9 =	sadd.s32 $0xFFFFFEF7, lr;
	s5 =	simm.s32 $0xFFFFFFFF;
	p2 =	slt.u32 s8, $0xFFFFF086  }
0x1c: {  	p1 =	slt.u32 s9, $0xF7A;
	s5 =	simm.s32 @!p2 $0x0  }
0x1d: {  	s5 =	simm.s32 @p1 $0x1;
	p0 =	seq.s32 s7, s2  }
0x1e: {  	s7 =	smul.u32 @!p0 $0xF7A, s2;
	p2 =	seq.s32 @!p0 s5, $0x0  }
0x1f: {  	s9 =	smul.u32 $0xF7A, s1;
	s8 =	simm.s32 @!p0 $0x1BF5;
	p2 =	por !p2, p0  }
0x20: {  	[sflag:s8] =	ssyncset.s32 @!p0 $0xFFFFF086;
	s6 =	sadd.s32 @!p0 s3, s7;
	s7 =	simm.s32 @!p0 $0x108  }
0x21: {  	s3 =	sadd.s32 s3, s9;
	s6 =	sadd.s32 @!p0 $0x88, s6;
	s7 =	simm.s32 @p2 $0x1082  }
0x22: {  	[simem:s7], [sflag:s8] =	dma.local @!p0 [hbm:s6], $0xF7A  }
0x23: {  	s9 =	sor.u32 $0xD0000000, s2;
	s6 =	simm.s32 $0x108;
	_ =	swait.ge @!p0 [sflag:s8], $0x0  }
0x24: {  	s3 =	sadd.s32 $0x88, s3;
	s6 =	simm.s32 @!p1 $0x1082;
	[sflag:s4] =	ssyncset.s32 $0xFFFFF086  }
0x25: {  	[simem:s6], [sflag:s4] =	dma.local [hbm:s3], $0xF7A  }
0x26: {  	[smem:$0x3F96] =	sst s1;
	(tag) =	ssettag s2;
	_ =	strace s9  }
0x27: {  	s1 =	sld [smem:$0x3FA6]  }
0x28: {  	s2 =	sld [smem:$0x3FA7]  }
0x29: {  	s4 =	sld [smem:$0x3FA9]  }
0x2a: {  	p0 =	seq.s32 s5, $0x0;
	s5 =	sld [smem:$0x3FAA]  }
0x2b: {  	s6 =	sld [smem:$0x3FAB]  }
0x2c: {  	s7 =	sld [smem:$0x3FAC]  }
0x2d: {  	s3 =	simm.s32 $0x108;
	s8 =	sld [smem:$0x3FAD]  }
0x2e: {  	s3 =	simm.s32 @!p0 $0x1082;
	s9 =	sld [smem:$0x3FAE]  }
0x2f: {  	lr =	sadd.s32 s0, s3;
	s0 =	sld [smem:$0x3FA5]  }
0x30: {  	s3 =	sld [smem:$0x3FA8]  }
0x31: {  	[smem:$0x3FB1] =	sst s10  }
0x32: {  	s10 =	sld [smem:$0x3FAF];
	_ =	sdelay $0x3  }
0x33: {  	p0 =	seq.s32 s10, $0x1;
	s10 =	sld [smem:$0x3FB1];
	_ =	sdelay $0x3  }
0x34: {  	[smem:$0x3FB1] =	sst s10  }
0x35: {  	s10 =	sld [smem:$0x3FB0];
	_ =	sdelay $0x3  }
0x36: {  	p1 =	seq.s32 s10, $0x1;
	s10 =	sld [smem:$0x3FB1];
	_ =	sdelay $0x3  }
0x37: {  	[smem:$0x3FB1] =	sst s10  }
0x38: {  	s10 =	sld [smem:$0x3FB2]  }
0x39: {  	_ = 	snop;
	(pc) =	sbr.ind lr, $3  }
0x3a: {  	_ = 	snop  }
0x3b: {  	_ = 	snop  }
0x3c: {  	p2 =	seq.s32 s10, $0x1;
	s10 =	sld [smem:$0x3FB1]  }
0x3d: {  	_ =	shalt  }
0x3e: {  	_ =	shalt  }
0x3f: {  	_ =	shalt  }
0x40: {  	_ =	shalt  }
0x41: {  	_ =	shalt  }
0x42: {  	_ =	shalt  }
0x43: {  	_ =	shalt  }
0x44: {  	_ =	shalt  }
0x45: {  	_ =	shalt  }
0x46: {  	_ =	shalt  }
0x47: {  	_ =	shalt  }
0x48: {  	_ =	shalt  }
0x49: {  	_ =	shalt  }
0x4a: {  	_ =	shalt  }
0x4b: {  	_ =	shalt  }
0x4c: {  	_ =	shalt  }
0x4d: {  	_ =	shalt  }
0x4e: {  	_ =	shalt  }
0x4f: {  	_ =	shalt  }
0x50: {  	_ =	shalt  }
0x51: {  	_ =	shalt  }
0x52: {  	_ =	shalt  }
0x53: {  	_ =	shalt  }
0x54: {  	_ =	shalt  }
0x55: {  	_ =	shalt  }
0x56: {  	_ =	shalt  }
0x57: {  	_ =	shalt  }
0x58: {  	_ =	shalt  }
0x59: {  	_ =	shalt  }
0x5a: {  	_ =	shalt  }
0x5b: {  	_ =	shalt  }
0x5c: {  	_ =	shalt  }
0x5d: {  	_ =	shalt  }
0x5e: {  	_ =	shalt  }
0x5f: {  	_ =	shalt  }
0x60: {  	_ =	shalt  }
0x61: {  	_ =	shalt  }
0x62: {  	_ =	shalt  }
0x63: {  	_ =	shalt  }
0x64: {  	_ =	shalt  }
0x65: {  	_ =	shalt  }
0x66: {  	_ =	shalt  }
0x67: {  	_ =	shalt  }
0x68: {  	_ =	shalt  }
0x69: {  	_ =	shalt  }
0x6a: {  	_ =	shalt  }
0x6b: {  	_ =	shalt  }
0x6c: {  	_ =	shalt  }
0x6d: {  	_ =	shalt  }
0x6e: {  	_ =	shalt  }
0x6f: {  	_ =	shalt  }
0x70: {  	_ =	shalt  }
0x71: {  	_ =	shalt  }
0x72: {  	_ =	shalt  }
0x73: {  	_ =	shalt  }
0x74: {  	_ =	shalt  }
0x75: {  	_ =	shalt  }
0x76: {  	_ =	shalt  }
0x77: {  	_ =	shalt  }
0x78: {  	_ =	shalt  }
0x79: {  	_ =	shalt  }
0x7a: {  	_ =	shalt  }
0x7b: {  	_ =	shalt  }
0x7c: {  	_ =	shalt  }
0x7d: {  	_ =	shalt  }
0x7e: {  	_ =	shalt  }
0x7f: {  	_ =	shalt  }
0x80: {  	_ =	shalt  }
0x81: {  	_ =	shalt  }
0x82: {  	_ =	shalt  }
0x83: {  	_ =	shalt  }
0x84: {  	_ =	shalt  }
0x85: {  	_ =	shalt  }
0x86: {  	_ =	shalt  }
0x87: {  	_ =	shalt  }
.Lfunc_end0:
.L_simem_size_0:
called_computation.1_lowered:
.L_overlay_start_0:
0x88: {  	s2 =	sld [smem:$0x3FD9]  }
0x89: {  	s3 =	sld [smem:$0x3FFE];
	_ =	sdelay $0x1  }
0x8a: {  	s1 =	srdreg.scid  }
0x8b: {  	s0 =	sand.u32 $0x1, s1  }
0x8c: {  	s17 =	sshll.u32 s0, $0xA;
	s2 =	sadd.s32 s3, s2  }
0x8d: {  	s2 =	sadd.s32 s2, s17  }
0x8e: {  	[smem:$0x3FBD] =	sst s2  }
0x8f: {  	_ = 	snop  }
0x90: {  	s2 =	sld [smem:$0x3FD0];
	(tm) =	ssettm $0x1  }
0x91: {  	s18 =	sld [smem:$0x3FFB];
	_ =	sdelay $0x3  }
0x92: {  	_ =	strace s18  }
0x93: {  	s3 =	sld [smem:$0x3FFC];
	_ =	sdelay $0x3  }
0x94: {  	_ =	strace s3  }
0x95: {  	s3 =	sld [smem:$0x3FFD];
	_ =	sdelay $0x3  }
0x96: {  	_ =	strace s3  }
0x97: {  	_ =	strace $0x8FFFFFFF  }
0x98: {  	s19 =	sld [smem:$0x3FDB];
	_ =	sdelay $0x1  }
0x99: {  	s4 =	simm.s32 $_scs_section_size  }
0x9a: {  	s5 =	simm.s32 $_size__tile_overlayer_lowered;
	s6 =	simm.s32 $_tile_overlayer_lowered  }
0x9b: {  	s22 =	simm.s32 $0x1BFF;
	s21 =	sshll.u32 s6, $0x1;
	s3 =	sadd.s32 s4, s19  }
0x9c: {  	s7 =	simm.s32 $0x0;
	s20 =	sshll.u32 s5, $0x1;
	s5 =	sadd.s32 s21, s3  }
0x9d: {  	[timem:s7], [sflag:s22] =	dma.local [hbm:s5], s20  }
0x9e: {  	_ =	swait.ge [sflag:s22], s20  }
0x9f: {  	s4 =	ssub.s32 $0x0, s20;
	[sflag:s22] =	ssyncset.done $0x0  }
0xa0: {  	[sflag:s22] =	ssyncadd.s32 s4;
	_ =	sdelay $0x1  }
0xa1: {  	s23 =	simm.s32 $0x1B8B  }
0xa2: {  	_ =	swait.ge [sflag:s23], $0x1  }
0xa3: {  	[sflag:s23] =	ssyncset.done $0x0  }
0xa4: {  	s25 =	simm.s32 $0x1B8E;
	s24 =	sld [smem:$0x3FFE];
	[sflag:s23] =	ssyncadd.s32 $0xFFFFFFFF  }
0xa5: {  	s26 =	simm.s32 $execute0_lowered;
	[smem:$0x3FD2] =	sst s25  }
0xa6: {  	s5 =	sshll.u32 s26, $0x1;
	_ =	strace $0x80000049;
	[dreg:$0x1] =	wrdreg $0xFFFFFFFF  }
0xa7: {  	s28 =	simm.s32 $_size_execute0_lowered;
	s3 =	sadd.s32 s3, s5;
	[dreg:$0x0] =	wrdreg $0x0  }
0xa8: {  	s5 =	sshll.u32 s28, $0x1;
	[dreg:$0x2] =	wrdreg s3  }
0xa9: {  	[dreg:$0x3] =	wrdreg s5  }
0xaa: {  	[dreg:$0x4] =	wrdreg $0xC0  }
0xab: {  	_ =	task [dreg:s7], $0x5FFFF  }
0xac: {  	[dreg:$0x1] =	wrdreg $0xFFFFFFFF  }
0xad: {  	[dreg:$0x0] =	wrdreg $0x60  }
0xae: {  	[dreg:$0x2] =	wrdreg s2  }
0xaf: {  	[dreg:$0x3] =	wrdreg s24  }
0xb0: {  	[dreg:$0x4] =	wrdreg $0x0  }
0xb1: {  	[dreg:$0x5] =	wrdreg $0x9  }
0xb2: {  	_ =	task.clear_ibuf [dreg:s7], $0x6FFFF;
	_ =	strace $0x90000049  }
0xb3: {  	s29 =	simm.s32 $0x9;
	_ =	strace $0x8000004B  }
0xb4: {  	_ =	swait.ge [sflag:s29], $0x1  }
0xb5: {  	[sflag:s29] =	ssyncadd.s32 $0xFFFFFFFF  }
0xb6: {  	_ =	strace $0x9000004B  }
0xb7: {  	_ =	sfence  }
0xb8: {  	s30 =	sld [smem:$0x0];
	_ =	sdelay $0x2  }
0xb9: {  	s31 =	sshll.u32 s1, $0xD;
	s1 =	sshrl.u32 s1, $0x2  }
0xba: {  	s3 =	sand.u32 $0x4000, s31;
	s1 =	sadd.s32 s1, s30  }
0xbb: {  	s0 =	sor.u32 s3, s0;
	s1 =	sshll.u32 s1, $0x11  }
0xbc: {  	s0 =	sor.u32 s1, s0  }
0xbd: {  	s0 =	sadd.s32 $0x8F2B, s0  }
0xbe: {  	[sflag:s0] =	ssyncadd.remote.s32 $0x1  }
0xbf: {  	_ =	sfence.sel $0xFFFF  }
0xc0: {  	[dreg:$0x0] =	wrdreg $0xFFFFFFFF;
	(pc) =	sbr.abs _section_cstart, $3  }
0xc1: {  	[dreg:$0x1] =	wrdreg $0xFFFFFFFF  }
0xc2: {  	_ =	task.clear_ibuf [dreg:s7], $0x2FFFF;
	_ =	strace $0x9FFFFFFF  }
0xc3: {  	(tm) =	ssettm $0x7FFFFFFF  }
tec
execute0_lowered:
.L_overlay_start_1:
0x0: {  	(tag) =	ssettag $0x1  }
0x1: {  	s1 =	rddreg [dreg:$0x0]  }
0x2: {  	s0 =	rddreg [dreg:$0x1]  }
0x3: {  	s3 =	rddreg [dreg:$0x2]  }
0x4: {  	s5 =	srdreg.scid;
	s2 =	stileid.u32;
	s4 =	simm.s32 $0x0  }
0x5: {  	s16 =	simm.s32 $0x14310;
	s17 =	simm.s32 $0x2;
	s18 =	simm.s32 $0x14000  }
0x6: {  	s19 =	simm.s32 $0x14100;
	s20 =	simm.s32 $0x14200;
	s21 =	simm.s32 $0x14280  }
0x7: {  	s22 =	simm.s32 $0x80;
	s23 =	simm.s32 $0x14080;
	s24 =	simm.s32 $0x18310  }
0x8: {  	s25 =	simm.s32 $0x1;
	s26 =	simm.s32 $0x14180;
	s12 =	sand.u32 $0x1, s5  }
0x9: {  	s8 =	smul.u32 $0x14000, s2;
	[smem:$0x7FF] =	sst s4;
	s5 =	sadd.s32 $0x7000, s0  }
0xa: {  	s6 =	sadd.s32 $0x2000, s0;
	s10 =	smul.u32 $0x50000, s2;
	s13 =	sadd.s32 $0x2010, s0  }
0xb: {  	s7 =	smul.u32 $0x140000, s12;
	_ =	strace $0x8000004A;
	s11 =	ssub.s32 $0x2, s12  }
0xc: {  	s12 =	smul.u32 $0x500, s12;
	s31 =	sshrl.u32 s11, $0x1;
	s10 =	sshrl.u32 s10, $0x2  }
0xd: {  	s9 =	sadd.s32 s8, s7;
	s7 =	sadd.s32 $0x66000, s0;
	s15 =	ssub.s32 s11, s31  }
0xe: {  	s8 =	sadd.s32 s8, s3;
	s10 =	sadd.s32 s10, s3;
	s9 =	sshrl.u32 s9, $0x3  }
0xf: {  	s11 =	smul.u32 $0x50, s2;
	s15 =	smax.u32 s15, $0x1;
	s14 =	sadd.s32 s9, s0  }
0x10: {  	v0 =	vimm.f32 $0.0e+00;
	s9 =	sadd.s32 $0x8000, s10;
	s10 =	sadd.s32 $0x10000, s10;
	s14 =	sadd.s32 $0xB6000, s14  }
.LBB2_1:
0x11: {  	s0 =	simm.s32 $0x0;
	s28 =	simm.s32 $0x200  }
.LBB2_2:
0x12: {  	p0 =	sne.s32 s28, $0x1FE00;
	[tilespmem:s0+$0x14380] =	vst v0  }
0x13: {  	[tilespmem:s0+$0x14310] =	vst v0  }
0x14: {  	[tilespmem:s0+$0x14320] =	vst v0  }
.Ltmp0:
0x15: {  	[tilespmem:s0+$0x14330] =	vst v0;
	(pc) =	sbr.rel @p0 .LBB2_2-.Ltmp0, $4  }
0x16: {  	[tilespmem:s0+$0x14340] =	vst v0  }
0x17: {  	[tilespmem:s0+$0x14350] =	vst v0  }
0x18: {  	[tilespmem:s0+$0x14360] =	vst v0  }
0x19: {  	[tilespmem:s0+$0x14370] =	vst v0;
	s0 =	sshra.s32 s28, $0x2;
	s28 =	sadd.s32 $0x200, s28  }
0x1a: {  	[tilespmem:s0+$0x14380] =	vst v0  }
0x1b: {  	[tilespmem:s0+$0x14310] =	vst v0  }
0x1c: {  	[tilespmem:s0+$0x14320] =	vst v0  }
0x1d: {  	[tilespmem:s0+$0x14330] =	vst v0  }
0x1e: {  	[tilespmem:s0+$0x14340] =	vst v0  }
0x1f: {  	[tilespmem:s0+$0x14350] =	vst v0  }
0x20: {  	[tilespmem:s0+$0x14360] =	vst v0  }
0x21: {  	[tilespmem:s0+$0x14370] =	vst v0  }
0x22: {  	[spmem:s8] =	stream.linear.scatter [tilespmem:s16], [sflag:$0x2], $0x8000, $0x38;
	[tilespmem:$0x1C310] =	vst v63  }
0x23: {  	_ =	swait.ge [sflag:s17], $0x8000  }
0x24: {  	[sflag:s17] =	ssyncset.done $0x0  }
0x25: {  	[sflag:s17] =	ssyncadd.s32 $0xFFFF8000  }
0x26: {  	[spmem:s9] =	stream.linear.scatter [tilespmem:s16], [sflag:$0x2], $0x8000, $0x38;
	[tilespmem:$0x1C310] =	vst v63  }
0x27: {  	_ =	swait.ge [sflag:s17], $0x8000  }
0x28: {  	[sflag:s17] =	ssyncset.done $0x0  }
0x29: {  	[sflag:s17] =	ssyncadd.s32 $0xFFFF8000  }
0x2a: {  	[spmem:s10] =	stream.linear.scatter [tilespmem:s16], [sflag:$0x2], $0x4000, $0x38;
	[tilespmem:$0x1C310] =	vst v63  }
0x2b: {  	_ =	swait.ge [sflag:s17], $0x4000  }
0x2c: {  	[sflag:s17] =	ssyncset.done $0x0  }
0x2d: {  	[sflag:s17] =	ssyncadd.s32 $0xFFFFC000  }
0x2e: {  	s28 =	simm.s32 $0x0;
	s29 =	simm.s32 $0x0;
	[bflag:$0x0] =	sbarrier.arrive $0xFFFF  }
.LBB2_4:
0x2f: {  	s0 =	sshll.u32 s29, $0x1  }
0x30: {  	s0 =	sadd.s32 s11, s0  }
0x31: {  	s30 =	sadd.s32 s12, s0  }
0x32: {  	s30 =	sshll.u32 s30, $0x4  }
0x33: {  	s30 =	sadd.s32 s1, s30  }
0x34: {  	[tilespmem:s18], [sflag:$0x2] =	stream.linear.gather [hbm4b:s30+s28], $0x100, $0x38;
	[tilespmem:$0x1C310] =	vst v63  }
0x35: {  	_ =	swait.ge [sflag:s17], $0x100  }
0x36: {  	s0 =	sshll.u32 s0, $0x4;
	[sflag:s17] =	ssyncset.done $0x0  }
0x37: {  	s30 =	sadd.s32 s5, s0;
	[sflag:s17] =	ssyncadd.s32 $0xFFFFFF00  }
0x38: {  	[tilespmem:s19], [sflag:$0x2] =	stream.linear.gather [hbm4b:s30+s28], $0x100, $0x38;
	[tilespmem:$0x1C310] =	vst v63  }
0x39: {  	_ =	swait.ge [sflag:s17], $0x100  }
0x3a: {  	[sflag:s17] =	ssyncset.done $0x0  }
0x3b: {  	s30 =	sadd.s32 s6, s0;
	[sflag:s17] =	ssyncadd.s32 $0xFFFFFF00  }
0x3c: {  	[tilespmem:s20], [sflag:$0x2] =	stream.linear.gather [hbm4b:s30+s28], $0x80, $0x38;
	[tilespmem:$0x1C310] =	vst v63  }
0x3d: {  	_ =	swait.ge [sflag:s17], $0x80  }
0x3e: {  	[sflag:s17] =	ssyncset.done $0x0  }
0x3f: {  	s0 =	sadd.s32 s0, s13;
	[sflag:s17] =	ssyncadd.s32 $0xFFFFFF80  }
0x40: {  	[tilespmem:s21], [sflag:$0x2] =	stream.linear.gather [hbm4b:s0+s28], $0x80, $0x38;
	[tilespmem:$0x1C310] =	vst v63  }
0x41: {  	_ =	swait.ge [sflag:s17], $0x80  }
0x42: {  	[sflag:s17] =	ssyncset.done $0x0  }
0x43: {  	[sflag:s17] =	ssyncadd.s32 $0xFFFFFF80  }
0x44: {  	[tilespmem:s16], [sflag:$0x1] =	stream.indirect.gather [hbm4b:s7+s22], $0x80, s18, s22, $0xb8;
	[tilespmem:$0x1C310] =	vst v63  }
0x45: {  	_ = 	snop  }
0x46: {  	[tilespmem:s24], [sflag:$0x1] =	stream.indirect.gather [hbm4b:s7+s22], $0x80, s23, s22, $0xb8;
	[tilespmem:$0x1C310] =	vst v63  }
0x47: {  	_ =	swait.ge [sflag:s25], $0x4000  }
0x48: {  	[sflag:s25] =	ssyncset.done $0x0  }
0x49: {  	[sflag:s25] =	ssyncadd.s32 $0xFFFFC000  }
0x4a: {  	_ =	swait.ge [sflag:s25], $0x4000  }
0x4b: {  	[sflag:s25] =	ssyncset.done $0x0  }
0x4c: {  	s30 =	simm.s32 $0x14350;
	[sflag:s25] =	ssyncadd.s32 $0xFFFFC000  }
0x4d: {  	v5 =	vld [tilespmem:s30+$0x30]  }
0x4e: {  	v8 =	vld [tilespmem:s30+$0x10]  }
0x4f: {  	s2 =	simm.s32 $0x0;
	v6 =	vld [tilespmem:s30+$0xFFFFFFC0]  }
0x50: {  	v2 =	vld.msk [tilespmem:s2+$0x14200 ss:$0x0], $0xffff  }
0x51: {  	v10 =	vld [tilespmem:s30+$0xFFFFFFE0]  }
0x52: {  	v1 =	vld [tilespmem:s30+$0xFFFFFFF0]  }
0x53: {  	v3 =	vld [tilespmem:s30+$0x20]  }
0x54: {  	v4 =	vld [tilespmem:s30+$0xFFFFFFD0]  }
0x55: {  	v9 =	vmul.f32 v5, v2;
	v5 =	vld [tilespmem:s30+$0x0]  }
0x56: {  	v7 =	vmul.f32 v2, v6  }
0x57: {  	s31 =	simm.s32 $0x4;
	s0 =	simm.s32 $0x14350;
	v6 =	vmul.f32 v10, v2;
	v8 =	vmul.f32 v8, v2  }
.LBB2_5:
0x58: {  	p0 =	sne.s32 s31, $0x3FC  }
0x59: {  	v4 =	vmul.f32 v4, v2;
	v3 =	vmul.f32 v3, v2;
	[tilespmem:s30+$0x30] =	vst v9;
	s0 =	sadd.s32 $0x80, s0;
	s2 =	smov.u32 s31;
	s31 =	sadd.s32 $0x4, s31  }
0x5a: {  	[tilespmem:s30+$0xFFFFFFC0] =	vst v7;
	v7 =	vmul.f32 v1, v2;
	v2 =	vmul.f32 v5, v2  }
0x5b: {  	[tilespmem:s30+$0x10] =	vst v8  }
0x5c: {  	[tilespmem:s30+$0xFFFFFFE0] =	vst v6  }
0x5d: {  	v1 =	vld [tilespmem:s0+$0xFFFFFFF0];
	[tilespmem:s30+$0xFFFFFFF0] =	vst v7  }
0x5e: {  	v6 =	vld [tilespmem:s0+$0x30];
	[tilespmem:s30+$0x0] =	vst v2  }
0x5f: {  	v8 =	vld [tilespmem:s0+$0x10];
	[tilespmem:s30+$0x20] =	vst v3  }
0x60: {  	s2 =	sshra.s32 s2, $0x2;
	v7 =	vld [tilespmem:s0+$0xFFFFFFC0];
	[tilespmem:s30+$0xFFFFFFD0] =	vst v4;
	s30 =	smov.u32 s0  }
0x61: {  	v2 =	vld.msk [tilespmem:s2+$0x14200 ss:$0x0], $0xffff  }
0x62: {  	v10 =	vld [tilespmem:s0+$0xFFFFFFE0]  }
0x63: {  	v3 =	vld [tilespmem:s0+$0x20]  }
.Ltmp1:
0x64: {  	v4 =	vld [tilespmem:s0+$0xFFFFFFD0];
	(pc) =	sbr.rel @p0 .LBB2_5-.Ltmp1, $3  }
0x65: {  	v5 =	vld [tilespmem:s0+$0x0];
	_ =	sdelay $0x1  }
0x66: {  	v7 =	vmul.f32 v2, v7;
	v9 =	vmul.f32 v6, v2  }
0x67: {  	v8 =	vmul.f32 v8, v2;
	v6 =	vmul.f32 v10, v2  }
0x68: {  	[tilespmem:s30+$0x30] =	vst v9  }
0x69: {  	[tilespmem:s30+$0xFFFFFFC0] =	vst v7  }
0x6a: {  	v1 =	vmul.f32 v1, v2;
	[tilespmem:s30+$0x10] =	vst v8  }
0x6b: {  	v3 =	vmul.f32 v3, v2;
	[tilespmem:s30+$0xFFFFFFE0] =	vst v6  }
0x6c: {  	v5 =	vmul.f32 v5, v2;
	[tilespmem:s30+$0xFFFFFFF0] =	vst v1  }
0x6d: {  	v1 =	vmul.f32 v4, v2;
	[tilespmem:s30+$0x20] =	vst v3  }
0x6e: {  	[tilespmem:s30+$0x0] =	vst v5  }
0x6f: {  	[tilespmem:s30+$0xFFFFFFD0] =	vst v1  }
0x70: {  	[spmem:s3] =	stream.indirect.scatter.add.f32 [tilespmem:s16], [sflag:$0x2], $0x80, s19, s22, $0xb8;
	[tilespmem:$0x1C310] =	vst v63  }
0x71: {  	s29 =	sadd.s32 $0x1, s29;
	_ =	swait.ge [sflag:s17], $0x4000  }
0x72: {  	p0 =	sne.s32 s29, $0x28;
	[sflag:s17] =	ssyncset.done $0x0  }
.Ltmp2:
0x73: {  	[sflag:s17] =	ssyncadd.s32 $0xFFFFC000;
	(pc) =	sbr.rel @p0 .LBB2_4-.Ltmp2, $4  }
0x74: {  	[spmem:s3] =	stream.indirect.scatter.add.f32 [tilespmem:s24], [sflag:$0x2], $0x80, s26, s22, $0xb8;
	[tilespmem:$0x1C310] =	vst v63  }
0x75: {  	_ =	swait.ge [sflag:s17], $0x4000  }
0x76: {  	[sflag:s17] =	ssyncset.done $0x0  }
0x77: {  	[sflag:s17] =	ssyncadd.s32 $0xFFFFC000  }
0x78: {  	s0 =	stileid.u32;
	s4 =	sadd.s32 $0x1, s4  }
0x79: {  	[bflag:$0x0] =	sbarrier.arrive $0xFFFF;
	s0 =	sshll.u32 s0, $0x6;
	p0 =	sne.s32 s4, s15  }
.Ltmp3:
0x7a: {  	s2 =	sshrl.u32 s8, $0x3;
	s0 =	sor.u32 $0x1C02, s0;
	(pc) =	sbr.rel @p0 .LBB2_1-.Ltmp3, $4  }
0x7b: {  	[hbm:s14], [sflag:s0] =	dma.local [spmem:s2], $0x2800  }
0x7c: {  	_ =	swait.ge [sflag:s17], $0x2800  }
0x7d: {  	[sflag:s17] =	ssyncset.done $0x0  }
0x7e: {  	[sflag:s17] =	ssyncadd.s32 $0xFFFFD800  }
0x7f: {  	_ =	sfence.sel $0x180000  }
0x80: {  	[bflag:$0x0] =	sbarrier.arrive $0xFFFF  }
0x81: {  	_ =	strace $0x9000004A  }
0x82: {  	s0 =	stileid.u32;
	[bflag:$0x2] =	sbarrier.arrive $0xFFFF  }
0x83: {  	p0 =	sne.s32 s0, $0x0;
	s0 =	rddreg [dreg:$0x3]  }
0x84: {  	s0 =	sadd.s32 @!p0 $0x100000, s0  }
0x85: {  	[sflag:s0] =	ssyncadd.tile.s32 @!p0 $0x1;
	_ =	shalt  }
.Lfunc_end2:
_tile_overlayer_lowered:
.L_overlay_start_2:
0x86: {  	(tag) =	ssettag $0x2  }
0x87: {  	s0 =	rddreg [dreg:$0x0];
	s2 =	stileid.u32  }
0x88: {  	s1 =	rddreg [dreg:$0x1];
	p0 =	sne.s32 s2, $0x0  }
0x89: {  	s3 =	rddreg [dreg:$0x2];
	[bflag:$0x3] =	sbarrier.arrive $0xFFFF;
	s2 =	simm.s32 @!p0 $0x1C02  }
0x8a: {  	[timem:s3], [sflag:s2] =	dma.local @!p0 [hbm:s0], s1  }
0x8b: {  	s0 =	simm.s32 @!p0 $0x2  }
0x8c: {  	_ =	swait.ge @!p0 [sflag:s0], s1  }
0x8d: {  	s1 =	ssub.s32 @!p0 $0x0, s1;
	[sflag:s0] =	ssyncset.done @!p0 $0x0  }
0x8e: {  	[sflag:s0] =	ssyncadd.s32 @!p0 s1  }
0x8f: {  	[bflag:$0x3] =	sbarrier.arrive $0xFFFF  }
0x90: {  	_ =	shalt  }

// kernel: kernel.14.cloned.1.call-start
scs
__scs_entry_jumppad:
0x0: {  	(pc) =	sbr.rel $0x88, $3  }
0x1: {  	(tag) =	ssettag $0x0;
	lr =	simm.s32 $0x1  }
0x2: {  	[smem:$0x3F96] =	sst lr;
	_ =	strace $0xD0000000  }
0x3: {  	_ = 	snop  }
0x4: {  	_ = 	snop  }
0x5: {  	_ = 	snop  }
0x6: {  	_ = 	snop  }
0x7: {  	_ = 	snop  }
__scs_overlays_trampoline_lowered:
0x8: {  	[smem:$0x3FA5] =	sst s0  }
0x9: {  	[smem:$0x3FA6] =	sst s1  }
0xa: {  	[smem:$0x3FA7] =	sst s2  }
0xb: {  	[smem:$0x3FA8] =	sst s3  }
0xc: {  	[smem:$0x3FA9] =	sst s4  }
0xd: {  	[smem:$0x3FAA] =	sst s5  }
0xe: {  	[smem:$0x3FAB] =	sst s6  }
0xf: {  	[smem:$0x3FAC] =	sst s7  }
0x10: {  	[smem:$0x3FAD] =	sst s8  }
0x11: {  	[smem:$0x3FAE] =	sst s9;
	s0 =	simm.s32 @!p0 $0x0  }
0x12: {  	s1 =	sld [smem:$0x3F94];
	s0 =	simm.s32 @p0 $0x1  }
0x13: {  	[smem:$0x3FAF] =	sst s0;
	s0 =	simm.s32 @!p1 $0x0  }
0x14: {  	s2 =	sld [smem:$0x3F93];
	s0 =	simm.s32 @p1 $0x1  }
0x15: {  	[smem:$0x3FB0] =	sst s0;
	s0 =	simm.s32 @!p2 $0x0  }
0x16: {  	s3 =	sld [smem:$0x3FDB];
	s0 =	simm.s32 @p2 $0x1  }
0x17: {  	s4 =	simm.s32 $0x1BF5;
	[smem:$0x3FB2] =	sst s0  }
0x18: {  	s0 =	sld [smem:$0x3F95];
	_ =	swait.ge [sflag:s4], $0x0  }
0x19: {  	s7 =	sld [smem:$0x3F96]  }
0x1a: {  	s8 =	sadd.s32 $0xFFFFE003, lr  }
0x1b: {  	s9 =	sadd.s32 $0xFFFFFEF7, lr;
	s5 =	simm.s32 $0xFFFFFFFF;
	p2 =	slt.u32 s8, $0xFFFFF086  }
0x1c: {  	p1 =	slt.u32 s9, $0xF7A;
	s5 =	simm.s32 @!p2 $0x0  }
0x1d: {  	s5 =	simm.s32 @p1 $0x1;
	p0 =	seq.s32 s7, s2  }
0x1e: {  	s7 =	smul.u32 @!p0 $0xF7A, s2;
	p2 =	seq.s32 @!p0 s5, $0x0  }
0x1f: {  	s9 =	smul.u32 $0xF7A, s1;
	s8 =	simm.s32 @!p0 $0x1BF5;
	p2 =	por !p2, p0  }
0x20: {  	[sflag:s8] =	ssyncset.s32 @!p0 $0xFFFFF086;
	s6 =	sadd.s32 @!p0 s3, s7;
	s7 =	simm.s32 @!p0 $0x108  }
0x21: {  	s3 =	sadd.s32 s3, s9;
	s6 =	sadd.s32 @!p0 $0x88, s6;
	s7 =	simm.s32 @p2 $0x1082  }
0x22: {  	[simem:s7], [sflag:s8] =	dma.local @!p0 [hbm:s6], $0xF7A  }
0x23: {  	s9 =	sor.u32 $0xD0000000, s2;
	s6 =	simm.s32 $0x108;
	_ =	swait.ge @!p0 [sflag:s8], $0x0  }
0x24: {  	s3 =	sadd.s32 $0x88, s3;
	s6 =	simm.s32 @!p1 $0x1082;
	[sflag:s4] =	ssyncset.s32 $0xFFFFF086  }
0x25: {  	[simem:s6], [sflag:s4] =	dma.local [hbm:s3], $0xF7A  }
0x26: {  	[smem:$0x3F96] =	sst s1;
	(tag) =	ssettag s2;
	_ =	strace s9  }
0x27: {  	s1 =	sld [smem:$0x3FA6]  }
0x28: {  	s2 =	sld [smem:$0x3FA7]  }
0x29: {  	s4 =	sld [smem:$0x3FA9]  }
0x2a: {  	p0 =	seq.s32 s5, $0x0;
	s5 =	sld [smem:$0x3FAA]  }
0x2b: {  	s6 =	sld [smem:$0x3FAB]  }
0x2c: {  	s7 =	sld [smem:$0x3FAC]  }
0x2d: {  	s3 =	simm.s32 $0x108;
	s8 =	sld [smem:$0x3FAD]  }
0x2e: {  	s3 =	simm.s32 @!p0 $0x1082;
	s9 =	sld [smem:$0x3FAE]  }
0x2f: {  	lr =	sadd.s32 s0, s3;
	s0 =	sld [smem:$0x3FA5]  }
0x30: {  	s3 =	sld [smem:$0x3FA8]  }
0x31: {  	[smem:$0x3FB1] =	sst s10  }
0x32: {  	s10 =	sld [smem:$0x3FAF];
	_ =	sdelay $0x3  }
0x33: {  	p0 =	seq.s32 s10, $0x1;
	s10 =	sld [smem:$0x3FB1];
	_ =	sdelay $0x3  }
0x34: {  	[smem:$0x3FB1] =	sst s10  }
0x35: {  	s10 =	sld [smem:$0x3FB0];
	_ =	sdelay $0x3  }
0x36: {  	p1 =	seq.s32 s10, $0x1;
	s10 =	sld [smem:$0x3FB1];
	_ =	sdelay $0x3  }
0x37: {  	[smem:$0x3FB1] =	sst s10  }
0x38: {  	s10 =	sld [smem:$0x3FB2]  }
0x39: {  	_ = 	snop;
	(pc) =	sbr.ind lr, $3  }
0x3a: {  	_ = 	snop  }
0x3b: {  	_ = 	snop  }
0x3c: {  	p2 =	seq.s32 s10, $0x1;
	s10 =	sld [smem:$0x3FB1]  }
0x3d: {  	_ =	shalt  }
0x3e: {  	_ =	shalt  }
0x3f: {  	_ =	shalt  }
0x40: {  	_ =	shalt  }
0x41: {  	_ =	shalt  }
0x42: {  	_ =	shalt  }
0x43: {  	_ =	shalt  }
0x44: {  	_ =	shalt  }
0x45: {  	_ =	shalt  }
0x46: {  	_ =	shalt  }
0x47: {  	_ =	shalt  }
0x48: {  	_ =	shalt  }
0x49: {  	_ =	shalt  }
0x4a: {  	_ =	shalt  }
0x4b: {  	_ =	shalt  }
0x4c: {  	_ =	shalt  }
0x4d: {  	_ =	shalt  }
0x4e: {  	_ =	shalt  }
0x4f: {  	_ =	shalt  }
0x50: {  	_ =	shalt  }
0x51: {  	_ =	shalt  }
0x52: {  	_ =	shalt  }
0x53: {  	_ =	shalt  }
0x54: {  	_ =	shalt  }
0x55: {  	_ =	shalt  }
0x56: {  	_ =	shalt  }
0x57: {  	_ =	shalt  }
0x58: {  	_ =	shalt  }
0x59: {  	_ =	shalt  }
0x5a: {  	_ =	shalt  }
0x5b: {  	_ =	shalt  }
0x5c: {  	_ =	shalt  }
0x5d: {  	_ =	shalt  }
0x5e: {  	_ =	shalt  }
0x5f: {  	_ =	shalt  }
0x60: {  	_ =	shalt  }
0x61: {  	_ =	shalt  }
0x62: {  	_ =	shalt  }
0x63: {  	_ =	shalt  }
0x64: {  	_ =	shalt  }
0x65: {  	_ =	shalt  }
0x66: {  	_ =	shalt  }
0x67: {  	_ =	shalt  }
0x68: {  	_ =	shalt  }
0x69: {  	_ =	shalt  }
0x6a: {  	_ =	shalt  }
0x6b: {  	_ =	shalt  }
0x6c: {  	_ =	shalt  }
0x6d: {  	_ =	shalt  }
0x6e: {  	_ =	shalt  }
0x6f: {  	_ =	shalt  }
0x70: {  	_ =	shalt  }
0x71: {  	_ =	shalt  }
0x72: {  	_ =	shalt  }
0x73: {  	_ =	shalt  }
0x74: {  	_ =	shalt  }
0x75: {  	_ =	shalt  }
0x76: {  	_ =	shalt  }
0x77: {  	_ =	shalt  }
0x78: {  	_ =	shalt  }
0x79: {  	_ =	shalt  }
0x7a: {  	_ =	shalt  }
0x7b: {  	_ =	shalt  }
0x7c: {  	_ =	shalt  }
0x7d: {  	_ =	shalt  }
0x7e: {  	_ =	shalt  }
0x7f: {  	_ =	shalt  }
0x80: {  	_ =	shalt  }
0x81: {  	_ =	shalt  }
0x82: {  	_ =	shalt  }
0x83: {  	_ =	shalt  }
0x84: {  	_ =	shalt  }
0x85: {  	_ =	shalt  }
0x86: {  	_ =	shalt  }
0x87: {  	_ =	shalt  }
.Lfunc_end0:
.L_simem_size_0:
called_computation.2_lowered:
.L_overlay_start_0:
0x88: {  	s2 =	sld [smem:$0x3FD9]  }
0x89: {  	s3 =	sld [smem:$0x3FFE];
	_ =	sdelay $0x1  }
0x8a: {  	s1 =	srdreg.scid  }
0x8b: {  	s0 =	sand.u32 $0x1, s1  }
0x8c: {  	s17 =	sshll.u32 s0, $0xA;
	s2 =	sadd.s32 s3, s2  }
0x8d: {  	s2 =	sadd.s32 s2, s17  }
0x8e: {  	[smem:$0x3FBD] =	sst s2  }
0x8f: {  	_ = 	snop  }
0x90: {  	s2 =	sld [smem:$0x3FD0];
	(tm) =	ssettm $0x1  }
0x91: {  	s18 =	sld [smem:$0x3FFB];
	_ =	sdelay $0x3  }
0x92: {  	_ =	strace s18  }
0x93: {  	s3 =	sld [smem:$0x3FFC];
	_ =	sdelay $0x3  }
0x94: {  	_ =	strace s3  }
0x95: {  	s3 =	sld [smem:$0x3FFD];
	_ =	sdelay $0x3  }
0x96: {  	_ =	strace s3  }
0x97: {  	_ =	strace $0x8FFFFFFF  }
0x98: {  	s19 =	sld [smem:$0x3FDB];
	_ =	sdelay $0x1  }
0x99: {  	s4 =	simm.s32 $_scs_section_size  }
0x9a: {  	s5 =	simm.s32 $_size__tile_overlayer_lowered;
	s6 =	simm.s32 $_tile_overlayer_lowered  }
0x9b: {  	s22 =	simm.s32 $0x1BFF;
	s21 =	sshll.u32 s6, $0x1;
	s3 =	sadd.s32 s4, s19  }
0x9c: {  	s7 =	simm.s32 $0x0;
	s20 =	sshll.u32 s5, $0x1;
	s5 =	sadd.s32 s21, s3  }
0x9d: {  	[timem:s7], [sflag:s22] =	dma.local [hbm:s5], s20  }
0x9e: {  	_ =	swait.ge [sflag:s22], s20  }
0x9f: {  	s4 =	ssub.s32 $0x0, s20;
	[sflag:s22] =	ssyncset.done $0x0  }
0xa0: {  	[sflag:s22] =	ssyncadd.s32 s4;
	_ =	sdelay $0x1  }
0xa1: {  	s23 =	simm.s32 $0x1B8B  }
0xa2: {  	_ =	swait.ge [sflag:s23], $0x1  }
0xa3: {  	[sflag:s23] =	ssyncset.done $0x0  }
0xa4: {  	s25 =	simm.s32 $0x1B8E;
	s24 =	sld [smem:$0x3FFE];
	[sflag:s23] =	ssyncadd.s32 $0xFFFFFFFF  }
0xa5: {  	s26 =	simm.s32 $execute0_lowered;
	[smem:$0x3FD2] =	sst s25  }
0xa6: {  	s5 =	sshll.u32 s26, $0x1;
	_ =	strace $0x8000004C;
	[dreg:$0x1] =	wrdreg $0xFFFFFFFF  }
0xa7: {  	s28 =	simm.s32 $_size_execute0_lowered;
	s3 =	sadd.s32 s3, s5;
	[dreg:$0x0] =	wrdreg $0x0  }
0xa8: {  	s5 =	sshll.u32 s28, $0x1;
	[dreg:$0x2] =	wrdreg s3  }
0xa9: {  	[dreg:$0x3] =	wrdreg s5  }
0xaa: {  	[dreg:$0x4] =	wrdreg $0xC0  }
0xab: {  	_ =	task [dreg:s7], $0x5FFFF  }
0xac: {  	[dreg:$0x1] =	wrdreg $0xFFFFFFFF  }
0xad: {  	[dreg:$0x0] =	wrdreg $0x60  }
0xae: {  	[dreg:$0x2] =	wrdreg s2  }
0xaf: {  	[dreg:$0x3] =	wrdreg s24  }
0xb0: {  	[dreg:$0x4] =	wrdreg $0x0  }
0xb1: {  	[dreg:$0x5] =	wrdreg $0x9  }
0xb2: {  	_ =	task.clear_ibuf [dreg:s7], $0x6FFFF;
	_ =	strace $0x9000004C  }
0xb3: {  	s29 =	simm.s32 $0x9;
	_ =	strace $0x8000004E  }
0xb4: {  	_ =	swait.ge [sflag:s29], $0x1  }
0xb5: {  	[sflag:s29] =	ssyncadd.s32 $0xFFFFFFFF  }
0xb6: {  	_ =	strace $0x9000004E  }
0xb7: {  	_ =	sfence  }
0xb8: {  	s30 =	sld [smem:$0x0];
	_ =	sdelay $0x2  }
0xb9: {  	s31 =	sshll.u32 s1, $0xD;
	s1 =	sshrl.u32 s1, $0x2  }
0xba: {  	s3 =	sand.u32 $0x4000, s31;
	s1 =	sadd.s32 s1, s30  }
0xbb: {  	s0 =	sor.u32 s3, s0;
	s1 =	sshll.u32 s1, $0x11  }
0xbc: {  	s0 =	sor.u32 s1, s0  }
0xbd: {  	s0 =	sadd.s32 $0x8F2B, s0  }
0xbe: {  	[sflag:s0] =	ssyncadd.remote.s32 $0x1  }
0xbf: {  	_ =	sfence.sel $0xFFFF  }
0xc0: {  	[dreg:$0x0] =	wrdreg $0xFFFFFFFF;
	(pc) =	sbr.abs _section_cstart, $3  }
0xc1: {  	[dreg:$0x1] =	wrdreg $0xFFFFFFFF  }
0xc2: {  	_ =	task.clear_ibuf [dreg:s7], $0x2FFFF;
	_ =	strace $0x9FFFFFFF  }
0xc3: {  	(tm) =	ssettm $0x7FFFFFFF  }
tec
execute0_lowered:
.L_overlay_start_1:
0x0: {  	(tag) =	ssettag $0x1  }
0x1: {  	s0 =	rddreg [dreg:$0x1]  }
0x2: {  	s3 =	rddreg [dreg:$0x2];
	s17 =	simm.s32 $0x0  }
0x3: {  	s1 =	srdreg.scid;
	s5 =	stileid.u32;
	s19 =	simm.s32 $0xCE10  }
0x4: {  	s20 =	simm.s32 $0x2;
	s22 =	simm.s32 $0xC800;
	s23 =	simm.s32 $0xCA00  }
0x5: {  	s29 =	simm.s32 $0x80;
	s31 =	simm.s32 $0xF610;
	s21 =	simm.s32 $0x11E10  }
0x6: {  	s12 =	simm.s32 $0xCA80;
	s18 =	simm.s32 $0xCB00;
	[smem:$0x7FF] =	sst s17  }
0x7: {  	s1 =	sand.u32 $0x1, s1;
	s2 =	smul.u32 $0xC800, s5;
	s4 =	sadd.s32 $0x7000, s0  }
0x8: {  	s6 =	sadd.s32 $0x2000, s0;
	s7 =	sadd.s32 $0x89200, s0;
	s8 =	sadd.s32 $0x84200, s0  }
0x9: {  	s10 =	smul.u32 $0x32000, s5;
	s11 =	sadd.s32 $0x84000, s0;
	s14 =	sadd.s32 $0x2010, s0  }
0xa: {  	s15 =	sadd.s32 $0x2020, s0;
	s16 =	sadd.s32 $0x2030, s0;
	s24 =	smul.u32 $0xC8000, s1  }
0xb: {  	_ =	strace $0x8000004D;
	[dreg:$0x6] =	wrdreg s11;
	s11 =	smul.u32 $0x50, s5  }
0xc: {  	[dreg:$0x5] =	wrdreg s4;
	s9 =	ssub.s32 $0x2, s1;
	s13 =	smul.u32 $0x500, s1  }
0xd: {  	s25 =	sshrl.u32 s9, $0x1;
	s10 =	sshrl.u32 s10, $0x2;
	s4 =	sadd.s32 s2, s24  }
0xe: {  	s9 =	ssub.s32 s9, s25;
	s25 =	sadd.s32 s2, s3;
	s26 =	sadd.s32 s10, s3  }
0xf: {  	s4 =	sshrl.u32 s4, $0x3;
	s2 =	sadd.s32 $0xA000, s26;
	[dreg:$0x7] =	wrdreg s25  }
0x10: {  	s30 =	smax.u32 s9, $0x1;
	s4 =	sadd.s32 s4, s0;
	[dreg:$0x8] =	wrdreg s2  }
0x11: {  	s24 =	simm.s32 $0x1;
	[dreg:$0xa] =	wrdreg s30;
	s28 =	sadd.s32 $0xBB200, s4  }
0x12: {  	v0 =	vimm.f32 $0.0e+00;
	s9 =	simm.s32 $0x14610;
	s4 =	simm.s32 $0xCB80;
	[dreg:$0x9] =	wrdreg s28  }
.LBB2_1:
0x13: {  	[dreg:$0x4] =	wrdreg s17;
	s2 =	simm.s32 $0x140;
	s0 =	simm.s32 $0x0  }
.LBB2_2:
0x14: {  	p0 =	sne.s32 s2, $0x27EC0;
	[tilespmem:s0+$0xCE50] =	vst v0;
	s17 =	smov.u32 s2;
	s2 =	sadd.s32 $0x140, s2  }
.Ltmp0:
0x15: {  	[tilespmem:s0+$0xCE40] =	vst v0;
	(pc) =	sbr.rel @p0 .LBB2_2-.Ltmp0, $4  }
0x16: {  	[tilespmem:s0+$0xCE30] =	vst v0  }
0x17: {  	[tilespmem:s0+$0xCE10] =	vst v0  }
0x18: {  	[tilespmem:s0+$0xCE20] =	vst v0  }
0x19: {  	s0 =	sshra.s32 s17, $0x2  }
0x1a: {  	[tilespmem:s0+$0xCE50] =	vst v0  }
0x1b: {  	[tilespmem:s0+$0xCE40] =	vst v0  }
0x1c: {  	[tilespmem:s0+$0xCE30] =	vst v0  }
0x1d: {  	[tilespmem:s0+$0xCE10] =	vst v0  }
0x1e: {  	[tilespmem:s0+$0xCE20] =	vst v0  }
0x1f: {  	[spmem:s25] =	stream.linear.scatter [tilespmem:s19], [sflag:$0x2], $0xA000, $0x38;
	[tilespmem:$0x19210] =	vst v63  }
0x20: {  	_ =	swait.ge [sflag:s20], $0xA000  }
0x21: {  	[sflag:s20] =	ssyncset.done $0x0  }
0x22: {  	s26 =	rddreg [dreg:$0x8];
	[sflag:s20] =	ssyncadd.s32 $0xFFFF6000  }
0x23: {  	[spmem:s26] =	stream.linear.scatter [tilespmem:s19], [sflag:$0x2], $0x2800, $0x38;
	[tilespmem:$0x19210] =	vst v63  }
0x24: {  	_ =	swait.ge [sflag:s20], $0x2800  }
0x25: {  	s1 =	simm.s32 $0x18E10;
	[sflag:s20] =	ssyncset.done $0x0  }
0x26: {  	s25 =	simm.s32 $0x0;
	s30 =	rddreg [dreg:$0x6];
	[sflag:s20] =	ssyncadd.s32 $0xFFFFD800  }
0x27: {  	[tilespmem:s1], [sflag:$0x2] =	stream.linear.gather [hbm4b:s30+s25], $0x400, $0x38;
	[tilespmem:$0x19210] =	vst v63  }
0x28: {  	_ =	swait.ge [sflag:s20], $0x400  }
0x29: {  	[sflag:s20] =	ssyncset.done $0x0  }
0x2a: {  	[sflag:s20] =	ssyncadd.s32 $0xFFFFFC00  }
0x2b: {  	[bflag:$0x0] =	sbarrier.arrive $0xFFFF  }
0x2c: {  	v1 =	vld [tilespmem:$0x18E10];
	_ =	sdelay $0x4  }
0x2d: {  	(v2sf) =	vpush v1, $0x0;
	_ =	sdelay $0xe  }
0x2e: {  	s28 =	simm.s32 $0x0;
	s26 =	spop (v2sf)  }
.LBB2_4:
0x2f: {  	s0 =	sshll.u32 s28, $0x2  }
0x30: {  	s0 =	sadd.s32 s11, s0  }
0x31: {  	s2 =	sadd.s32 s13, s0  }
0x32: {  	s1 =	rddreg [dreg:$0x0];
	s2 =	sshll.u32 s2, $0x4  }
0x33: {  	s2 =	sadd.s32 s1, s2  }
0x34: {  	[tilespmem:s22], [sflag:$0x2] =	stream.linear.gather [hbm4b:s2+s25], $0x200, $0x38;
	[tilespmem:$0x19210] =	vst v63  }
0x35: {  	_ =	swait.ge [sflag:s20], $0x200  }
0x36: {  	s0 =	sshll.u32 s0, $0x4;
	[sflag:s20] =	ssyncset.done $0x0;
	s10 =	rddreg [dreg:$0x5]  }
0x37: {  	[sflag:s20] =	ssyncadd.s32 $0xFFFFFE00;
	s17 =	sadd.s32 s10, s0  }
0x38: {  	[tilespmem:s23], [sflag:$0x2] =	stream.linear.gather [hbm4b:s17+s25], $0x200, $0x38;
	[tilespmem:$0x19210] =	vst v63  }
0x39: {  	_ =	swait.ge [sflag:s20], $0x200  }
0x3a: {  	[sflag:s20] =	ssyncset.done $0x0  }
0x3b: {  	s5 =	simm.s32 $0xCC00;
	s1 =	sadd.s32 s6, s0;
	[sflag:s20] =	ssyncadd.s32 $0xFFFFFE00  }
0x3c: {  	[tilespmem:s5], [sflag:$0x2] =	stream.linear.gather [hbm4b:s1+s25], $0x80, $0x38;
	[tilespmem:$0x19210] =	vst v63  }
0x3d: {  	_ =	swait.ge [sflag:s20], $0x80  }
0x3e: {  	[sflag:s20] =	ssyncset.done $0x0  }
0x3f: {  	s10 =	sadd.s32 s0, s14;
	s17 =	simm.s32 $0xCC80;
	[sflag:s20] =	ssyncadd.s32 $0xFFFFFF80  }
0x40: {  	[tilespmem:s17], [sflag:$0x2] =	stream.linear.gather [hbm4b:s10+s25], $0x80, $0x38;
	[tilespmem:$0x19210] =	vst v63  }
0x41: {  	_ =	swait.ge [sflag:s20], $0x80  }
0x42: {  	[sflag:s20] =	ssyncset.done $0x0  }
0x43: {  	s1 =	sadd.s32 s0, s15;
	s5 =	simm.s32 $0xCD00;
	[sflag:s20] =	ssyncadd.s32 $0xFFFFFF80  }
0x44: {  	[tilespmem:s5], [sflag:$0x2] =	stream.linear.gather [hbm4b:s1+s25], $0x80, $0x38;
	[tilespmem:$0x19210] =	vst v63  }
0x45: {  	_ =	swait.ge [sflag:s20], $0x80  }
0x46: {  	[sflag:s20] =	ssyncset.done $0x0  }
0x47: {  	s0 =	sadd.s32 s0, s16;
	s10 =	simm.s32 $0xCD80;
	[sflag:s20] =	ssyncadd.s32 $0xFFFFFF80  }
0x48: {  	[tilespmem:s10], [sflag:$0x2] =	stream.linear.gather [hbm4b:s0+s25], $0x80, $0x38;
	[tilespmem:$0x19210] =	vst v63  }
0x49: {  	_ =	swait.ge [sflag:s20], $0x80  }
0x4a: {  	[sflag:s20] =	ssyncset.done $0x0  }
0x4b: {  	[sflag:s20] =	ssyncadd.s32 $0xFFFFFF80  }
0x4c: {  	[tilespmem:s19], [sflag:$0x1] =	stream.indirect.gather [hbm4b:s7+s29], $0x50, s22, s29, $0xb8;
	[tilespmem:$0x19210] =	vst v63  }
0x4d: {  	s17 =	simm.s32 $0xC880  }
0x4e: {  	[tilespmem:s31], [sflag:$0x1] =	stream.indirect.gather [hbm4b:s7+s29], $0x50, s17, s29, $0xb8;
	[tilespmem:$0x19210] =	vst v63  }
0x4f: {  	s1 =	simm.s32 $0xC900  }
0x50: {  	[tilespmem:s21], [sflag:$0x1] =	stream.indirect.gather [hbm4b:s7+s29], $0x50, s1, s29, $0xb8;
	[tilespmem:$0x19210] =	vst v63  }
0x51: {  	s2 =	simm.s32 $0xC980  }
0x52: {  	[tilespmem:s9], [sflag:$0x1] =	stream.indirect.gather [hbm4b:s7+s29], $0x50, s2, s29, $0xb8;
	[tilespmem:$0x19210] =	vst v63  }
0x53: {  	s30 =	simm.s32 $0x16E10  }
0x54: {  	[tilespmem:s30], [sflag:$0x1] =	stream.indirect.gather [hbm4b:s8+s29], $0x10, s23, s29, $0xb8;
	[tilespmem:$0x19210] =	vst v63  }
0x55: {  	s5 =	simm.s32 $0x17610  }
0x56: {  	[tilespmem:s5], [sflag:$0x1] =	stream.indirect.gather [hbm4b:s8+s29], $0x10, s12, s29, $0xb8;
	[tilespmem:$0x19210] =	vst v63  }
0x57: {  	s10 =	simm.s32 $0x17E10  }
0x58: {  	[tilespmem:s10], [sflag:$0x1] =	stream.indirect.gather [hbm4b:s8+s29], $0x10, s18, s29, $0xb8;
	[tilespmem:$0x19210] =	vst v63  }
0x59: {  	s17 =	simm.s32 $0x18610  }
0x5a: {  	[tilespmem:s17], [sflag:$0x1] =	stream.indirect.gather [hbm4b:s8+s29], $0x10, s4, s29, $0xb8;
	[tilespmem:$0x19210] =	vst v63  }
0x5b: {  	_ =	swait.ge [sflag:s24], $0x2800  }
0x5c: {  	[sflag:s24] =	ssyncset.done $0x0  }
0x5d: {  	[sflag:s24] =	ssyncadd.s32 $0xFFFFD800  }
0x5e: {  	_ =	swait.ge [sflag:s24], $0x2800  }
0x5f: {  	[sflag:s24] =	ssyncset.done $0x0  }
0x60: {  	[sflag:s24] =	ssyncadd.s32 $0xFFFFD800  }
0x61: {  	_ =	swait.ge [sflag:s24], $0x2800  }
0x62: {  	[sflag:s24] =	ssyncset.done $0x0  }
0x63: {  	[sflag:s24] =	ssyncadd.s32 $0xFFFFD800  }
0x64: {  	_ =	swait.ge [sflag:s24], $0x2800  }
0x65: {  	[sflag:s24] =	ssyncset.done $0x0  }
0x66: {  	[sflag:s24] =	ssyncadd.s32 $0xFFFFD800  }
0x67: {  	_ =	swait.ge [sflag:s24], $0x800  }
0x68: {  	[sflag:s24] =	ssyncset.done $0x0  }
0x69: {  	[sflag:s24] =	ssyncadd.s32 $0xFFFFF800  }
0x6a: {  	_ =	swait.ge [sflag:s24], $0x800  }
0x6b: {  	[sflag:s24] =	ssyncset.done $0x0  }
0x6c: {  	[sflag:s24] =	ssyncadd.s32 $0xFFFFF800  }
0x6d: {  	_ =	swait.ge [sflag:s24], $0x800  }
0x6e: {  	[sflag:s24] =	ssyncset.done $0x0  }
0x6f: {  	[sflag:s24] =	ssyncadd.s32 $0xFFFFF800  }
0x70: {  	_ =	swait.ge [sflag:s24], $0x800  }
0x71: {  	[sflag:s24] =	ssyncset.done $0x0  }
0x72: {  	s0 =	simm.s32 $0xCE30;
	[sflag:s24] =	ssyncadd.s32 $0xFFFFF800  }
0x73: {  	v1 =	vld [tilespmem:s0+$0x20]  }
0x74: {  	s1 =	simm.s32 $0x0;
	v2 =	vld [tilespmem:s30+$0x0]  }
0x75: {  	v3 =	vld [tilespmem:s1+$0xCC00];
	_ =	sdelay $0x2  }
0x76: {  	(v2sf) =	vpush v1, $0x1  }
0x77: {  	(v2sf) =	vpush v2, $0x0  }
0x78: {  	(v2sf) =	vpush v3, $0x0;
	_ =	sdelay $0xc  }
0x79: {  	s5 =	spop (v2sf)  }
0x7a: {  	s17 =	spop (v2sf)  }
0x7b: {  	s10 =	spop (v2sf)  }
0x7c: {  	s2 =	sadd.f32 s17, s5;
	s10 =	smul.f32 s10, s26  }
0x7d: {  	_ = 	snop  }
0x7e: {  	s2 =	sadd.f32 s10, s2;
	_ =	sdelay $0x1  }
0x7f: {  	p0 =	sge.f32 s2, $0.0e+00;
	s10 =	smul.f32 $2.000000030e-01, s2  }
0x80: {  	_ = 	snop  }
0x81: {  	s10 =	smov.u32 @p0 s2  }
0x82: {  	v2 =	vmov s10  }
0x83: {  	v2 =	vmul.f32 $1.442695020e+00, v2;
	_ =	sdelay $0x1  }
0x84: {  	v2 =	vbroadcast v2, $0x0;
	_ =	sdelay $0x1  }
0x85: {  	(erf) = vpow2.f32 v2;
	_ =	sdelay $0x3  }
0x86: {  	v5 =	vld [tilespmem:s0+$0x10]  }
0x87: {  	v3 =	vld [tilespmem:s0+$0xFFFFFFE0]  }
0x88: {  	v7 =	vld [tilespmem:s0+$0x0]  }
0x89: {  	v4 =	vld [tilespmem:s0+$0xFFFFFFF0];
	_ =	sdelay $0x1  }
0x8a: {  	v2 =	vpop (erf)  }
0x8b: {  	v6 =	vmul.f32 v2, v3;
	v3 =	vmul.f32 v2, v1  }
0x8c: {  	s17 =	simm.s32 $0xCE30;
	s2 =	simm.s32 $0x4;
	v1 =	vmul.f32 v2, v7;
	v5 =	vmul.f32 v2, v5  }
.LBB2_5:
0x8d: {  	p0 =	sne.s32 s2, $0x7FC;
	[tilespmem:s0+$0xFFFFFFE0] =	vst v6;
	v2 =	vmul.f32 v2, v4;
	s30 =	sadd.s32 $0x10, s30;
	s17 =	sadd.s32 $0x50, s17  }
0x8e: {  	s10 =	smov.u32 s2;
	s2 =	sadd.s32 $0x4, s2;
	[tilespmem:s0+$0x20] =	vst v3  }
0x8f: {  	[tilespmem:s0+$0x10] =	vst v5  }
0x90: {  	[tilespmem:s0+$0xFFFFFFF0] =	vst v2  }
0x91: {  	v3 =	vld [tilespmem:s17+$0x20];
	[tilespmem:s0+$0x0] =	vst v1;
	s0 =	smov.u32 s17  }
0x92: {  	s10 =	sshra.s32 s10, $0x2;
	v1 =	vld [tilespmem:s30+$0x0]  }
0x93: {  	v2 =	vld [tilespmem:s10+$0xCC00];
	_ =	sdelay $0x2  }
0x94: {  	(v2sf) =	vpush v3, $0x1  }
0x95: {  	(v2sf) =	vpush v1, $0x0  }
0x96: {  	(v2sf) =	vpush v2, $0x0;
	_ =	sdelay $0xc  }
0x97: {  	s10 =	spop (v2sf)  }
0x98: {  	s1 =	spop (v2sf)  }
0x99: {  	s5 =	spop (v2sf)  }
0x9a: {  	s1 =	sadd.f32 s1, s10;
	s5 =	smul.f32 s5, s26  }
0x9b: {  	_ = 	snop  }
0x9c: {  	s1 =	sadd.f32 s5, s1;
	_ =	sdelay $0x1  }
0x9d: {  	p1 =	sge.f32 s1, $0.0e+00;
	s5 =	smul.f32 $2.000000030e-01, s1  }
0x9e: {  	_ = 	snop  }
0x9f: {  	s5 =	smov.u32 @p1 s1  }
0xa0: {  	v1 =	vmov s5  }
0xa1: {  	v1 =	vmul.f32 $1.442695020e+00, v1;
	_ =	sdelay $0x1  }
0xa2: {  	v1 =	vbroadcast v1, $0x0;
	_ =	sdelay $0x1  }
0xa3: {  	(erf) = vpow2.f32 v1;
	_ =	sdelay $0x3  }
0xa4: {  	v1 =	vld [tilespmem:s17+$0xFFFFFFE0]  }
0xa5: {  	v5 =	vld [tilespmem:s17+$0x10]  }
0xa6: {  	v7 =	vld [tilespmem:s17+$0x0]  }
.Ltmp1:
0xa7: {  	v4 =	vld [tilespmem:s17+$0xFFFFFFF0];
	(pc) =	sbr.rel @p0 .LBB2_5-.Ltmp1, $4  }
0xa8: {  	_ = 	snop  }
0xa9: {  	v2 =	vpop (erf)  }
0xaa: {  	v6 =	vmul.f32 v2, v1;
	v3 =	vmul.f32 v2, v3  }
0xab: {  	v5 =	vmul.f32 v2, v5;
	v1 =	vmul.f32 v2, v7  }
0xac: {  	[tilespmem:s0+$0xFFFFFFE0] =	vst v6  }
0xad: {  	[tilespmem:s0+$0x20] =	vst v3  }
0xae: {  	v2 =	vmul.f32 v2, v4;
	[tilespmem:s0+$0x10] =	vst v5  }
0xaf: {  	[tilespmem:s0+$0x0] =	vst v1  }
0xb0: {  	[tilespmem:s0+$0xFFFFFFF0] =	vst v2  }
0xb1: {  	[spmem:s3] =	stream.indirect.scatter.add.f32 [tilespmem:s19], [sflag:$0x2], $0x50, s23, s29, $0xb8;
	[tilespmem:$0x19210] =	vst v63  }
0xb2: {  	_ =	swait.ge [sflag:s20], $0x2800  }
0xb3: {  	[sflag:s20] =	ssyncset.done $0x0  }
0xb4: {  	[sflag:s20] =	ssyncadd.s32 $0xFFFFD800  }
0xb5: {  	[spmem:s3] =	stream.indirect.scatter.add.f32 [tilespmem:s31], [sflag:$0x2], $0x50, s12, s29, $0xb8;
	[tilespmem:$0x19210] =	vst v63  }
0xb6: {  	_ =	swait.ge [sflag:s20], $0x2800  }
0xb7: {  	[sflag:s20] =	ssyncset.done $0x0  }
0xb8: {  	[sflag:s20] =	ssyncadd.s32 $0xFFFFD800  }
0xb9: {  	[spmem:s3] =	stream.indirect.scatter.add.f32 [tilespmem:s21], [sflag:$0x2], $0x50, s18, s29, $0xb8;
	[tilespmem:$0x19210] =	vst v63  }
0xba: {  	s28 =	sadd.s32 $0x1, s28;
	_ =	swait.ge [sflag:s20], $0x2800  }
0xbb: {  	p0 =	sne.s32 s28, $0x14;
	[sflag:s20] =	ssyncset.done $0x0  }
.Ltmp2:
0xbc: {  	[sflag:s20] =	ssyncadd.s32 $0xFFFFD800;
	(pc) =	sbr.rel @p0 .LBB2_4-.Ltmp2, $4  }
0xbd: {  	[spmem:s3] =	stream.indirect.scatter.add.f32 [tilespmem:s9], [sflag:$0x2], $0x50, s4, s29, $0xb8;
	[tilespmem:$0x19210] =	vst v63  }
0xbe: {  	_ =	swait.ge [sflag:s20], $0x2800  }
0xbf: {  	[sflag:s20] =	ssyncset.done $0x0  }
0xc0: {  	[sflag:s20] =	ssyncadd.s32 $0xFFFFD800  }
0xc1: {  	s0 =	stileid.u32;
	[bflag:$0x0] =	sbarrier.arrive $0xFFFF  }
0xc2: {  	s0 =	sshll.u32 s0, $0x6;
	s25 =	rddreg [dreg:$0x7]  }
0xc3: {  	s2 =	rddreg [dreg:$0x9];
	s0 =	sor.u32 $0x1C02, s0;
	s1 =	sshrl.u32 s25, $0x3  }
0xc4: {  	[hbm:s2], [sflag:s0] =	dma.local [spmem:s1], $0x1900  }
0xc5: {  	_ =	swait.ge [sflag:s20], $0x1900  }
0xc6: {  	s17 =	rddreg [dreg:$0x4]  }
0xc7: {  	s30 =	rddreg [dreg:$0xa];
	s17 =	sadd.s32 $0x1, s17  }
0xc8: {  	p0 =	sne.s32 s17, s30  }
.Ltmp3:
0xc9: {  	_ = 	snop;
	(pc) =	sbr.rel @p0 .LBB2_1-.Ltmp3, $3  }
0xca: {  	_ =	sdelay $0x1  }
0xcb: {  	[sflag:s20] =	ssyncset.done $0x0  }
0xcc: {  	[sflag:s20] =	ssyncadd.s32 $0xFFFFE700  }
0xcd: {  	_ =	sfence.sel $0x180000  }
0xce: {  	[bflag:$0x0] =	sbarrier.arrive $0xFFFF  }
0xcf: {  	_ =	strace $0x9000004D  }
0xd0: {  	s0 =	stileid.u32;
	[bflag:$0x2] =	sbarrier.arrive $0xFFFF  }
0xd1: {  	p0 =	sne.s32 s0, $0x0;
	s0 =	rddreg [dreg:$0x3]  }
0xd2: {  	s0 =	sadd.s32 @!p0 $0x100000, s0  }
0xd3: {  	[sflag:s0] =	ssyncadd.tile.s32 @!p0 $0x1;
	_ =	shalt  }
.Lfunc_end2:
_tile_overlayer_lowered:
.L_overlay_start_2:
0xd4: {  	(tag) =	ssettag $0x2  }
0xd5: {  	s0 =	rddreg [dreg:$0x0];
	s2 =	stileid.u32  }
0xd6: {  	s1 =	rddreg [dreg:$0x1];
	p0 =	sne.s32 s2, $0x0  }
0xd7: {  	s3 =	rddreg [dreg:$0x2];
	[bflag:$0x3] =	sbarrier.arrive $0xFFFF;
	s2 =	simm.s32 @!p0 $0x1C02  }
0xd8: {  	[timem:s3], [sflag:s2] =	dma.local @!p0 [hbm:s0], s1  }
0xd9: {  	s0 =	simm.s32 @!p0 $0x2  }
0xda: {  	_ =	swait.ge @!p0 [sflag:s0], s1  }
0xdb: {  	s1 =	ssub.s32 @!p0 $0x0, s1;
	[sflag:s0] =	ssyncset.done @!p0 $0x0  }
0xdc: {  	[sflag:s0] =	ssyncadd.s32 @!p0 s1  }
0xdd: {  	[bflag:$0x3] =	sbarrier.arrive $0xFFFF  }
0xde: {  	_ =	shalt  }

// kernel: kernel.8.cloned.1.call-start
scs
__scs_entry_jumppad:
0x0: {  	(pc) =	sbr.rel $0x88, $3  }
0x1: {  	(tag) =	ssettag $0x0;
	lr =	simm.s32 $0x1  }
0x2: {  	[smem:$0x3F96] =	sst lr;
	_ =	strace $0xD0000000  }
0x3: {  	_ = 	snop  }
0x4: {  	_ = 	snop  }
0x5: {  	_ = 	snop  }
0x6: {  	_ = 	snop  }
0x7: {  	_ = 	snop  }
__scs_overlays_trampoline_lowered:
0x8: {  	[smem:$0x3FA5] =	sst s0  }
0x9: {  	[smem:$0x3FA6] =	sst s1  }
0xa: {  	[smem:$0x3FA7] =	sst s2  }
0xb: {  	[smem:$0x3FA8] =	sst s3  }
0xc: {  	[smem:$0x3FA9] =	sst s4  }
0xd: {  	[smem:$0x3FAA] =	sst s5  }
0xe: {  	[smem:$0x3FAB] =	sst s6  }
0xf: {  	[smem:$0x3FAC] =	sst s7  }
0x10: {  	[smem:$0x3FAD] =	sst s8  }
0x11: {  	[smem:$0x3FAE] =	sst s9;
	s0 =	simm.s32 @!p0 $0x0  }
0x12: {  	s1 =	sld [smem:$0x3F94];
	s0 =	simm.s32 @p0 $0x1  }
0x13: {  	[smem:$0x3FAF] =	sst s0;
	s0 =	simm.s32 @!p1 $0x0  }
0x14: {  	s2 =	sld [smem:$0x3F93];
	s0 =	simm.s32 @p1 $0x1  }
0x15: {  	[smem:$0x3FB0] =	sst s0;
	s0 =	simm.s32 @!p2 $0x0  }
0x16: {  	s3 =	sld [smem:$0x3FDB];
	s0 =	simm.s32 @p2 $0x1  }
0x17: {  	s4 =	simm.s32 $0x1BF5;
	[smem:$0x3FB2] =	sst s0  }
0x18: {  	s0 =	sld [smem:$0x3F95];
	_ =	swait.ge [sflag:s4], $0x0  }
0x19: {  	s7 =	sld [smem:$0x3F96]  }
0x1a: {  	s8 =	sadd.s32 $0xFFFFE003, lr  }
0x1b: {  	s9 =	sadd.s32 $0xFFFFFEF7, lr;
	s5 =	simm.s32 $0xFFFFFFFF;
	p2 =	slt.u32 s8, $0xFFFFF086  }
0x1c: {  	p1 =	slt.u32 s9, $0xF7A;
	s5 =	simm.s32 @!p2 $0x0  }
0x1d: {  	s5 =	simm.s32 @p1 $0x1;
	p0 =	seq.s32 s7, s2  }
0x1e: {  	s7 =	smul.u32 @!p0 $0xF7A, s2;
	p2 =	seq.s32 @!p0 s5, $0x0  }
0x1f: {  	s9 =	smul.u32 $0xF7A, s1;
	s8 =	simm.s32 @!p0 $0x1BF5;
	p2 =	por !p2, p0  }
0x20: {  	[sflag:s8] =	ssyncset.s32 @!p0 $0xFFFFF086;
	s6 =	sadd.s32 @!p0 s3, s7;
	s7 =	simm.s32 @!p0 $0x108  }
0x21: {  	s3 =	sadd.s32 s3, s9;
	s6 =	sadd.s32 @!p0 $0x88, s6;
	s7 =	simm.s32 @p2 $0x1082  }
0x22: {  	[simem:s7], [sflag:s8] =	dma.local @!p0 [hbm:s6], $0xF7A  }
0x23: {  	s9 =	sor.u32 $0xD0000000, s2;
	s6 =	simm.s32 $0x108;
	_ =	swait.ge @!p0 [sflag:s8], $0x0  }
0x24: {  	s3 =	sadd.s32 $0x88, s3;
	s6 =	simm.s32 @!p1 $0x1082;
	[sflag:s4] =	ssyncset.s32 $0xFFFFF086  }
0x25: {  	[simem:s6], [sflag:s4] =	dma.local [hbm:s3], $0xF7A  }
0x26: {  	[smem:$0x3F96] =	sst s1;
	(tag) =	ssettag s2;
	_ =	strace s9  }
0x27: {  	s1 =	sld [smem:$0x3FA6]  }
0x28: {  	s2 =	sld [smem:$0x3FA7]  }
0x29: {  	s4 =	sld [smem:$0x3FA9]  }
0x2a: {  	p0 =	seq.s32 s5, $0x0;
	s5 =	sld [smem:$0x3FAA]  }
0x2b: {  	s6 =	sld [smem:$0x3FAB]  }
0x2c: {  	s7 =	sld [smem:$0x3FAC]  }
0x2d: {  	s3 =	simm.s32 $0x108;
	s8 =	sld [smem:$0x3FAD]  }
0x2e: {  	s3 =	simm.s32 @!p0 $0x1082;
	s9 =	sld [smem:$0x3FAE]  }
0x2f: {  	lr =	sadd.s32 s0, s3;
	s0 =	sld [smem:$0x3FA5]  }
0x30: {  	s3 =	sld [smem:$0x3FA8]  }
0x31: {  	[smem:$0x3FB1] =	sst s10  }
0x32: {  	s10 =	sld [smem:$0x3FAF];
	_ =	sdelay $0x3  }
0x33: {  	p0 =	seq.s32 s10, $0x1;
	s10 =	sld [smem:$0x3FB1];
	_ =	sdelay $0x3  }
0x34: {  	[smem:$0x3FB1] =	sst s10  }
0x35: {  	s10 =	sld [smem:$0x3FB0];
	_ =	sdelay $0x3  }
0x36: {  	p1 =	seq.s32 s10, $0x1;
	s10 =	sld [smem:$0x3FB1];
	_ =	sdelay $0x3  }
0x37: {  	[smem:$0x3FB1] =	sst s10  }
0x38: {  	s10 =	sld [smem:$0x3FB2]  }
0x39: {  	_ = 	snop;
	(pc) =	sbr.ind lr, $3  }
0x3a: {  	_ = 	snop  }
0x3b: {  	_ = 	snop  }
0x3c: {  	p2 =	seq.s32 s10, $0x1;
	s10 =	sld [smem:$0x3FB1]  }
0x3d: {  	_ =	shalt  }
0x3e: {  	_ =	shalt  }
0x3f: {  	_ =	shalt  }
0x40: {  	_ =	shalt  }
0x41: {  	_ =	shalt  }
0x42: {  	_ =	shalt  }
0x43: {  	_ =	shalt  }
0x44: {  	_ =	shalt  }
0x45: {  	_ =	shalt  }
0x46: {  	_ =	shalt  }
0x47: {  	_ =	shalt  }
0x48: {  	_ =	shalt  }
0x49: {  	_ =	shalt  }
0x4a: {  	_ =	shalt  }
0x4b: {  	_ =	shalt  }
0x4c: {  	_ =	shalt  }
0x4d: {  	_ =	shalt  }
0x4e: {  	_ =	shalt  }
0x4f: {  	_ =	shalt  }
0x50: {  	_ =	shalt  }
0x51: {  	_ =	shalt  }
0x52: {  	_ =	shalt  }
0x53: {  	_ =	shalt  }
0x54: {  	_ =	shalt  }
0x55: {  	_ =	shalt  }
0x56: {  	_ =	shalt  }
0x57: {  	_ =	shalt  }
0x58: {  	_ =	shalt  }
0x59: {  	_ =	shalt  }
0x5a: {  	_ =	shalt  }
0x5b: {  	_ =	shalt  }
0x5c: {  	_ =	shalt  }
0x5d: {  	_ =	shalt  }
0x5e: {  	_ =	shalt  }
0x5f: {  	_ =	shalt  }
0x60: {  	_ =	shalt  }
0x61: {  	_ =	shalt  }
0x62: {  	_ =	shalt  }
0x63: {  	_ =	shalt  }
0x64: {  	_ =	shalt  }
0x65: {  	_ =	shalt  }
0x66: {  	_ =	shalt  }
0x67: {  	_ =	shalt  }
0x68: {  	_ =	shalt  }
0x69: {  	_ =	shalt  }
0x6a: {  	_ =	shalt  }
0x6b: {  	_ =	shalt  }
0x6c: {  	_ =	shalt  }
0x6d: {  	_ =	shalt  }
0x6e: {  	_ =	shalt  }
0x6f: {  	_ =	shalt  }
0x70: {  	_ =	shalt  }
0x71: {  	_ =	shalt  }
0x72: {  	_ =	shalt  }
0x73: {  	_ =	shalt  }
0x74: {  	_ =	shalt  }
0x75: {  	_ =	shalt  }
0x76: {  	_ =	shalt  }
0x77: {  	_ =	shalt  }
0x78: {  	_ =	shalt  }
0x79: {  	_ =	shalt  }
0x7a: {  	_ =	shalt  }
0x7b: {  	_ =	shalt  }
0x7c: {  	_ =	shalt  }
0x7d: {  	_ =	shalt  }
0x7e: {  	_ =	shalt  }
0x7f: {  	_ =	shalt  }
0x80: {  	_ =	shalt  }
0x81: {  	_ =	shalt  }
0x82: {  	_ =	shalt  }
0x83: {  	_ =	shalt  }
0x84: {  	_ =	shalt  }
0x85: {  	_ =	shalt  }
0x86: {  	_ =	shalt  }
0x87: {  	_ =	shalt  }
.Lfunc_end0:
.L_simem_size_0:
called_computation_lowered:
.L_overlay_start_0:
0x88: {  	s2 =	sld [smem:$0x3FD9]  }
0x89: {  	s3 =	sld [smem:$0x3FFE];
	_ =	sdelay $0x1  }
0x8a: {  	s1 =	srdreg.scid  }
0x8b: {  	s0 =	sand.u32 $0x1, s1  }
0x8c: {  	s16 =	sshll.u32 s0, $0xA;
	s2 =	sadd.s32 s3, s2  }
0x8d: {  	s2 =	sadd.s32 s2, s16  }
0x8e: {  	[smem:$0x3FBD] =	sst s2  }
0x8f: {  	_ = 	snop  }
0x90: {  	(tm) =	ssettm $0x1  }
0x91: {  	s17 =	sld [smem:$0x3FFB];
	_ =	sdelay $0x3  }
0x92: {  	_ =	strace s17  }
0x93: {  	s2 =	sld [smem:$0x3FFC];
	_ =	sdelay $0x3  }
0x94: {  	_ =	strace s2  }
0x95: {  	s2 =	sld [smem:$0x3FFD];
	_ =	sdelay $0x3  }
0x96: {  	_ =	strace s2  }
0x97: {  	_ =	strace $0x8FFFFFFF  }
0x98: {  	s18 =	sld [smem:$0x3FDB];
	_ =	sdelay $0x1  }
0x99: {  	s19 =	simm.s32 $_scs_section_size  }
0x9a: {  	s4 =	simm.s32 $_size__tile_overlayer_lowered;
	s5 =	simm.s32 $_tile_overlayer_lowered  }
0x9b: {  	s22 =	simm.s32 $0x1BFF;
	s21 =	sshll.u32 s5, $0x1;
	s2 =	sadd.s32 s19, s18  }
0x9c: {  	s6 =	simm.s32 $0x0;
	s20 =	sshll.u32 s4, $0x1;
	s4 =	sadd.s32 s21, s2  }
0x9d: {  	[timem:s6], [sflag:s22] =	dma.local [hbm:s4], s20  }
0x9e: {  	_ =	swait.ge [sflag:s22], s20  }
0x9f: {  	s3 =	ssub.s32 $0x0, s20;
	[sflag:s22] =	ssyncset.done $0x0  }
0xa0: {  	[sflag:s22] =	ssyncadd.s32 s3;
	_ =	sdelay $0x1  }
0xa1: {  	s23 =	simm.s32 $0x1B8B  }
0xa2: {  	_ =	swait.ge [sflag:s23], $0x1  }
0xa3: {  	[sflag:s23] =	ssyncset.done $0x0  }
0xa4: {  	s25 =	simm.s32 $0x1B8E;
	s24 =	sld [smem:$0x3FFE];
	[sflag:s23] =	ssyncadd.s32 $0xFFFFFFFF  }
0xa5: {  	s26 =	simm.s32 $execute0_lowered;
	[smem:$0x3FD2] =	sst s25  }
0xa6: {  	s4 =	sshll.u32 s26, $0x1;
	_ =	strace $0x80000046;
	[dreg:$0x1] =	wrdreg $0xFFFFFFFF  }
0xa7: {  	s28 =	simm.s32 $_size_execute0_lowered;
	s2 =	sadd.s32 s2, s4;
	[dreg:$0x0] =	wrdreg $0x0  }
0xa8: {  	s4 =	sshll.u32 s28, $0x1;
	[dreg:$0x2] =	wrdreg s2  }
0xa9: {  	[dreg:$0x3] =	wrdreg s4  }
0xaa: {  	[dreg:$0x4] =	wrdreg $0xC0  }
0xab: {  	_ =	task [dreg:s6], $0x5FFFF  }
0xac: {  	[dreg:$0x1] =	wrdreg $0xFFFFFFFF  }
0xad: {  	[dreg:$0x0] =	wrdreg $0x60  }
0xae: {  	[dreg:$0x2] =	wrdreg s24  }
0xaf: {  	[dreg:$0x3] =	wrdreg $0x0  }
0xb0: {  	[dreg:$0x4] =	wrdreg $0x9  }
0xb1: {  	_ =	task.clear_ibuf [dreg:s6], $0x5FFFF;
	_ =	strace $0x90000046  }
0xb2: {  	s29 =	simm.s32 $0x9;
	_ =	strace $0x80000048  }
0xb3: {  	_ =	swait.ge [sflag:s29], $0x1  }
0xb4: {  	[sflag:s29] =	ssyncadd.s32 $0xFFFFFFFF  }
0xb5: {  	_ =	strace $0x90000048  }
0xb6: {  	_ =	sfence  }
0xb7: {  	s30 =	sld [smem:$0x0];
	_ =	sdelay $0x2  }
0xb8: {  	s31 =	sshll.u32 s1, $0xD;
	s1 =	sshrl.u32 s1, $0x2  }
0xb9: {  	s3 =	sand.u32 $0x4000, s31;
	s1 =	sadd.s32 s1, s30  }
0xba: {  	s0 =	sor.u32 s3, s0;
	s1 =	sshll.u32 s1, $0x11  }
0xbb: {  	s0 =	sor.u32 s1, s0  }
0xbc: {  	s0 =	sadd.s32 $0x8F2B, s0  }
0xbd: {  	[sflag:s0] =	ssyncadd.remote.s32 $0x1  }
0xbe: {  	_ =	sfence.sel $0xFFFF  }
0xbf: {  	[dreg:$0x0] =	wrdreg $0xFFFFFFFF;
	(pc) =	sbr.abs _section_cstart, $3  }
0xc0: {  	[dreg:$0x1] =	wrdreg $0xFFFFFFFF  }
0xc1: {  	_ =	task.clear_ibuf [dreg:s6], $0x2FFFF;
	_ =	strace $0x9FFFFFFF  }
0xc2: {  	(tm) =	ssettm $0x7FFFFFFF  }
0xc3: {  	_ =	shalt  }
tec
execute0_lowered:
.L_overlay_start_1:
0x0: {  	(tag) =	ssettag $0x1  }
0x1: {  	s0 =	rddreg [dreg:$0x0]  }
0x2: {  	s2 =	rddreg [dreg:$0x1]  }
0x3: {  	s1 =	srdreg.scid;
	s10 =	stileid.u32  }
0x4: {  	s18 =	simm.s32 $0x0;
	s19 =	simm.s32 $0x1;
	s20 =	simm.s32 $0x2800  }
0x5: {  	s30 =	simm.s32 $0x80;
	s17 =	simm.s32 $0x4810;
	s21 =	simm.s32 $0x2A80  }
0x6: {  	s22 =	simm.s32 $0x5810;
	s23 =	simm.s32 $0x2B00;
	s24 =	simm.s32 $0x6010  }
0x7: {  	s25 =	simm.s32 $0x2B80;
	s1 =	sand.u32 $0x1, s1;
	s3 =	smul.u32 $0x2800, s10  }
0x8: {  	[smem:$0x7FF] =	sst s18;
	s4 =	sadd.s32 $0x7000, s0;
	s7 =	smul.u32 $0xA000, s10  }
0x9: {  	s5 =	sadd.s32 $0x2000, s0;
	s10 =	smul.u32 $0x28, s10;
	s11 =	sadd.s32 $0x2030, s0  }
0xa: {  	s12 =	sadd.s32 $0x2040, s0;
	s13 =	sadd.s32 $0x2050, s0;
	s14 =	sadd.s32 $0x2060, s0  }
0xb: {  	s15 =	sadd.s32 $0x2070, s0;
	s6 =	smul.u32 $0x28000, s1;
	s8 =	ssub.s32 $0x2, s1  }
0xc: {  	_ =	strace $0x80000047;
	s1 =	smul.u32 $0x280, s1;
	s9 =	sshrl.u32 s8, $0x1  }
0xd: {  	s7 =	sshrl.u32 s7, $0x2;
	s28 =	sadd.s32 s3, s2;
	s6 =	sadd.s32 s3, s6  }
0xe: {  	s16 =	ssub.s32 s8, s9;
	s7 =	sadd.s32 s7, s2;
	s1 =	sadd.s32 s10, s1  }
0xf: {  	s9 =	sadd.s32 $0x2010, s0;
	s10 =	sadd.s32 $0x2020, s0;
	s3 =	simm.s32 $0x5010  }
0x10: {  	[dreg:$0x4] =	wrdreg s28;
	s6 =	sshrl.u32 s6, $0x3;
	s26 =	sadd.s32 $0x2000, s7  }
0x11: {  	s8 =	sshll.u32 s1, $0x4;
	s31 =	smax.u32 s16, $0x1;
	s7 =	simm.s32 $0x4010  }
0x12: {  	s16 =	simm.s32 $0x2980;
	s6 =	sadd.s32 s6, s0;
	[dreg:$0x5] =	wrdreg s26  }
0x13: {  	v0 =	vimm.f32 $0.0e+00;
	vm0 =	vcmask $0x300;
	s1 =	simm.s32 $0x3010;
	[dreg:$0x7] =	wrdreg s31;
	s29 =	sadd.s32 $0xC000, s6  }
0x14: {  	v1 =	vsel vm0, $0x3F800000, v0;
	s26 =	simm.s32 $0x6810;
	s6 =	simm.s32 $0x2A00;
	[dreg:$0x6] =	wrdreg s29  }
.LBB2_1:
0x15: {  	[dreg:$0x3] =	wrdreg s18;
	s18 =	simm.s32 $0x40;
	s0 =	simm.s32 $0x0  }
.LBB2_2:
0x16: {  	p0 =	sne.s32 s18, $0xFFC0;
	[tilespmem:s0+$0x3010] =	vst v0;
	s0 =	smov.u32 s18;
	s18 =	sadd.s32 $0x40, s18  }
.Ltmp0:
0x17: {  	(pc) =	sbr.rel @p0 .LBB2_2-.Ltmp0, $2  }
0x18: {  	_ =	sdelay $0x2  }
0x19: {  	s0 =	sshra.s32 s0, $0x2  }
0x1a: {  	[tilespmem:s0+$0x3010] =	vst v0;
	s18 =	simm.s32 $0x3010  }
0x1b: {  	[spmem:s28] =	stream.linear.scatter [tilespmem:s18], [sflag:$0x1], $0x2000, $0x38;
	[tilespmem:$0x7010] =	vst v63  }
0x1c: {  	_ =	swait.ge [sflag:s19], $0x2000  }
0x1d: {  	[sflag:s19] =	ssyncset.done $0x0  }
0x1e: {  	s31 =	rddreg [dreg:$0x5];
	[sflag:s19] =	ssyncadd.s32 $0xFFFFE000  }
0x1f: {  	[spmem:s31] =	stream.linear.scatter [tilespmem:s18], [sflag:$0x1], $0x800, $0x38;
	[tilespmem:$0x7010] =	vst v63  }
0x20: {  	_ =	swait.ge [sflag:s19], $0x800  }
0x21: {  	[sflag:s19] =	ssyncset.done $0x0  }
0x22: {  	[sflag:s19] =	ssyncadd.s32 $0xFFFFF800  }
0x23: {  	s29 =	simm.s32 $0x0;
	s28 =	simm.s32 $0x0;
	[bflag:$0x0] =	sbarrier.arrive $0xFFFF  }
.LBB2_4:
0x24: {  	s0 =	sshll.u32 s29, $0x7  }
0x25: {  	s0 =	sadd.s32 s8, s0  }
0x26: {  	s18 =	sadd.s32 s4, s0  }
0x27: {  	[tilespmem:s20], [sflag:$0x1] =	stream.linear.gather [hbm4b:s18+s28], $0x400, $0x38;
	[tilespmem:$0x7010] =	vst v63  }
0x28: {  	_ =	swait.ge [sflag:s19], $0x400  }
0x29: {  	[sflag:s19] =	ssyncset.done $0x0  }
0x2a: {  	s31 =	simm.s32 $0x2C00;
	s18 =	sadd.s32 s5, s0;
	[sflag:s19] =	ssyncadd.s32 $0xFFFFFC00  }
0x2b: {  	[tilespmem:s31], [sflag:$0x1] =	stream.linear.gather [hbm4b:s18+s28], $0x80, $0x38;
	[tilespmem:$0x7010] =	vst v63  }
0x2c: {  	_ =	swait.ge [sflag:s19], $0x80  }
0x2d: {  	[sflag:s19] =	ssyncset.done $0x0  }
0x2e: {  	s18 =	sadd.s32 s0, s9;
	s31 =	simm.s32 $0x2C80;
	[sflag:s19] =	ssyncadd.s32 $0xFFFFFF80  }
0x2f: {  	[tilespmem:s31], [sflag:$0x1] =	stream.linear.gather [hbm4b:s18+s28], $0x80, $0x38;
	[tilespmem:$0x7010] =	vst v63  }
0x30: {  	_ =	swait.ge [sflag:s19], $0x80  }
0x31: {  	[sflag:s19] =	ssyncset.done $0x0  }
0x32: {  	s18 =	sadd.s32 s0, s10;
	s31 =	simm.s32 $0x2D00;
	[sflag:s19] =	ssyncadd.s32 $0xFFFFFF80  }
0x33: {  	[tilespmem:s31], [sflag:$0x1] =	stream.linear.gather [hbm4b:s18+s28], $0x80, $0x38;
	[tilespmem:$0x7010] =	vst v63  }
0x34: {  	_ =	swait.ge [sflag:s19], $0x80  }
0x35: {  	[sflag:s19] =	ssyncset.done $0x0  }
0x36: {  	s18 =	sadd.s32 s0, s11;
	s31 =	simm.s32 $0x2D80;
	[sflag:s19] =	ssyncadd.s32 $0xFFFFFF80  }
0x37: {  	[tilespmem:s31], [sflag:$0x1] =	stream.linear.gather [hbm4b:s18+s28], $0x80, $0x38;
	[tilespmem:$0x7010] =	vst v63  }
0x38: {  	_ =	swait.ge [sflag:s19], $0x80  }
0x39: {  	[sflag:s19] =	ssyncset.done $0x0  }
0x3a: {  	s18 =	sadd.s32 s0, s12;
	s31 =	simm.s32 $0x2E00;
	[sflag:s19] =	ssyncadd.s32 $0xFFFFFF80  }
0x3b: {  	[tilespmem:s31], [sflag:$0x1] =	stream.linear.gather [hbm4b:s18+s28], $0x80, $0x38;
	[tilespmem:$0x7010] =	vst v63  }
0x3c: {  	_ =	swait.ge [sflag:s19], $0x80  }
0x3d: {  	[sflag:s19] =	ssyncset.done $0x0  }
0x3e: {  	s18 =	sadd.s32 s0, s13;
	s31 =	simm.s32 $0x2E80;
	[sflag:s19] =	ssyncadd.s32 $0xFFFFFF80  }
0x3f: {  	[tilespmem:s31], [sflag:$0x1] =	stream.linear.gather [hbm4b:s18+s28], $0x80, $0x38;
	[tilespmem:$0x7010] =	vst v63  }
0x40: {  	_ =	swait.ge [sflag:s19], $0x80  }
0x41: {  	[sflag:s19] =	ssyncset.done $0x0  }
0x42: {  	s18 =	sadd.s32 s0, s14;
	s31 =	simm.s32 $0x2F00;
	[sflag:s19] =	ssyncadd.s32 $0xFFFFFF80  }
0x43: {  	[tilespmem:s31], [sflag:$0x1] =	stream.linear.gather [hbm4b:s18+s28], $0x80, $0x38;
	[tilespmem:$0x7010] =	vst v63  }
0x44: {  	_ =	swait.ge [sflag:s19], $0x80  }
0x45: {  	[sflag:s19] =	ssyncset.done $0x0  }
0x46: {  	s0 =	sadd.s32 s0, s15;
	s18 =	simm.s32 $0x2F80;
	[sflag:s19] =	ssyncadd.s32 $0xFFFFFF80  }
0x47: {  	[tilespmem:s18], [sflag:$0x1] =	stream.linear.gather [hbm4b:s0+s28], $0x80, $0x38;
	[tilespmem:$0x7010] =	vst v63  }
0x48: {  	_ =	swait.ge [sflag:s19], $0x80  }
0x49: {  	[sflag:s19] =	ssyncset.done $0x0  }
0x4a: {  	s18 =	simm.s32 $0x0;
	[sflag:s19] =	ssyncadd.s32 $0xFFFFFF80  }
0x4b: {  	v2 =	vld.msk [tilespmem:s18+$0x2C00 ss:$0x0], $0xffff;
	_ =	sdelay $0x4  }
0x4c: {  	v2 =	vmul.f32 v1, v2  }
0x4d: {  	s31 =	simm.s32 $0x3010  }
0x4e: {  	s0 =	simm.s32 $0x1;
	s18 =	simm.s32 $0x8;
	[tilespmem:s31+$0x0] =	vst v2  }
.LBB2_5:
0x4f: {  	p0 =	sne.s32 s18, $0xFFC;
	v2 =	vld.msk [tilespmem:s0+$0x2C00 ss:$0x0], $0xffff;
	_ =	sdelay $0x3  }
.Ltmp1:
0x50: {  	(pc) =	sbr.rel @p0 .LBB2_5-.Ltmp1, $4  }
0x51: {  	_ = 	snop  }
0x52: {  	v2 =	vmul.f32 v1, v2  }
0x53: {  	s31 =	sadd.s32 $0x10, s31  }
0x54: {  	s0 =	sshra.s32 s18, $0x2;
	s18 =	sadd.s32 $0x4, s18;
	[tilespmem:s31+$0x0] =	vst v2  }
0x55: {  	v2 =	vld.msk [tilespmem:s0+$0x2C00 ss:$0x0], $0xffff;
	_ =	sdelay $0x4  }
0x56: {  	v2 =	vmul.f32 v1, v2  }
0x57: {  	s18 =	sadd.s32 $0x10, s31  }
0x58: {  	[tilespmem:s18+$0x0] =	vst v2  }
0x59: {  	[spmem:s2] =	stream.indirect.scatter.add.f32 [tilespmem:s1], [sflag:$0x1], $0x10, s20, s30, $0xb8;
	[tilespmem:$0x7010] =	vst v63  }
0x5a: {  	_ =	swait.ge [sflag:s19], $0x800  }
0x5b: {  	[sflag:s19] =	ssyncset.done $0x0  }
0x5c: {  	s31 =	simm.s32 $0x2880;
	s18 =	simm.s32 $0x3810;
	[sflag:s19] =	ssyncadd.s32 $0xFFFFF800  }
0x5d: {  	[spmem:s2] =	stream.indirect.scatter.add.f32 [tilespmem:s18], [sflag:$0x1], $0x10, s31, s30, $0xb8;
	[tilespmem:$0x7010] =	vst v63  }
0x5e: {  	_ =	swait.ge [sflag:s19], $0x800  }
0x5f: {  	[sflag:s19] =	ssyncset.done $0x0  }
0x60: {  	s31 =	simm.s32 $0x2900;
	[sflag:s19] =	ssyncadd.s32 $0xFFFFF800  }
0x61: {  	[spmem:s2] =	stream.indirect.scatter.add.f32 [tilespmem:s7], [sflag:$0x1], $0x10, s31, s30, $0xb8;
	[tilespmem:$0x7010] =	vst v63  }
0x62: {  	_ =	swait.ge [sflag:s19], $0x800  }
0x63: {  	[sflag:s19] =	ssyncset.done $0x0  }
0x64: {  	[sflag:s19] =	ssyncadd.s32 $0xFFFFF800  }
0x65: {  	[spmem:s2] =	stream.indirect.scatter.add.f32 [tilespmem:s17], [sflag:$0x1], $0x10, s16, s30, $0xb8;
	[tilespmem:$0x7010] =	vst v63  }
0x66: {  	_ =	swait.ge [sflag:s19], $0x800  }
0x67: {  	[sflag:s19] =	ssyncset.done $0x0  }
0x68: {  	[sflag:s19] =	ssyncadd.s32 $0xFFFFF800  }
0x69: {  	[spmem:s2] =	stream.indirect.scatter.add.f32 [tilespmem:s3], [sflag:$0x1], $0x10, s6, s30, $0xb8;
	[tilespmem:$0x7010] =	vst v63  }
0x6a: {  	_ =	swait.ge [sflag:s19], $0x800  }
0x6b: {  	[sflag:s19] =	ssyncset.done $0x0  }
0x6c: {  	[sflag:s19] =	ssyncadd.s32 $0xFFFFF800  }
0x6d: {  	[spmem:s2] =	stream.indirect.scatter.add.f32 [tilespmem:s22], [sflag:$0x1], $0x10, s21, s30, $0xb8;
	[tilespmem:$0x7010] =	vst v63  }
0x6e: {  	_ =	swait.ge [sflag:s19], $0x800  }
0x6f: {  	[sflag:s19] =	ssyncset.done $0x0  }
0x70: {  	[sflag:s19] =	ssyncadd.s32 $0xFFFFF800  }
0x71: {  	[spmem:s2] =	stream.indirect.scatter.add.f32 [tilespmem:s24], [sflag:$0x1], $0x10, s23, s30, $0xb8;
	[tilespmem:$0x7010] =	vst v63  }
0x72: {  	s29 =	sadd.s32 $0x1, s29;
	_ =	swait.ge [sflag:s19], $0x800  }
0x73: {  	p0 =	sne.s32 s29, $0x5;
	[sflag:s19] =	ssyncset.done $0x0  }
.Ltmp2:
0x74: {  	[sflag:s19] =	ssyncadd.s32 $0xFFFFF800;
	(pc) =	sbr.rel @p0 .LBB2_4-.Ltmp2, $4  }
0x75: {  	[spmem:s2] =	stream.indirect.scatter.add.f32 [tilespmem:s26], [sflag:$0x1], $0x10, s25, s30, $0xb8;
	[tilespmem:$0x7010] =	vst v63  }
0x76: {  	_ =	swait.ge [sflag:s19], $0x800  }
0x77: {  	[sflag:s19] =	ssyncset.done $0x0  }
0x78: {  	[sflag:s19] =	ssyncadd.s32 $0xFFFFF800  }
0x79: {  	s0 =	stileid.u32;
	[bflag:$0x0] =	sbarrier.arrive $0xFFFF  }
0x7a: {  	s0 =	sshll.u32 s0, $0x6;
	s28 =	rddreg [dreg:$0x4]  }
0x7b: {  	s29 =	rddreg [dreg:$0x6];
	s0 =	sor.u32 $0x1C01, s0;
	s18 =	sshrl.u32 s28, $0x3  }
0x7c: {  	[hbm:s29], [sflag:s0] =	dma.local [spmem:s18], $0x500  }
0x7d: {  	_ =	swait.ge [sflag:s19], $0x500  }
0x7e: {  	s29 =	rddreg [dreg:$0x3]  }
0x7f: {  	s31 =	rddreg [dreg:$0x7];
	s18 =	sadd.s32 $0x1, s29  }
0x80: {  	p0 =	sne.s32 s18, s31  }
.Ltmp3:
0x81: {  	_ = 	snop;
	(pc) =	sbr.rel @p0 .LBB2_1-.Ltmp3, $3  }
0x82: {  	_ =	sdelay $0x1  }
0x83: {  	[sflag:s19] =	ssyncset.done $0x0  }
0x84: {  	[sflag:s19] =	ssyncadd.s32 $0xFFFFFB00  }
0x85: {  	_ =	sfence.sel $0x180000  }
0x86: {  	[bflag:$0x0] =	sbarrier.arrive $0xFFFF  }
0x87: {  	_ =	strace $0x90000047  }
0x88: {  	s0 =	stileid.u32;
	[bflag:$0x2] =	sbarrier.arrive $0xFFFF  }
0x89: {  	p0 =	sne.s32 s0, $0x0;
	s0 =	rddreg [dreg:$0x2]  }
0x8a: {  	s0 =	sadd.s32 @!p0 $0x100000, s0  }
0x8b: {  	[sflag:s0] =	ssyncadd.tile.s32 @!p0 $0x1;
	_ =	shalt  }
.Lfunc_end2:
_tile_overlayer_lowered:
.L_overlay_start_2:
0x8c: {  	(tag) =	ssettag $0x2  }
0x8d: {  	s0 =	rddreg [dreg:$0x0];
	s2 =	stileid.u32  }
0x8e: {  	s1 =	rddreg [dreg:$0x1];
	p0 =	sne.s32 s2, $0x0  }
0x8f: {  	s3 =	rddreg [dreg:$0x2];
	[bflag:$0x3] =	sbarrier.arrive $0xFFFF;
	s2 =	simm.s32 @!p0 $0x1C01  }
0x90: {  	[timem:s3], [sflag:s2] =	dma.local @!p0 [hbm:s0], s1  }
0x91: {  	s0 =	simm.s32 @!p0 $0x1  }
0x92: {  	_ =	swait.ge @!p0 [sflag:s0], s1  }
0x93: {  	s1 =	ssub.s32 @!p0 $0x0, s1;
	[sflag:s0] =	ssyncset.done @!p0 $0x0  }
0x94: {  	[sflag:s0] =	ssyncadd.s32 @!p0 s1  }
0x95: {  	[bflag:$0x3] =	sbarrier.arrive $0xFFFF  }
0x96: {  	_ =	shalt  }

</sc_bundles>
